<compile_context>
chip_gen: v7x
topology: tpu7x:2x2x1
jax: 0.10.2.dev20260603
libtpu: 0.0.44.dev20260713+nightly
codegen_flags: <defaults>
</compile_context>

<pallas_src>
import functools

import jax
import jax.numpy as jnp
from jax import lax
from jax.experimental import pallas as pl
from jax.experimental.pallas import tpu as pltpu
from jax.experimental.pallas import tpu_sc as plsc

N = 10000
K = 16
IN_DIM = 256
C = 256
OUT_DIM = 512
R = N * K
EPS = 1e-5

NW = 32

CB = 8
NPAD = 10240
RPAD = NPAD * K
NT = 10112
CPW = NPAD // NW
NCHUNK = CPW // CB
ROWS_PER_CHUNK = CB * K
PER_W = RPAD // NW

def _sc_mesh():
    return plsc.VectorSubcoreMesh(core_axis_name="c", subcore_axis_name="s",
                                  num_cores=2, num_subcores=16)


def _sc_gather_hist(nbr_hbm, ptsT_hbm, zeros_hbm, ones_hbm,
                    nbp_hbm, cnt_hbm,
                    idx_v, px_v, py_v, pz_v, rows_v, ones_v, cnt_sh):
    c = lax.axis_index("c")
    s = lax.axis_index("s")
    wid = s * 2 + c
    base = wid * PER_W

    pltpu.sync_copy(nbr_hbm.at[pl.ds(base, PER_W)], idx_v)
    pltpu.sync_copy(ptsT_hbm.at[pl.ds(0, NT)], px_v)
    pltpu.sync_copy(ptsT_hbm.at[pl.ds(NT, NT)], py_v)
    pltpu.sync_copy(ptsT_hbm.at[pl.ds(2 * NT, NT)], pz_v)

    @pl.when(s == 0)
    def _():
        pltpu.sync_copy(zeros_hbm, cnt_sh)

    plsc.subcore_barrier()
    pltpu.sync_copy(ones_hbm, ones_v)
    pltpu.sync_copy(ones_v, cnt_sh.at[idx_v], add=True)

    zero16 = jnp.zeros((16,), jnp.float32)
    ii = lax.iota(jnp.int32, 16)

    def group(g, _):
        jv = g * 16
        nv = idx_v[pl.ds(jv, 16)]
        cid = lax.shift_right_logical(base + jv + ii, 4)
        nx = plsc.load_gather(px_v, [nv])
        ny = plsc.load_gather(py_v, [nv])
        nz = plsc.load_gather(pz_v, [nv])
        rx = plsc.load_gather(px_v, [cid]) - nx
        ry = plsc.load_gather(py_v, [cid]) - ny
        rz = plsc.load_gather(pz_v, [cid]) - nz
        d2 = rx * rx + ry * ry + rz * rz
        flat = (ii + jv) * 8
        plsc.store_scatter(rows_v, [flat], d2)
        plsc.store_scatter(rows_v, [flat + 1], rx)
        plsc.store_scatter(rows_v, [flat + 2], ry)
        plsc.store_scatter(rows_v, [flat + 3], rz)
        plsc.store_scatter(rows_v, [flat + 4], nx)
        plsc.store_scatter(rows_v, [flat + 5], ny)
        plsc.store_scatter(rows_v, [flat + 6], nz)
        plsc.store_scatter(rows_v, [flat + 7], zero16)
        return 0

    lax.fori_loop(0, PER_W // 16, group, 0)

    pltpu.sync_copy(rows_v, nbp_hbm.at[pl.ds(base * 8, PER_W * 8)])

    plsc.subcore_barrier()

    @pl.when(s == 0)
    def _():
        pltpu.sync_copy(cnt_sh, cnt_hbm.at[pl.ds(c * NT, NT)])


def _run_sc_gather_hist(nbr_pad, ptsT):
    zeros = jnp.zeros((NT,), jnp.float32)
    ones = jnp.ones((PER_W,), jnp.float32)
    kern = pl.kernel(
        _sc_gather_hist,
        out_type=(
            jax.ShapeDtypeStruct((RPAD * 8,), jnp.float32),
            jax.ShapeDtypeStruct((2 * NT,), jnp.float32),
        ),
        mesh=_sc_mesh(),
        compiler_params=pltpu.CompilerParams(needs_layout_passes=False),
        scratch_types=[
            pltpu.VMEM((PER_W,), jnp.int32),
            pltpu.VMEM((NT,), jnp.float32),
            pltpu.VMEM((NT,), jnp.float32),
            pltpu.VMEM((NT,), jnp.float32),
            pltpu.VMEM((PER_W * 8,), jnp.float32),
            pltpu.VMEM((PER_W,), jnp.float32),
            pltpu.MemorySpace.VMEM_SHARED((NT,), jnp.float32),
        ],
    )
    return kern(nbr_pad, ptsT, zeros, ones)


C32 = C // 2


def _acc_chunk(buf, slab):

    def center(cc, _):
        rb = cc * K
        for j in range(C32 // 16):
            sl = pl.ds(j * 16, 16)
            v = [plsc.bitcast(buf[rb + r, sl], jnp.bfloat16)
                 for r in range(K)]
            while len(v) > 1:
                v = [v[2 * t] + v[2 * t + 1] for t in range(len(v) // 2)]
            slab[cc, sl] = plsc.bitcast(v[0], jnp.int32)
        return 0

    lax.fori_loop(0, CB, center, 0)


def _sc_gather_pool(nbr_hbm, z_hbm, out_hbm,
                    idx_all, buf0, buf1, slab0, slab1, sem0, sem1):
    c = lax.axis_index("c")
    s = lax.axis_index("s")
    wid = s * 2 + c
    fbase = wid * CPW * K
    cbase = wid * CPW

    pltpu.sync_copy(nbr_hbm.at[pl.ds(fbase, CPW * K)], idx_all)

    def islice(g):
        return idx_all.at[pl.ds(g * ROWS_PER_CHUNK, ROWS_PER_CHUNK)]

    def fire(g, buf, sem):
        return pltpu.async_copy(z_hbm.at[islice(g)], buf, sem)

    fire(0, buf0, sem0)

    def step(t, _):
        g0 = 2 * t
        fire(g0 + 1, buf1, sem1)
        pltpu.make_async_copy(z_hbm.at[islice(g0)], buf0, sem0).wait()
        _acc_chunk(buf0, slab0)
        pltpu.sync_copy(slab0, out_hbm.at[pl.ds(cbase + g0 * CB, CB)])

        @pl.when(g0 + 2 < NCHUNK)
        def _():
            fire(g0 + 2, buf0, sem0)

        pltpu.make_async_copy(z_hbm.at[islice(g0 + 1)], buf1, sem1).wait()
        _acc_chunk(buf1, slab1)
        pltpu.sync_copy(slab1, out_hbm.at[pl.ds(cbase + (g0 + 1) * CB, CB)])
        return 0

    lax.fori_loop(0, NCHUNK // 2, step, 0)


def _run_sc_gather_pool(nbr_pad_flat, z):
    kern = pl.kernel(
        _sc_gather_pool,
        out_type=jax.ShapeDtypeStruct((NPAD, C32), jnp.int32),
        mesh=_sc_mesh(),
        compiler_params=pltpu.CompilerParams(needs_layout_passes=False),
        scratch_types=[
            pltpu.VMEM((CPW * K,), jnp.int32),
            pltpu.VMEM((ROWS_PER_CHUNK, C32), jnp.int32),
            pltpu.VMEM((ROWS_PER_CHUNK, C32), jnp.int32),
            pltpu.VMEM((CB, C32), jnp.int32),
            pltpu.VMEM((CB, C32), jnp.int32),
            pltpu.SemaphoreType.DMA,
            pltpu.SemaphoreType.DMA,
        ],
    )
    return kern(nbr_pad_flat, z)


_BR = 1000
_BC = 80
_BP = _BC * K
_PREC = lax.Precision.HIGHEST
_PREC_SUM = lax.Precision.DEFAULT


def _tc_linstats_body(x_ref, w_ref, b_ref, c8_ref, y_ref, s1_ref, s2_ref):
    y = (jnp.dot(x_ref[...], w_ref[...], preferred_element_type=jnp.float32,
                 precision=_PREC) + b_ref[...])
    y_ref[...] = y

    @pl.when(pl.program_id(0) == 0)
    def _():
        s1_ref[...] = jnp.zeros_like(s1_ref)
        s2_ref[...] = jnp.zeros_like(s2_ref)

    dn0 = (((0,), (0,)), ((), ()))
    c8 = c8_ref[...]
    s1_ref[...] += lax.dot_general(c8, y, dn0,
                                   preferred_element_type=jnp.float32,
                                   precision=_PREC_SUM)
    s2_ref[...] += lax.dot_general(c8, y * y, dn0,
                                   preferred_element_type=jnp.float32,
                                   precision=_PREC_SUM)


def _run_tc_linstats(feats, wt, bias, counts8):
    return pl.pallas_call(
        _tc_linstats_body,
        grid=(N // _BR,),
        in_specs=[
            pl.BlockSpec((_BR, IN_DIM), lambda i: (i, 0)),
            pl.BlockSpec((IN_DIM, C), lambda i: (0, 0)),
            pl.BlockSpec((1, C), lambda i: (0, 0)),
            pl.BlockSpec((_BR, 8), lambda i: (i, 0)),
        ],
        out_specs=[
            pl.BlockSpec((_BR, C), lambda i: (i, 0)),
            pl.BlockSpec((8, C), lambda i: (0, 0)),
            pl.BlockSpec((8, C), lambda i: (0, 0)),
        ],
        out_shape=[
            jax.ShapeDtypeStruct((N, C), jnp.float32),
            jax.ShapeDtypeStruct((8, C), jnp.float32),
            jax.ShapeDtypeStruct((8, C), jnp.float32),
        ],
    )(feats, wt, bias, counts8)


def _tc_affine_relu_body(y_ref, sc_ref, sh_ref, o_ref):
    z = jnp.maximum(y_ref[...] * sc_ref[...] + sh_ref[...], 0.0)
    zb = z.astype(jnp.bfloat16)
    u = lax.bitcast_convert_type(zb, jnp.uint16).astype(jnp.int32)
    o_ref[...] = u[:, :C32] | (u[:, C32:] << 16)


def _run_tc_affine_relu(y, scale, shift):
    return pl.pallas_call(
        _tc_affine_relu_body,
        grid=(N // _BR,),
        in_specs=[
            pl.BlockSpec((_BR, C), lambda i: (i, 0)),
            pl.BlockSpec((1, C), lambda i: (0, 0)),
            pl.BlockSpec((1, C), lambda i: (0, 0)),
        ],
        out_specs=pl.BlockSpec((_BR, C32), lambda i: (i, 0)),
        out_shape=jax.ShapeDtypeStruct((N, C32), jnp.int32),
    )(y, scale, shift)


def _tc_posfeat_body(x_ref, m0_ref, e0_ref, e7_ref, bm_ref, g_ref):
    x = x_ref[...]
    dist = jnp.sqrt(x[:, 0:1])
    bm = x * m0_ref[...] + dist * e0_ref[...] + e7_ref[...]
    bm_ref[...] = bm

    @pl.when(pl.program_id(0) == 0)
    def _():
        g_ref[...] = jnp.zeros_like(g_ref)

    g_ref[...] += lax.dot_general(bm, bm, (((0,), (0,)), ((), ())),
                                  preferred_element_type=jnp.float32,
                                  precision=_PREC_SUM)


def _run_tc_posfeat(nbp8, m0, e0, e7):
    return pl.pallas_call(
        _tc_posfeat_body,
        grid=(N // _BC,),
        in_specs=[
            pl.BlockSpec((_BP, 8), lambda i: (i, 0)),
            pl.BlockSpec((1, 8), lambda i: (0, 0)),
            pl.BlockSpec((1, 8), lambda i: (0, 0)),
            pl.BlockSpec((1, 8), lambda i: (0, 0)),
        ],
        out_specs=[
            pl.BlockSpec((_BP, 8), lambda i: (i, 0)),
            pl.BlockSpec((8, 8), lambda i: (0, 0)),
        ],
        out_shape=[
            jax.ShapeDtypeStruct((R, 8), jnp.float32),
            jax.ShapeDtypeStruct((8, 8), jnp.float32),
        ],
    )(nbp8, m0, e0, e7)


def _tc_posapply_body(bm_ref, w_ref, o_ref):
    pre = jnp.dot(bm_ref[...], w_ref[...],
                  preferred_element_type=jnp.float32, precision=_PREC_SUM)
    z = jnp.maximum(pre, 0.0)
    o_ref[...] = jnp.sum(z.reshape(_BC, K, C), axis=1)


def _run_tc_posapply(bm, bw):
    return pl.pallas_call(
        _tc_posapply_body,
        grid=(N // _BC,),
        in_specs=[
            pl.BlockSpec((_BP, 8), lambda i: (i, 0)),
            pl.BlockSpec((8, C), lambda i: (0, 0)),
        ],
        out_specs=pl.BlockSpec((_BC, C), lambda i: (i, 0)),
        out_shape=jax.ShapeDtypeStruct((N, C), jnp.float32),
    )(bm, bw)


def kernel(points, neighbors, feats, pos_W, pos_b, feat_W, feat_b,
           pos_gamma, pos_beta, feat_gamma, feat_beta):
    nbr_pad = jnp.concatenate(
        [neighbors.reshape(-1),
         jnp.full((RPAD - R,), N, jnp.int32)])
    ptsT = jnp.pad(points.T, ((0, 0), (0, NT - N))).reshape(-1)

    nbp_flat, cnt_flat = _run_sc_gather_hist(nbr_pad, ptsT)
    cnt_part = cnt_flat.reshape(2, NT)
    nbp8 = nbp_flat.reshape(RPAD, 8)[:R]

    counts8 = jnp.pad(cnt_part[:, :N].T, ((0, 0), (0, 6)))

    y, s1, s2 = _run_tc_linstats(feats, feat_W.T, feat_b.reshape(1, C),
                                 counts8)
    mean = (s1[0] + s1[1]) / R
    var = (s2[0] + s2[1]) / R - mean * mean
    fscale = feat_gamma / jnp.sqrt(var + EPS)
    fshift = feat_beta - mean * fscale
    z = _run_tc_affine_relu(y, fscale.reshape(1, C), fshift.reshape(1, C))

    z32 = jnp.pad(z, ((0, NT - N), (0, 0)))
    out32 = _run_sc_gather_pool(nbr_pad, z32)[:N]
    lo = (out32 & 0xFFFF).astype(jnp.uint16)
    hi = ((out32 >> 16) & 0xFFFF).astype(jnp.uint16)
    feat_out = lax.bitcast_convert_type(
        jnp.concatenate([lo, hi], axis=1), jnp.bfloat16).astype(jnp.float32)

    m0 = jnp.zeros((1, 8), jnp.float32).at[0, 1:7].set(1.0)
    e0_8 = jnp.zeros((1, 8), jnp.float32).at[0, 0].set(1.0)
    e7_8 = jnp.zeros((1, 8), jnp.float32).at[0, 7].set(1.0)
    bm, g8 = _run_tc_posfeat(nbp8, m0, e0_8, e7_8)

    ell = jnp.zeros((16, 8), jnp.float32)
    ell = ell.at[0, 0].set(1.0).at[15, 7].set(1.0)
    for axis in range(3):
        ell = (ell.at[1 + axis, 1 + axis].set(1.0)
                  .at[4 + axis, 1 + axis].set(1.0)
                  .at[4 + axis, 4 + axis].set(1.0)
                  .at[7 + axis, 4 + axis].set(1.0))
    g = ell @ g8 @ ell.T

    wext = jnp.zeros((C, 16), jnp.float32)
    wext = wext.at[:, :10].set(pos_W).at[:, 15].set(pos_b)
    pmean = (wext @ g[:, 15]) / R
    pe2 = jnp.einsum("ci,ij,cj->c", wext, g, wext) / R
    pvar = pe2 - pmean * pmean
    pscale = pos_gamma / jnp.sqrt(pvar + EPS)
    pshift = pos_beta - pmean * pscale
    wfold = (wext * pscale[:, None]).T
    wfold = wfold.at[15, :].add(pshift)
    bw = ell.T @ wfold

    pos_out = _run_tc_posapply(bm, bw)

    return jnp.concatenate([feat_out, pos_out], axis=1)

# --- scband reference (transcript-rebuilt; emitter-appended) ---
"""Pipeline reference for scband-pos-encoding-9723805958413 (READ-ONLY COPY).

The authoritative reference and input builder live on the scoring server;
editing this copy changes nothing except your own understanding.
"""

import jax, jax.numpy as jnp
import numpy as np

N = 10000
K = 16
IN_DIM = 256
OUT_DIM = 512
C = OUT_DIM // 2  # 256
EPS = 1e-5


def _linear_params(key, fan_in, fan_out):
    # mimic torch kaiming_uniform default Linear init
    kw, kb = jax.random.split(key)
    bound_w = np.sqrt(1.0 / fan_in) * np.sqrt(3.0) / np.sqrt(3.0)  # ~U(-1/sqrt(fan_in),..) scale
    bound = 1.0 / np.sqrt(fan_in)
    W = jax.random.uniform(kw, (fan_out, fan_in), jnp.float32, -bound, bound)
    b = jax.random.uniform(kb, (fan_out,), jnp.float32, -bound, bound)
    return W, b


def setup_inputs(seed: int = 0) -> dict:
    key = jax.random.key(seed)
    ks = jax.random.split(key, 6)
    points = jax.random.normal(ks[0], (N, 3), dtype=jnp.float32)
    feats = jax.random.normal(ks[1], (N, IN_DIM), dtype=jnp.float32)
    # neighbor indices in [0, N); avoid self-loops so relative_dis > 0 (sqrt differentiable)
    offs = jax.random.randint(ks[2], (N, K), 1, N, dtype=jnp.int32)
    neighbors = (jnp.arange(N, dtype=jnp.int32)[:, None] + offs) % N
    pos_W, pos_b = _linear_params(ks[3], 10, C)
    feat_W, feat_b = _linear_params(ks[4], IN_DIM, C)
    return {
        "points": points,
        "neighbors": neighbors,
        "feats": feats,
        "pos_W": pos_W, "pos_b": pos_b,
        "feat_W": feat_W, "feat_b": feat_b,
        "pos_gamma": jnp.ones((C,), jnp.float32), "pos_beta": jnp.zeros((C,), jnp.float32),
        "feat_gamma": jnp.ones((C,), jnp.float32), "feat_beta": jnp.zeros((C,), jnp.float32),
    }


def _bn_train(x, gamma, beta):
    # x: [N, C, L]; BatchNorm1d training-mode stats over (N, L) per channel, biased var
    mean = jnp.mean(x, axis=(0, 2), keepdims=True)
    var = jnp.mean((x - mean) ** 2, axis=(0, 2), keepdims=True)
    xhat = (x - mean) / jnp.sqrt(var + EPS)
    return gamma[None, :, None] * xhat + beta[None, :, None]


def reference(points, neighbors, feats, pos_W, pos_b, feat_W, feat_b,
              pos_gamma, pos_beta, feat_gamma, feat_beta):
    # --- pos_embedding ---
    padded_points = jnp.concatenate([points, jnp.zeros_like(points[:1, :]) + 1e6], axis=0)
    neighb_xyz = jnp.take(padded_points, neighbors, axis=0)          # [N, K, 3]
    xyz_tile = jnp.broadcast_to(points[:, None, :], (N, K, 3))       # [N, K, 3]
    relative_xyz = xyz_tile - neighb_xyz
    relative_dis = jnp.sqrt(jnp.sum(relative_xyz ** 2, axis=-1, keepdims=True))
    pos_feat = jnp.concatenate([relative_dis, relative_xyz, xyz_tile, neighb_xyz], axis=-1)  # [N,K,10]
    pos_embed = pos_feat @ pos_W.T + pos_b                            # [N, K, C]
    pos_embed = _bn_train(jnp.transpose(pos_embed, (0, 2, 1)), pos_gamma, pos_beta)
    pos_embed = jnp.transpose(pos_embed, (0, 2, 1))
    pos_embed = jax.nn.relu(pos_embed)
    # --- feature_embedding ---
    padded_feats = jnp.concatenate([feats, jnp.zeros_like(feats[:1, :])], axis=0)
    neighb_feats = jnp.take(padded_feats, neighbors, axis=0)          # [N, K, IN_DIM]
    feat_embed = neighb_feats @ feat_W.T + feat_b                     # [N, K, C]
    feat_embed = _bn_train(jnp.transpose(feat_embed, (0, 2, 1)), feat_gamma, feat_beta)
    feat_embed = jnp.transpose(feat_embed, (0, 2, 1))
    feat_embed = jax.nn.relu(feat_embed)
    # --- fuse ---
    fused = jnp.concatenate([feat_embed, pos_embed], axis=-1)         # [N, K, OUT_DIM]
    # AdaptiveAvgPool1d(OUT_DIM) on last dim of length OUT_DIM is identity
    fused = fused
    return jnp.sum(fused, axis=1)                                     # [N, OUT_DIM]

if __name__ == "__main__":
    import jax
    _d = setup_inputs()
    print(jax.jit(kernel)(*tuple(_d.values())))

</pallas_src>

<mosaic_0001>
#map = affine_map<(d0, d1) -> (0)>
module attributes {stable_mosaic.version = 14 : i64} {
  func.func @_sc_gather_hist(%arg0: i32, %arg1: i32, %arg2: memref<163840xi32, #tpu.memory_space<hbm>>, %arg3: memref<30336xf32, #tpu.memory_space<hbm>>, %arg4: memref<10112xf32, #tpu.memory_space<hbm>>, %arg5: memref<5120xf32, #tpu.memory_space<hbm>>, %arg6: memref<1310720xf32, #tpu.memory_space<hbm>>, %arg7: memref<20224xf32, #tpu.memory_space<hbm>>, %arg8: memref<5120xi32, #tpu.memory_space<vmem>>, %arg9: memref<10112xf32, #tpu.memory_space<vmem>>, %arg10: memref<10112xf32, #tpu.memory_space<vmem>>, %arg11: memref<10112xf32, #tpu.memory_space<vmem>>, %arg12: memref<40960xf32, #tpu.memory_space<vmem>>, %arg13: memref<5120xf32, #tpu.memory_space<vmem>>, %arg14: memref<10112xf32, #tpu.memory_space<vmem_shared>>) attributes {dimension_semantics = [#tpu.dimension_semantics<core_parallel>, #tpu.dimension_semantics<subcore_parallel>], iteration_bounds = array<i64: 2, 16>, scalar_prefetch = 0 : i64, scratch_operands = 7 : i64, tpu.core_type = #tpu.core_type<sc_vector_subcore>, window_params = [{transform_indices = #map}, {transform_indices = #map}, {transform_indices = #map}, {transform_indices = #map}, {transform_indices = #map}, {transform_indices = #map}]} {
    %mul3A = arith.constant 2 : i32
    %mul3A_0 = arith.muli %arg1, %mul3A : i32
    %add3A = arith.addi %mul3A_0, %arg0 : i32
    %mul3A_1 = arith.constant 5120 : i32
    %mul3A_2 = arith.muli %add3A, %mul3A_1 : i32
    "tpu.region"() ({
      %run_scoped3A = tpu.sem_alloc : memref<!tpu.dma_semaphore, #tpu.memory_space<semaphore_mem>>
      %dma_start3A = tpu.memref_slice %arg2[%mul3A_2] : memref<163840xi32, #tpu.memory_space<hbm>> -> memref<5120xi32, #tpu.memory_space<hbm>>
      %dma_start3A_20 = tpu.memref_slice %arg2[%mul3A_2] : memref<163840xi32, #tpu.memory_space<hbm>> -> memref<5120xi32, #tpu.memory_space<hbm>>
      tpu.enqueue_dma source(%dma_start3A_20 : memref<5120xi32, #tpu.memory_space<hbm>>) target(%arg8 : memref<5120xi32, #tpu.memory_space<vmem>>) target_semaphore(%run_scoped3A : memref<!tpu.dma_semaphore, #tpu.memory_space<semaphore_mem>>)
      %dma_wait3A = tpu.memref_slice %arg2[%mul3A_2] : memref<163840xi32, #tpu.memory_space<hbm>> -> memref<5120xi32, #tpu.memory_space<hbm>>
      %dma_wait3A_21 = tpu.memref_slice %arg2[%mul3A_2] : memref<163840xi32, #tpu.memory_space<hbm>> -> memref<5120xi32, #tpu.memory_space<hbm>>
      tpu.wait_dma2 semaphore(%run_scoped3A : memref<!tpu.dma_semaphore, #tpu.memory_space<semaphore_mem>>) src(%dma_wait3A_21 : memref<5120xi32, #tpu.memory_space<hbm>>) dst(%arg8 : memref<5120xi32, #tpu.memory_space<vmem>>)
      tpu.yield
    }) : () -> ()
    "tpu.region"() ({
      %run_scoped3A = tpu.sem_alloc : memref<!tpu.dma_semaphore, #tpu.memory_space<semaphore_mem>>
      %dma_start3A = arith.constant 0 : i32
      %dma_start3A_20 = tpu.memref_slice %arg3[%dma_start3A] : memref<30336xf32, #tpu.memory_space<hbm>> -> memref<10112xf32, #tpu.memory_space<hbm>>
      %dma_start3A_21 = arith.constant 0 : i32
      %dma_start3A_22 = tpu.memref_slice %arg3[%dma_start3A_21] : memref<30336xf32, #tpu.memory_space<hbm>> -> memref<10112xf32, #tpu.memory_space<hbm>>
      tpu.enqueue_dma source(%dma_start3A_22 : memref<10112xf32, #tpu.memory_space<hbm>>) target(%arg9 : memref<10112xf32, #tpu.memory_space<vmem>>) target_semaphore(%run_scoped3A : memref<!tpu.dma_semaphore, #tpu.memory_space<semaphore_mem>>)
      %dma_wait3A = arith.constant 0 : i32
      %dma_wait3A_23 = tpu.memref_slice %arg3[%dma_wait3A] : memref<30336xf32, #tpu.memory_space<hbm>> -> memref<10112xf32, #tpu.memory_space<hbm>>
      %dma_wait3A_24 = arith.constant 0 : i32
      %dma_wait3A_25 = tpu.memref_slice %arg3[%dma_wait3A_24] : memref<30336xf32, #tpu.memory_space<hbm>> -> memref<10112xf32, #tpu.memory_space<hbm>>
      tpu.wait_dma2 semaphore(%run_scoped3A : memref<!tpu.dma_semaphore, #tpu.memory_space<semaphore_mem>>) src(%dma_wait3A_25 : memref<10112xf32, #tpu.memory_space<hbm>>) dst(%arg9 : memref<10112xf32, #tpu.memory_space<vmem>>)
      tpu.yield
    }) : () -> ()
    "tpu.region"() ({
      %run_scoped3A = tpu.sem_alloc : memref<!tpu.dma_semaphore, #tpu.memory_space<semaphore_mem>>
      %dma_start3A = arith.constant 10112 : i32
      %dma_start3A_20 = tpu.memref_slice %arg3[%dma_start3A] : memref<30336xf32, #tpu.memory_space<hbm>> -> memref<10112xf32, #tpu.memory_space<hbm>>
      %dma_start3A_21 = arith.constant 10112 : i32
      %dma_start3A_22 = tpu.memref_slice %arg3[%dma_start3A_21] : memref<30336xf32, #tpu.memory_space<hbm>> -> memref<10112xf32, #tpu.memory_space<hbm>>
      tpu.enqueue_dma source(%dma_start3A_22 : memref<10112xf32, #tpu.memory_space<hbm>>) target(%arg10 : memref<10112xf32, #tpu.memory_space<vmem>>) target_semaphore(%run_scoped3A : memref<!tpu.dma_semaphore, #tpu.memory_space<semaphore_mem>>)
      %dma_wait3A = arith.constant 10112 : i32
      %dma_wait3A_23 = tpu.memref_slice %arg3[%dma_wait3A] : memref<30336xf32, #tpu.memory_space<hbm>> -> memref<10112xf32, #tpu.memory_space<hbm>>
      %dma_wait3A_24 = arith.constant 10112 : i32
      %dma_wait3A_25 = tpu.memref_slice %arg3[%dma_wait3A_24] : memref<30336xf32, #tpu.memory_space<hbm>> -> memref<10112xf32, #tpu.memory_space<hbm>>
      tpu.wait_dma2 semaphore(%run_scoped3A : memref<!tpu.dma_semaphore, #tpu.memory_space<semaphore_mem>>) src(%dma_wait3A_25 : memref<10112xf32, #tpu.memory_space<hbm>>) dst(%arg10 : memref<10112xf32, #tpu.memory_space<vmem>>)
      tpu.yield
    }) : () -> ()
    "tpu.region"() ({
      %run_scoped3A = tpu.sem_alloc : memref<!tpu.dma_semaphore, #tpu.memory_space<semaphore_mem>>
      %dma_start3A = arith.constant 20224 : i32
      %dma_start3A_20 = tpu.memref_slice %arg3[%dma_start3A] : memref<30336xf32, #tpu.memory_space<hbm>> -> memref<10112xf32, #tpu.memory_space<hbm>>
      %dma_start3A_21 = arith.constant 20224 : i32
      %dma_start3A_22 = tpu.memref_slice %arg3[%dma_start3A_21] : memref<30336xf32, #tpu.memory_space<hbm>> -> memref<10112xf32, #tpu.memory_space<hbm>>
      tpu.enqueue_dma source(%dma_start3A_22 : memref<10112xf32, #tpu.memory_space<hbm>>) target(%arg11 : memref<10112xf32, #tpu.memory_space<vmem>>) target_semaphore(%run_scoped3A : memref<!tpu.dma_semaphore, #tpu.memory_space<semaphore_mem>>)
      %dma_wait3A = arith.constant 20224 : i32
      %dma_wait3A_23 = tpu.memref_slice %arg3[%dma_wait3A] : memref<30336xf32, #tpu.memory_space<hbm>> -> memref<10112xf32, #tpu.memory_space<hbm>>
      %dma_wait3A_24 = arith.constant 20224 : i32
      %dma_wait3A_25 = tpu.memref_slice %arg3[%dma_wait3A_24] : memref<30336xf32, #tpu.memory_space<hbm>> -> memref<10112xf32, #tpu.memory_space<hbm>>
      tpu.wait_dma2 semaphore(%run_scoped3A : memref<!tpu.dma_semaphore, #tpu.memory_space<semaphore_mem>>) src(%dma_wait3A_25 : memref<10112xf32, #tpu.memory_space<hbm>>) dst(%arg11 : memref<10112xf32, #tpu.memory_space<vmem>>)
      tpu.yield
    }) : () -> ()
    %eq3A = arith.constant 0 : i32
    %eq3A_3 = arith.cmpi eq, %arg1, %eq3A : i32
    %convert_element_type3A = arith.extui %eq3A_3 : i1 to i32
    %cond3A = arith.constant 0 : i32
    %cond3A_4 = arith.cmpi ne, %convert_element_type3A, %cond3A : i32
    scf.if %cond3A_4 {
      "tpu.region"() ({
        %run_scoped3A = tpu.sem_alloc : memref<!tpu.dma_semaphore, #tpu.memory_space<semaphore_mem>>
        tpu.enqueue_dma source(%arg4 : memref<10112xf32, #tpu.memory_space<hbm>>) target(%arg14 : memref<10112xf32, #tpu.memory_space<vmem_shared>>) target_semaphore(%run_scoped3A : memref<!tpu.dma_semaphore, #tpu.memory_space<semaphore_mem>>)
        tpu.wait_dma2 semaphore(%run_scoped3A : memref<!tpu.dma_semaphore, #tpu.memory_space<semaphore_mem>>) src(%arg4 : memref<10112xf32, #tpu.memory_space<hbm>>) dst(%arg14 : memref<10112xf32, #tpu.memory_space<vmem_shared>>)
        tpu.yield
      }) : () -> ()
    } else {
    }
    %barrier3A = arith.constant 0 : index
    tpu.barrier barrier_id(%barrier3A)
    "tpu.region"() ({
      %run_scoped3A = tpu.sem_alloc : memref<!tpu.dma_semaphore, #tpu.memory_space<semaphore_mem>>
      tpu.enqueue_dma source(%arg5 : memref<5120xf32, #tpu.memory_space<hbm>>) target(%arg13 : memref<5120xf32, #tpu.memory_space<vmem>>) target_semaphore(%run_scoped3A : memref<!tpu.dma_semaphore, #tpu.memory_space<semaphore_mem>>)
      tpu.wait_dma2 semaphore(%run_scoped3A : memref<!tpu.dma_semaphore, #tpu.memory_space<semaphore_mem>>) src(%arg5 : memref<5120xf32, #tpu.memory_space<hbm>>) dst(%arg13 : memref<5120xf32, #tpu.memory_space<vmem>>)
      tpu.yield
    }) : () -> ()
    "tpu.region"() ({
      %run_scoped3A = tpu.sem_alloc : memref<!tpu.dma_semaphore, #tpu.memory_space<semaphore_mem>>
      %dma_start3A = arith.constant 0 : i32
      %dma_start3A_20 = tpu.memref_slice %arg14[%dma_start3A] : memref<10112xf32, #tpu.memory_space<vmem_shared>> -> memref<10112xf32, #tpu.memory_space<vmem_shared>>
      tpu.enqueue_indirect_dma source(%arg13 : memref<5120xf32, #tpu.memory_space<vmem>>) target(%dma_start3A_20 : memref<10112xf32, #tpu.memory_space<vmem_shared>>) offsets(%arg8 : memref<5120xi32, #tpu.memory_space<vmem>>) semaphore(%run_scoped3A : memref<!tpu.dma_semaphore, #tpu.memory_space<semaphore_mem>>) {add = true}
      %dma_wait3A = arith.constant 0 : i32
      %dma_wait3A_21 = tpu.memref_slice %arg14[%dma_wait3A] : memref<10112xf32, #tpu.memory_space<vmem_shared>> -> memref<10112xf32, #tpu.memory_space<vmem_shared>>
      tpu.wait_indirect_dma semaphore(%run_scoped3A : memref<!tpu.dma_semaphore, #tpu.memory_space<semaphore_mem>>) src(%arg13 : memref<5120xf32, #tpu.memory_space<vmem>>) dst(%dma_wait3A_21 : memref<10112xf32, #tpu.memory_space<vmem_shared>>)
      tpu.yield
    }) : () -> ()
    %broadcast_in_dim3A = arith.constant 0.000000e+00 : f32
    %broadcast_in_dim3A_5 = vector.broadcast %broadcast_in_dim3A : f32 to vector<16xf32>
    %iota3A = tpu.iota {dimensions = array<i32: 0>} : vector<16xi32>
    %scan3A = arith.constant 0 : i32
    %scan3A_6 = arith.constant 0 : i32
    %scan3A_7 = arith.constant 320 : i32
    %scan3A_8 = arith.addi %scan3A_6, %scan3A_7 : i32
    %scan3A_9 = arith.constant 1 : i32
    %scan3A_10 = scf.for %scan3A_20 = %scan3A_6 to %scan3A_8 step %scan3A_9 iter_args(%scan3A_21 = %scan3A) -> (i32)  : i32 {
      %mul3A_22 = arith.constant 16 : i32
      %mul3A_23 = arith.muli %scan3A_20, %mul3A_22 : i32
      %get3A = arith.index_cast %mul3A_23 : i32 to index
      %get3A_24 = tpu.vector_load %arg8[%get3A] {strides = array<i32>} : memref<5120xi32, #tpu.memory_space<vmem>>, vector<16xi32>,
      %add3A_25 = arith.addi %mul3A_2, %mul3A_23 : i32
      %add3A_26 = vector.broadcast %add3A_25 : i32 to vector<16xi32>
      %add3A_27 = arith.addi %add3A_26, %iota3A : vector<16xi32>
      %shift_right_logical3A = arith.constant 4 : i32
      %shift_right_logical3A_28 = vector.broadcast %shift_right_logical3A : i32 to vector<16xi32>
      %shift_right_logical3A_29 = arith.shrui %add3A_27, %shift_right_logical3A_28 : vector<16xi32>
      %gather3A = tpu.vector_load_idx %arg9[%get3A_24] : memref<10112xf32, #tpu.memory_space<vmem>>[vector<16xi32>], vector<16xf32>,
      %gather3A_30 = tpu.vector_load_idx %arg10[%get3A_24] : memref<10112xf32, #tpu.memory_space<vmem>>[vector<16xi32>], vector<16xf32>,
      %gather3A_31 = tpu.vector_load_idx %arg11[%get3A_24] : memref<10112xf32, #tpu.memory_space<vmem>>[vector<16xi32>], vector<16xf32>,
      %gather3A_32 = tpu.vector_load_idx %arg9[%shift_right_logical3A_29] : memref<10112xf32, #tpu.memory_space<vmem>>[vector<16xi32>], vector<16xf32>,
      %sub3A = arith.subf %gather3A_32, %gather3A : vector<16xf32>
      %gather3A_33 = tpu.vector_load_idx %arg10[%shift_right_logical3A_29] : memref<10112xf32, #tpu.memory_space<vmem>>[vector<16xi32>], vector<16xf32>,
      %sub3A_34 = arith.subf %gather3A_33, %gather3A_30 : vector<16xf32>
      %gather3A_35 = tpu.vector_load_idx %arg11[%shift_right_logical3A_29] : memref<10112xf32, #tpu.memory_space<vmem>>[vector<16xi32>], vector<16xf32>,
      %sub3A_36 = arith.subf %gather3A_35, %gather3A_31 : vector<16xf32>
      %mul3A_37 = arith.mulf %sub3A, %sub3A : vector<16xf32>
      %mul3A_38 = arith.mulf %sub3A_34, %sub3A_34 : vector<16xf32>
      %add3A_39 = arith.addf %mul3A_37, %mul3A_38 : vector<16xf32>
      %mul3A_40 = arith.mulf %sub3A_36, %sub3A_36 : vector<16xf32>
      %add3A_41 = arith.addf %add3A_39, %mul3A_40 : vector<16xf32>
      %add3A_42 = vector.broadcast %mul3A_23 : i32 to vector<16xi32>
      %add3A_43 = arith.addi %iota3A, %add3A_42 : vector<16xi32>
      %mul3A_44 = arith.constant 8 : i32
      %mul3A_45 = vector.broadcast %mul3A_44 : i32 to vector<16xi32>
      %mul3A_46 = arith.muli %add3A_43, %mul3A_45 : vector<16xi32>
      tpu.vector_store_idx %arg12[%mul3A_46], %add3A_41 : memref<40960xf32, #tpu.memory_space<vmem>>[vector<16xi32>], vector<16xf32>,
      %add3A_47 = arith.constant 1 : i32
      %add3A_48 = vector.broadcast %add3A_47 : i32 to vector<16xi32>
      %add3A_49 = arith.addi %mul3A_46, %add3A_48 : vector<16xi32>
      tpu.vector_store_idx %arg12[%add3A_49], %sub3A : memref<40960xf32, #tpu.memory_space<vmem>>[vector<16xi32>], vector<16xf32>,
      %add3A_50 = arith.constant 2 : i32
      %add3A_51 = vector.broadcast %add3A_50 : i32 to vector<16xi32>
      %add3A_52 = arith.addi %mul3A_46, %add3A_51 : vector<16xi32>
      tpu.vector_store_idx %arg12[%add3A_52], %sub3A_34 : memref<40960xf32, #tpu.memory_space<vmem>>[vector<16xi32>], vector<16xf32>,
      %add3A_53 = arith.constant 3 : i32
      %add3A_54 = vector.broadcast %add3A_53 : i32 to vector<16xi32>
      %add3A_55 = arith.addi %mul3A_46, %add3A_54 : vector<16xi32>
      tpu.vector_store_idx %arg12[%add3A_55], %sub3A_36 : memref<40960xf32, #tpu.memory_space<vmem>>[vector<16xi32>], vector<16xf32>,
      %add3A_56 = arith.constant 4 : i32
      %add3A_57 = vector.broadcast %add3A_56 : i32 to vector<16xi32>
      %add3A_58 = arith.addi %mul3A_46, %add3A_57 : vector<16xi32>
      tpu.vector_store_idx %arg12[%add3A_58], %gather3A : memref<40960xf32, #tpu.memory_space<vmem>>[vector<16xi32>], vector<16xf32>,
      %add3A_59 = arith.constant 5 : i32
      %add3A_60 = vector.broadcast %add3A_59 : i32 to vector<16xi32>
      %add3A_61 = arith.addi %mul3A_46, %add3A_60 : vector<16xi32>
      tpu.vector_store_idx %arg12[%add3A_61], %gather3A_30 : memref<40960xf32, #tpu.memory_space<vmem>>[vector<16xi32>], vector<16xf32>,
      %add3A_62 = arith.constant 6 : i32
      %add3A_63 = vector.broadcast %add3A_62 : i32 to vector<16xi32>
      %add3A_64 = arith.addi %mul3A_46, %add3A_63 : vector<16xi32>
      tpu.vector_store_idx %arg12[%add3A_64], %gather3A_31 : memref<40960xf32, #tpu.memory_space<vmem>>[vector<16xi32>], vector<16xf32>,
      %add3A_65 = arith.constant 7 : i32
      %add3A_66 = vector.broadcast %add3A_65 : i32 to vector<16xi32>
      %add3A_67 = arith.addi %mul3A_46, %add3A_66 : vector<16xi32>
      tpu.vector_store_idx %arg12[%add3A_67], %broadcast_in_dim3A_5 : memref<40960xf32, #tpu.memory_space<vmem>>[vector<16xi32>], vector<16xf32>,
      %scan3A_68 = arith.constant 0 : i32
      scf.yield %scan3A_68 : i32
    }
    %scan3A_11 = arith.constant 320 : i32
    %mul3A_12 = arith.constant 8 : i32
    %mul3A_13 = arith.muli %mul3A_2, %mul3A_12 : i32
    "tpu.region"() ({
      %run_scoped3A = tpu.sem_alloc : memref<!tpu.dma_semaphore, #tpu.memory_space<semaphore_mem>>
      %dma_start3A = tpu.memref_slice %arg6[%mul3A_13] : memref<1310720xf32, #tpu.memory_space<hbm>> -> memref<40960xf32, #tpu.memory_space<hbm>>
      %dma_start3A_20 = tpu.memref_slice %arg6[%mul3A_13] : memref<1310720xf32, #tpu.memory_space<hbm>> -> memref<40960xf32, #tpu.memory_space<hbm>>
      tpu.enqueue_dma source(%arg12 : memref<40960xf32, #tpu.memory_space<vmem>>) target(%dma_start3A_20 : memref<40960xf32, #tpu.memory_space<hbm>>) target_semaphore(%run_scoped3A : memref<!tpu.dma_semaphore, #tpu.memory_space<semaphore_mem>>)
      %dma_wait3A = tpu.memref_slice %arg6[%mul3A_13] : memref<1310720xf32, #tpu.memory_space<hbm>> -> memref<40960xf32, #tpu.memory_space<hbm>>
      %dma_wait3A_21 = tpu.memref_slice %arg6[%mul3A_13] : memref<1310720xf32, #tpu.memory_space<hbm>> -> memref<40960xf32, #tpu.memory_space<hbm>>
      tpu.wait_dma2 semaphore(%run_scoped3A : memref<!tpu.dma_semaphore, #tpu.memory_space<semaphore_mem>>) src(%arg12 : memref<40960xf32, #tpu.memory_space<vmem>>) dst(%dma_wait3A_21 : memref<40960xf32, #tpu.memory_space<hbm>>)
      tpu.yield
    }) : () -> ()
    %barrier3A_14 = arith.constant 0 : index
    tpu.barrier barrier_id(%barrier3A_14)
    %eq3A_15 = arith.constant 0 : i32
    %eq3A_16 = arith.cmpi eq, %arg1, %eq3A_15 : i32
    %convert_element_type3A_17 = arith.extui %eq3A_16 : i1 to i32
    %cond3A_18 = arith.constant 0 : i32
    %cond3A_19 = arith.cmpi ne, %convert_element_type3A_17, %cond3A_18 : i32
    scf.if %cond3A_19 {
      %mul3A_20 = arith.constant 10112 : i32
      %mul3A_21 = arith.muli %arg0, %mul3A_20 : i32
      "tpu.region"() ({
        %run_scoped3A = tpu.sem_alloc : memref<!tpu.dma_semaphore, #tpu.memory_space<semaphore_mem>>
        %dma_start3A = tpu.memref_slice %arg7[%mul3A_21] : memref<20224xf32, #tpu.memory_space<hbm>> -> memref<10112xf32, #tpu.memory_space<hbm>>
        tpu.enqueue_dma source(%arg14 : memref<10112xf32, #tpu.memory_space<vmem_shared>>) target(%dma_start3A : memref<10112xf32, #tpu.memory_space<hbm>>) target_semaphore(%run_scoped3A : memref<!tpu.dma_semaphore, #tpu.memory_space<semaphore_mem>>)
        %dma_wait3A = tpu.memref_slice %arg7[%mul3A_21] : memref<20224xf32, #tpu.memory_space<hbm>> -> memref<10112xf32, #tpu.memory_space<hbm>>
        tpu.wait_dma2 semaphore(%run_scoped3A : memref<!tpu.dma_semaphore, #tpu.memory_space<semaphore_mem>>) src(%arg14 : memref<10112xf32, #tpu.memory_space<vmem_shared>>) dst(%dma_wait3A : memref<10112xf32, #tpu.memory_space<hbm>>)
        tpu.yield
      }) : () -> ()
    } else {
    }
    return
  }
}

#map = affine_map<(d0, d1) -> (0)>
#map1 = affine_map<(d0, d1) -> (0, 0)>
module attributes {stable_mosaic.version = 14 : i64} {
  func.func @_sc_gather_pool(%arg0: i32, %arg1: i32, %arg2: memref<163840xi32, #tpu.memory_space<hbm>>, %arg3: memref<10112x128xi32, #tpu.memory_space<hbm>>, %arg4: memref<10240x128xi32, #tpu.memory_space<hbm>>, %arg5: memref<5120xi32, #tpu.memory_space<vmem>>, %arg6: memref<128x128xi32, #tpu.memory_space<vmem>>, %arg7: memref<128x128xi32, #tpu.memory_space<vmem>>, %arg8: memref<8x128xi32, #tpu.memory_space<vmem>>, %arg9: memref<8x128xi32, #tpu.memory_space<vmem>>, %arg10: memref<!tpu.dma_semaphore, #tpu.memory_space<semaphore_mem>>, %arg11: memref<!tpu.dma_semaphore, #tpu.memory_space<semaphore_mem>>) attributes {dimension_semantics = [#tpu.dimension_semantics<core_parallel>, #tpu.dimension_semantics<subcore_parallel>], iteration_bounds = array<i64: 2, 16>, scalar_prefetch = 0 : i64, scratch_operands = 7 : i64, tpu.core_type = #tpu.core_type<sc_vector_subcore>, window_params = [{transform_indices = #map}, {transform_indices = #map1}, {transform_indices = #map1}]} {
    %mul3A = arith.constant 2 : i32
    %mul3A_0 = arith.muli %arg1, %mul3A : i32
    %add3A = arith.addi %mul3A_0, %arg0 : i32
    %mul3A_1 = arith.constant 320 : i32
    %mul3A_2 = arith.muli %add3A, %mul3A_1 : i32
    %mul3A_3 = arith.constant 16 : i32
    %mul3A_4 = arith.muli %mul3A_2, %mul3A_3 : i32
    %mul3A_5 = arith.constant 320 : i32
    %mul3A_6 = arith.muli %add3A, %mul3A_5 : i32
    "tpu.region"() ({
      %run_scoped3A = tpu.sem_alloc : memref<!tpu.dma_semaphore, #tpu.memory_space<semaphore_mem>>
      %dma_start3A_17 = tpu.memref_slice %arg2[%mul3A_4] : memref<163840xi32, #tpu.memory_space<hbm>> -> memref<5120xi32, #tpu.memory_space<hbm>>
      %dma_start3A_18 = tpu.memref_slice %arg2[%mul3A_4] : memref<163840xi32, #tpu.memory_space<hbm>> -> memref<5120xi32, #tpu.memory_space<hbm>>
      tpu.enqueue_dma source(%dma_start3A_18 : memref<5120xi32, #tpu.memory_space<hbm>>) target(%arg5 : memref<5120xi32, #tpu.memory_space<vmem>>) target_semaphore(%run_scoped3A : memref<!tpu.dma_semaphore, #tpu.memory_space<semaphore_mem>>)
      %dma_wait3A = tpu.memref_slice %arg2[%mul3A_4] : memref<163840xi32, #tpu.memory_space<hbm>> -> memref<5120xi32, #tpu.memory_space<hbm>>
      %dma_wait3A_19 = tpu.memref_slice %arg2[%mul3A_4] : memref<163840xi32, #tpu.memory_space<hbm>> -> memref<5120xi32, #tpu.memory_space<hbm>>
      tpu.wait_dma2 semaphore(%run_scoped3A : memref<!tpu.dma_semaphore, #tpu.memory_space<semaphore_mem>>) src(%dma_wait3A_19 : memref<5120xi32, #tpu.memory_space<hbm>>) dst(%arg5 : memref<5120xi32, #tpu.memory_space<vmem>>)
      tpu.yield
    }) : () -> ()
    %dma_start3A = arith.constant 0 : i32
    %dma_start3A_7 = tpu.memref_slice %arg5[%dma_start3A] : memref<5120xi32, #tpu.memory_space<vmem>> -> memref<128xi32, #tpu.memory_space<vmem>>
    %dma_start3A_8 = arith.constant 0 : i32
    %dma_start3A_9 = arith.constant 0 : i32
    %dma_start3A_10 = tpu.memref_slice %arg3[%dma_start3A_8, %dma_start3A_9] : memref<10112x128xi32, #tpu.memory_space<hbm>> -> memref<10112x128xi32, #tpu.memory_space<hbm>>
    tpu.enqueue_indirect_dma source(%dma_start3A_10 : memref<10112x128xi32, #tpu.memory_space<hbm>>) target(%arg6 : memref<128x128xi32, #tpu.memory_space<vmem>>) offsets(%dma_start3A_7 : memref<128xi32, #tpu.memory_space<vmem>>) semaphore(%arg10 : memref<!tpu.dma_semaphore, #tpu.memory_space<semaphore_mem>>)
    %scan3A = arith.constant 0 : i32
    %scan3A_11 = arith.constant 0 : i32
    %scan3A_12 = arith.constant 20 : i32
    %scan3A_13 = arith.addi %scan3A_11, %scan3A_12 : i32
    %scan3A_14 = arith.constant 1 : i32
    %scan3A_15 = scf.for %scan3A_17 = %scan3A_11 to %scan3A_13 step %scan3A_14 iter_args(%scan3A_18 = %scan3A) -> (i32)  : i32 {
      %mul3A_19 = arith.constant 2 : i32
      %mul3A_20 = arith.muli %mul3A_19, %scan3A_17 : i32
      %add3A_21 = arith.constant 1 : i32
      %add3A_22 = arith.addi %mul3A_20, %add3A_21 : i32
      %mul3A_23 = arith.constant 128 : i32
      %mul3A_24 = arith.muli %add3A_22, %mul3A_23 : i32
      %dma_start3A_25 = tpu.memref_slice %arg5[%mul3A_24] : memref<5120xi32, #tpu.memory_space<vmem>> -> memref<128xi32, #tpu.memory_space<vmem>>
      %dma_start3A_26 = arith.constant 0 : i32
      %dma_start3A_27 = arith.constant 0 : i32
      %dma_start3A_28 = tpu.memref_slice %arg3[%dma_start3A_26, %dma_start3A_27] : memref<10112x128xi32, #tpu.memory_space<hbm>> -> memref<10112x128xi32, #tpu.memory_space<hbm>>
      tpu.enqueue_indirect_dma source(%dma_start3A_28 : memref<10112x128xi32, #tpu.memory_space<hbm>>) target(%arg7 : memref<128x128xi32, #tpu.memory_space<vmem>>) offsets(%dma_start3A_25 : memref<128xi32, #tpu.memory_space<vmem>>) semaphore(%arg11 : memref<!tpu.dma_semaphore, #tpu.memory_space<semaphore_mem>>)
      %mul3A_29 = arith.constant 128 : i32
      %mul3A_30 = arith.muli %mul3A_20, %mul3A_29 : i32
      %dma_wait3A = tpu.memref_slice %arg5[%mul3A_30] : memref<5120xi32, #tpu.memory_space<vmem>> -> memref<128xi32, #tpu.memory_space<vmem>>
      %dma_wait3A_31 = arith.constant 0 : i32
      %dma_wait3A_32 = arith.constant 0 : i32
      %dma_wait3A_33 = tpu.memref_slice %arg3[%dma_wait3A_31, %dma_wait3A_32] : memref<10112x128xi32, #tpu.memory_space<hbm>> -> memref<10112x128xi32, #tpu.memory_space<hbm>>
      tpu.wait_indirect_dma semaphore(%arg10 : memref<!tpu.dma_semaphore, #tpu.memory_space<semaphore_mem>>) src(%dma_wait3A_33 : memref<10112x128xi32, #tpu.memory_space<hbm>>) dst(%arg6 : memref<128x128xi32, #tpu.memory_space<vmem>>)
      %scan3A_34 = arith.constant 0 : i32
      %scan3A_35 = arith.constant 0 : i32
      %scan3A_36 = arith.constant 8 : i32
      %scan3A_37 = arith.addi %scan3A_35, %scan3A_36 : i32
      %scan3A_38 = arith.constant 1 : i32
      %scan3A_39 = scf.for %scan3A_69 = %scan3A_35 to %scan3A_37 step %scan3A_38 iter_args(%scan3A_70 = %scan3A_34) -> (i32)  : i32 {
        %mul3A_71 = arith.constant 16 : i32
        %mul3A_72 = arith.muli %scan3A_69, %mul3A_71 : i32
        %add3A_73 = arith.constant 0 : i32
        %add3A_74 = arith.addi %mul3A_72, %add3A_73 : i32
        %get3A = arith.index_cast %add3A_74 : i32 to index
        %get3A_75 = arith.constant 0 : index
        %get3A_76 = tpu.vector_load %arg6[%get3A, %get3A_75] {strides = array<i32>} : memref<128x128xi32, #tpu.memory_space<vmem>>, vector<16xi32>,
        %bitcast3A = vector.bitcast %get3A_76 : vector<16xi32> to vector<32xbf16>
        %add3A_77 = arith.constant 1 : i32
        %add3A_78 = arith.addi %mul3A_72, %add3A_77 : i32
        %get3A_79 = arith.index_cast %add3A_78 : i32 to index
        %get3A_80 = arith.constant 0 : index
        %get3A_81 = tpu.vector_load %arg6[%get3A_79, %get3A_80] {strides = array<i32>} : memref<128x128xi32, #tpu.memory_space<vmem>>, vector<16xi32>,
        %bitcast3A_82 = vector.bitcast %get3A_81 : vector<16xi32> to vector<32xbf16>
        %add3A_83 = arith.constant 2 : i32
        %add3A_84 = arith.addi %mul3A_72, %add3A_83 : i32
        %get3A_85 = arith.index_cast %add3A_84 : i32 to index
        %get3A_86 = arith.constant 0 : index
        %get3A_87 = tpu.vector_load %arg6[%get3A_85, %get3A_86] {strides = array<i32>} : memref<128x128xi32, #tpu.memory_space<vmem>>, vector<16xi32>,
        %bitcast3A_88 = vector.bitcast %get3A_87 : vector<16xi32> to vector<32xbf16>
        %add3A_89 = arith.constant 3 : i32
        %add3A_90 = arith.addi %mul3A_72, %add3A_89 : i32
        %get3A_91 = arith.index_cast %add3A_90 : i32 to index
        %get3A_92 = arith.constant 0 : index
        %get3A_93 = tpu.vector_load %arg6[%get3A_91, %get3A_92] {strides = array<i32>} : memref<128x128xi32, #tpu.memory_space<vmem>>, vector<16xi32>,
        %bitcast3A_94 = vector.bitcast %get3A_93 : vector<16xi32> to vector<32xbf16>
        %add3A_95 = arith.constant 4 : i32
        %add3A_96 = arith.addi %mul3A_72, %add3A_95 : i32
        %get3A_97 = arith.index_cast %add3A_96 : i32 to index
        %get3A_98 = arith.constant 0 : index
        %get3A_99 = tpu.vector_load %arg6[%get3A_97, %get3A_98] {strides = array<i32>} : memref<128x128xi32, #tpu.memory_space<vmem>>, vector<16xi32>,
        %bitcast3A_100 = vector.bitcast %get3A_99 : vector<16xi32> to vector<32xbf16>
        %add3A_101 = arith.constant 5 : i32
        %add3A_102 = arith.addi %mul3A_72, %add3A_101 : i32
        %get3A_103 = arith.index_cast %add3A_102 : i32 to index
        %get3A_104 = arith.constant 0 : index
        %get3A_105 = tpu.vector_load %arg6[%get3A_103, %get3A_104] {strides = array<i32>} : memref<128x128xi32, #tpu.memory_space<vmem>>, vector<16xi32>,
        %bitcast3A_106 = vector.bitcast %get3A_105 : vector<16xi32> to vector<32xbf16>
        %add3A_107 = arith.constant 6 : i32
        %add3A_108 = arith.addi %mul3A_72, %add3A_107 : i32
        %get3A_109 = arith.index_cast %add3A_108 : i32 to index
        %get3A_110 = arith.constant 0 : index
        %get3A_111 = tpu.vector_load %arg6[%get3A_109, %get3A_110] {strides = array<i32>} : memref<128x128xi32, #tpu.memory_space<vmem>>, vector<16xi32>,
        %bitcast3A_112 = vector.bitcast %get3A_111 : vector<16xi32> to vector<32xbf16>
        %add3A_113 = arith.constant 7 : i32
        %add3A_114 = arith.addi %mul3A_72, %add3A_113 : i32
        %get3A_115 = arith.index_cast %add3A_114 : i32 to index
        %get3A_116 = arith.constant 0 : index
        %get3A_117 = tpu.vector_load %arg6[%get3A_115, %get3A_116] {strides = array<i32>} : memref<128x128xi32, #tpu.memory_space<vmem>>, vector<16xi32>,
        %bitcast3A_118 = vector.bitcast %get3A_117 : vector<16xi32> to vector<32xbf16>
        %add3A_119 = arith.constant 8 : i32
        %add3A_120 = arith.addi %mul3A_72, %add3A_119 : i32
        %get3A_121 = arith.index_cast %add3A_120 : i32 to index
        %get3A_122 = arith.constant 0 : index
        %get3A_123 = tpu.vector_load %arg6[%get3A_121, %get3A_122] {strides = array<i32>} : memref<128x128xi32, #tpu.memory_space<vmem>>, vector<16xi32>,
        %bitcast3A_124 = vector.bitcast %get3A_123 : vector<16xi32> to vector<32xbf16>
        %add3A_125 = arith.constant 9 : i32
        %add3A_126 = arith.addi %mul3A_72, %add3A_125 : i32
        %get3A_127 = arith.index_cast %add3A_126 : i32 to index
        %get3A_128 = arith.constant 0 : index
        %get3A_129 = tpu.vector_load %arg6[%get3A_127, %get3A_128] {strides = array<i32>} : memref<128x128xi32, #tpu.memory_space<vmem>>, vector<16xi32>,
        %bitcast3A_130 = vector.bitcast %get3A_129 : vector<16xi32> to vector<32xbf16>
        %add3A_131 = arith.constant 10 : i32
        %add3A_132 = arith.addi %mul3A_72, %add3A_131 : i32
        %get3A_133 = arith.index_cast %add3A_132 : i32 to index
        %get3A_134 = arith.constant 0 : index
        %get3A_135 = tpu.vector_load %arg6[%get3A_133, %get3A_134] {strides = array<i32>} : memref<128x128xi32, #tpu.memory_space<vmem>>, vector<16xi32>,
        %bitcast3A_136 = vector.bitcast %get3A_135 : vector<16xi32> to vector<32xbf16>
        %add3A_137 = arith.constant 11 : i32
        %add3A_138 = arith.addi %mul3A_72, %add3A_137 : i32
        %get3A_139 = arith.index_cast %add3A_138 : i32 to index
        %get3A_140 = arith.constant 0 : index
        %get3A_141 = tpu.vector_load %arg6[%get3A_139, %get3A_140] {strides = array<i32>} : memref<128x128xi32, #tpu.memory_space<vmem>>, vector<16xi32>,
        %bitcast3A_142 = vector.bitcast %get3A_141 : vector<16xi32> to vector<32xbf16>
        %add3A_143 = arith.constant 12 : i32
        %add3A_144 = arith.addi %mul3A_72, %add3A_143 : i32
        %get3A_145 = arith.index_cast %add3A_144 : i32 to index
        %get3A_146 = arith.constant 0 : index
        %get3A_147 = tpu.vector_load %arg6[%get3A_145, %get3A_146] {strides = array<i32>} : memref<128x128xi32, #tpu.memory_space<vmem>>, vector<16xi32>,
        %bitcast3A_148 = vector.bitcast %get3A_147 : vector<16xi32> to vector<32xbf16>
        %add3A_149 = arith.constant 13 : i32
        %add3A_150 = arith.addi %mul3A_72, %add3A_149 : i32
        %get3A_151 = arith.index_cast %add3A_150 : i32 to index
        %get3A_152 = arith.constant 0 : index
        %get3A_153 = tpu.vector_load %arg6[%get3A_151, %get3A_152] {strides = array<i32>} : memref<128x128xi32, #tpu.memory_space<vmem>>, vector<16xi32>,
        %bitcast3A_154 = vector.bitcast %get3A_153 : vector<16xi32> to vector<32xbf16>
        %add3A_155 = arith.constant 14 : i32
        %add3A_156 = arith.addi %mul3A_72, %add3A_155 : i32
        %get3A_157 = arith.index_cast %add3A_156 : i32 to index
        %get3A_158 = arith.constant 0 : index
        %get3A_159 = tpu.vector_load %arg6[%get3A_157, %get3A_158] {strides = array<i32>} : memref<128x128xi32, #tpu.memory_space<vmem>>, vector<16xi32>,
        %bitcast3A_160 = vector.bitcast %get3A_159 : vector<16xi32> to vector<32xbf16>
        %add3A_161 = arith.constant 15 : i32
        %add3A_162 = arith.addi %mul3A_72, %add3A_161 : i32
        %get3A_163 = arith.index_cast %add3A_162 : i32 to index
        %get3A_164 = arith.constant 0 : index
        %get3A_165 = tpu.vector_load %arg6[%get3A_163, %get3A_164] {strides = array<i32>} : memref<128x128xi32, #tpu.memory_space<vmem>>, vector<16xi32>,
        %bitcast3A_166 = vector.bitcast %get3A_165 : vector<16xi32> to vector<32xbf16>
        %add3A_167 = arith.addf %bitcast3A, %bitcast3A_82 : vector<32xbf16>
        %add3A_168 = arith.addf %bitcast3A_88, %bitcast3A_94 : vector<32xbf16>
        %add3A_169 = arith.addf %bitcast3A_100, %bitcast3A_106 : vector<32xbf16>
        %add3A_170 = arith.addf %bitcast3A_112, %bitcast3A_118 : vector<32xbf16>
        %add3A_171 = arith.addf %bitcast3A_124, %bitcast3A_130 : vector<32xbf16>
        %add3A_172 = arith.addf %bitcast3A_136, %bitcast3A_142 : vector<32xbf16>
        %add3A_173 = arith.addf %bitcast3A_148, %bitcast3A_154 : vector<32xbf16>
        %add3A_174 = arith.addf %bitcast3A_160, %bitcast3A_166 : vector<32xbf16>
        %add3A_175 = arith.addf %add3A_167, %add3A_168 : vector<32xbf16>
        %add3A_176 = arith.addf %add3A_169, %add3A_170 : vector<32xbf16>
        %add3A_177 = arith.addf %add3A_171, %add3A_172 : vector<32xbf16>
        %add3A_178 = arith.addf %add3A_173, %add3A_174 : vector<32xbf16>
        %add3A_179 = arith.addf %add3A_175, %add3A_176 : vector<32xbf16>
        %add3A_180 = arith.addf %add3A_177, %add3A_178 : vector<32xbf16>
        %add3A_181 = arith.addf %add3A_179, %add3A_180 : vector<32xbf16>
        %bitcast3A_182 = vector.bitcast %add3A_181 : vector<32xbf16> to vector<16xi32>
        %swap3A = arith.index_cast %scan3A_69 : i32 to index
        %swap3A_183 = arith.constant 0 : index
        %swap3A_184 = tpu.vector_load %arg8[%swap3A, %swap3A_183] {strides = array<i32>} : memref<8x128xi32, #tpu.memory_space<vmem>>, vector<16xi32>,
        tpu.vector_store %arg8[%swap3A, %swap3A_183], %bitcast3A_182 {strides = array<i32>} : memref<8x128xi32, #tpu.memory_space<vmem>>, vector<16xi32>,
        %add3A_185 = arith.constant 0 : i32
        %add3A_186 = arith.addi %mul3A_72, %add3A_185 : i32
        %get3A_187 = arith.index_cast %add3A_186 : i32 to index
        %get3A_188 = arith.constant 16 : index
        %get3A_189 = tpu.vector_load %arg6[%get3A_187, %get3A_188] {strides = array<i32>} : memref<128x128xi32, #tpu.memory_space<vmem>>, vector<16xi32>,
        %bitcast3A_190 = vector.bitcast %get3A_189 : vector<16xi32> to vector<32xbf16>
        %add3A_191 = arith.constant 1 : i32
        %add3A_192 = arith.addi %mul3A_72, %add3A_191 : i32
        %get3A_193 = arith.index_cast %add3A_192 : i32 to index
        %get3A_194 = arith.constant 16 : index
        %get3A_195 = tpu.vector_load %arg6[%get3A_193, %get3A_194] {strides = array<i32>} : memref<128x128xi32, #tpu.memory_space<vmem>>, vector<16xi32>,
        %bitcast3A_196 = vector.bitcast %get3A_195 : vector<16xi32> to vector<32xbf16>
        %add3A_197 = arith.constant 2 : i32
        %add3A_198 = arith.addi %mul3A_72, %add3A_197 : i32
        %get3A_199 = arith.index_cast %add3A_198 : i32 to index
        %get3A_200 = arith.constant 16 : index
        %get3A_201 = tpu.vector_load %arg6[%get3A_199, %get3A_200] {strides = array<i32>} : memref<128x128xi32, #tpu.memory_space<vmem>>, vector<16xi32>,
        %bitcast3A_202 = vector.bitcast %get3A_201 : vector<16xi32> to vector<32xbf16>
        %add3A_203 = arith.constant 3 : i32
        %add3A_204 = arith.addi %mul3A_72, %add3A_203 : i32
        %get3A_205 = arith.index_cast %add3A_204 : i32 to index
        %get3A_206 = arith.constant 16 : index
        %get3A_207 = tpu.vector_load %arg6[%get3A_205, %get3A_206] {strides = array<i32>} : memref<128x128xi32, #tpu.memory_space<vmem>>, vector<16xi32>,
        %bitcast3A_208 = vector.bitcast %get3A_207 : vector<16xi32> to vector<32xbf16>
        %add3A_209 = arith.constant 4 : i32
        %add3A_210 = arith.addi %mul3A_72, %add3A_209 : i32
        %get3A_211 = arith.index_cast %add3A_210 : i32 to index
        %get3A_212 = arith.constant 16 : index
        %get3A_213 = tpu.vector_load %arg6[%get3A_211, %get3A_212] {strides = array<i32>} : memref<128x128xi32, #tpu.memory_space<vmem>>, vector<16xi32>,
        %bitcast3A_214 = vector.bitcast %get3A_213 : vector<16xi32> to vector<32xbf16>
        %add3A_215 = arith.constant 5 : i32
        %add3A_216 = arith.addi %mul3A_72, %add3A_215 : i32
        %get3A_217 = arith.index_cast %add3A_216 : i32 to index
        %get3A_218 = arith.constant 16 : index
        %get3A_219 = tpu.vector_load %arg6[%get3A_217, %get3A_218] {strides = array<i32>} : memref<128x128xi32, #tpu.memory_space<vmem>>, vector<16xi32>,
        %bitcast3A_220 = vector.bitcast %get3A_219 : vector<16xi32> to vector<32xbf16>
        %add3A_221 = arith.constant 6 : i32
        %add3A_222 = arith.addi %mul3A_72, %add3A_221 : i32
        %get3A_223 = arith.index_cast %add3A_222 : i32 to index
        %get3A_224 = arith.constant 16 : index
        %get3A_225 = tpu.vector_load %arg6[%get3A_223, %get3A_224] {strides = array<i32>} : memref<128x128xi32, #tpu.memory_space<vmem>>, vector<16xi32>,
        %bitcast3A_226 = vector.bitcast %get3A_225 : vector<16xi32> to vector<32xbf16>
        %add3A_227 = arith.constant 7 : i32
        %add3A_228 = arith.addi %mul3A_72, %add3A_227 : i32
        %get3A_229 = arith.index_cast %add3A_228 : i32 to index
        %get3A_230 = arith.constant 16 : index
        %get3A_231 = tpu.vector_load %arg6[%get3A_229, %get3A_230] {strides = array<i32>} : memref<128x128xi32, #tpu.memory_space<vmem>>, vector<16xi32>,
        %bitcast3A_232 = vector.bitcast %get3A_231 : vector<16xi32> to vector<32xbf16>
        %add3A_233 = arith.constant 8 : i32
        %add3A_234 = arith.addi %mul3A_72, %add3A_233 : i32
        %get3A_235 = arith.index_cast %add3A_234 : i32 to index
        %get3A_236 = arith.constant 16 : index
        %get3A_237 = tpu.vector_load %arg6[%get3A_235, %get3A_236] {strides = array<i32>} : memref<128x128xi32, #tpu.memory_space<vmem>>, vector<16xi32>,
        %bitcast3A_238 = vector.bitcast %get3A_237 : vector<16xi32> to vector<32xbf16>
        %add3A_239 = arith.constant 9 : i32
        %add3A_240 = arith.addi %mul3A_72, %add3A_239 : i32
        %get3A_241 = arith.index_cast %add3A_240 : i32 to index
        %get3A_242 = arith.constant 16 : index
        %get3A_243 = tpu.vector_load %arg6[%get3A_241, %get3A_242] {strides = array<i32>} : memref<128x128xi32, #tpu.memory_space<vmem>>, vector<16xi32>,
        %bitcast3A_244 = vector.bitcast %get3A_243 : vector<16xi32> to vector<32xbf16>
        %add3A_245 = arith.constant 10 : i32
        %add3A_246 = arith.addi %mul3A_72, %add3A_245 : i32
        %get3A_247 = arith.index_cast %add3A_246 : i32 to index
        %get3A_248 = arith.constant 16 : index
        %get3A_249 = tpu.vector_load %arg6[%get3A_247, %get3A_248] {strides = array<i32>} : memref<128x128xi32, #tpu.memory_space<vmem>>, vector<16xi32>,
        %bitcast3A_250 = vector.bitcast %get3A_249 : vector<16xi32> to vector<32xbf16>
        %add3A_251 = arith.constant 11 : i32
        %add3A_252 = arith.addi %mul3A_72, %add3A_251 : i32
        %get3A_253 = arith.index_cast %add3A_252 : i32 to index
        %get3A_254 = arith.constant 16 : index
        %get3A_255 = tpu.vector_load %arg6[%get3A_253, %get3A_254] {strides = array<i32>} : memref<128x128xi32, #tpu.memory_space<vmem>>, vector<16xi32>,
        %bitcast3A_256 = vector.bitcast %get3A_255 : vector<16xi32> to vector<32xbf16>
        %add3A_257 = arith.constant 12 : i32
        %add3A_258 = arith.addi %mul3A_72, %add3A_257 : i32
        %get3A_259 = arith.index_cast %add3A_258 : i32 to index
        %get3A_260 = arith.constant 16 : index
        %get3A_261 = tpu.vector_load %arg6[%get3A_259, %get3A_260] {strides = array<i32>} : memref<128x128xi32, #tpu.memory_space<vmem>>, vector<16xi32>,
        %bitcast3A_262 = vector.bitcast %get3A_261 : vector<16xi32> to vector<32xbf16>
        %add3A_263 = arith.constant 13 : i32
        %add3A_264 = arith.addi %mul3A_72, %add3A_263 : i32
        %get3A_265 = arith.index_cast %add3A_264 : i32 to index
        %get3A_266 = arith.constant 16 : index
        %get3A_267 = tpu.vector_load %arg6[%get3A_265, %get3A_266] {strides = array<i32>} : memref<128x128xi32, #tpu.memory_space<vmem>>, vector<16xi32>,
        %bitcast3A_268 = vector.bitcast %get3A_267 : vector<16xi32> to vector<32xbf16>
        %add3A_269 = arith.constant 14 : i32
        %add3A_270 = arith.addi %mul3A_72, %add3A_269 : i32
        %get3A_271 = arith.index_cast %add3A_270 : i32 to index
        %get3A_272 = arith.constant 16 : index
        %get3A_273 = tpu.vector_load %arg6[%get3A_271, %get3A_272] {strides = array<i32>} : memref<128x128xi32, #tpu.memory_space<vmem>>, vector<16xi32>,
        %bitcast3A_274 = vector.bitcast %get3A_273 : vector<16xi32> to vector<32xbf16>
        %add3A_275 = arith.constant 15 : i32
        %add3A_276 = arith.addi %mul3A_72, %add3A_275 : i32
        %get3A_277 = arith.index_cast %add3A_276 : i32 to index
        %get3A_278 = arith.constant 16 : index
        %get3A_279 = tpu.vector_load %arg6[%get3A_277, %get3A_278] {strides = array<i32>} : memref<128x128xi32, #tpu.memory_space<vmem>>, vector<16xi32>,
        %bitcast3A_280 = vector.bitcast %get3A_279 : vector<16xi32> to vector<32xbf16>
        %add3A_281 = arith.addf %bitcast3A_190, %bitcast3A_196 : vector<32xbf16>
        %add3A_282 = arith.addf %bitcast3A_202, %bitcast3A_208 : vector<32xbf16>
        %add3A_283 = arith.addf %bitcast3A_214, %bitcast3A_220 : vector<32xbf16>
        %add3A_284 = arith.addf %bitcast3A_226, %bitcast3A_232 : vector<32xbf16>
        %add3A_285 = arith.addf %bitcast3A_238, %bitcast3A_244 : vector<32xbf16>
        %add3A_286 = arith.addf %bitcast3A_250, %bitcast3A_256 : vector<32xbf16>
        %add3A_287 = arith.addf %bitcast3A_262, %bitcast3A_268 : vector<32xbf16>
        %add3A_288 = arith.addf %bitcast3A_274, %bitcast3A_280 : vector<32xbf16>
        %add3A_289 = arith.addf %add3A_281, %add3A_282 : vector<32xbf16>
        %add3A_290 = arith.addf %add3A_283, %add3A_284 : vector<32xbf16>
        %add3A_291 = arith.addf %add3A_285, %add3A_286 : vector<32xbf16>
        %add3A_292 = arith.addf %add3A_287, %add3A_288 : vector<32xbf16>
        %add3A_293 = arith.addf %add3A_289, %add3A_290 : vector<32xbf16>
        %add3A_294 = arith.addf %add3A_291, %add3A_292 : vector<32xbf16>
        %add3A_295 = arith.addf %add3A_293, %add3A_294 : vector<32xbf16>
        %bitcast3A_296 = vector.bitcast %add3A_295 : vector<32xbf16> to vector<16xi32>
        %swap3A_297 = arith.index_cast %scan3A_69 : i32 to index
        %swap3A_298 = arith.constant 16 : index
        %swap3A_299 = tpu.vector_load %arg8[%swap3A_297, %swap3A_298] {strides = array<i32>} : memref<8x128xi32, #tpu.memory_space<vmem>>, vector<16xi32>,
        tpu.vector_store %arg8[%swap3A_297, %swap3A_298], %bitcast3A_296 {strides = array<i32>} : memref<8x128xi32, #tpu.memory_space<vmem>>, vector<16xi32>,
        %add3A_300 = arith.constant 0 : i32
        %add3A_301 = arith.addi %mul3A_72, %add3A_300 : i32
        %get3A_302 = arith.index_cast %add3A_301 : i32 to index
        %get3A_303 = arith.constant 32 : index
        %get3A_304 = tpu.vector_load %arg6[%get3A_302, %get3A_303] {strides = array<i32>} : memref<128x128xi32, #tpu.memory_space<vmem>>, vector<16xi32>,
        %bitcast3A_305 = vector.bitcast %get3A_304 : vector<16xi32> to vector<32xbf16>
        %add3A_306 = arith.constant 1 : i32
        %add3A_307 = arith.addi %mul3A_72, %add3A_306 : i32
        %get3A_308 = arith.index_cast %add3A_307 : i32 to index
        %get3A_309 = arith.constant 32 : index
        %get3A_310 = tpu.vector_load %arg6[%get3A_308, %get3A_309] {strides = array<i32>} : memref<128x128xi32, #tpu.memory_space<vmem>>, vector<16xi32>,
        %bitcast3A_311 = vector.bitcast %get3A_310 : vector<16xi32> to vector<32xbf16>
        %add3A_312 = arith.constant 2 : i32
        %add3A_313 = arith.addi %mul3A_72, %add3A_312 : i32
        %get3A_314 = arith.index_cast %add3A_313 : i32 to index
        %get3A_315 = arith.constant 32 : index
        %get3A_316 = tpu.vector_load %arg6[%get3A_314, %get3A_315] {strides = array<i32>} : memref<128x128xi32, #tpu.memory_space<vmem>>, vector<16xi32>,
        %bitcast3A_317 = vector.bitcast %get3A_316 : vector<16xi32> to vector<32xbf16>
        %add3A_318 = arith.constant 3 : i32
        %add3A_319 = arith.addi %mul3A_72, %add3A_318 : i32
        %get3A_320 = arith.index_cast %add3A_319 : i32 to index
        %get3A_321 = arith.constant 32 : index
        %get3A_322 = tpu.vector_load %arg6[%get3A_320, %get3A_321] {strides = array<i32>} : memref<128x128xi32, #tpu.memory_space<vmem>>, vector<16xi32>,
        %bitcast3A_323 = vector.bitcast %get3A_322 : vector<16xi32> to vector<32xbf16>
        %add3A_324 = arith.constant 4 : i32
        %add3A_325 = arith.addi %mul3A_72, %add3A_324 : i32
        %get3A_326 = arith.index_cast %add3A_325 : i32 to index
        %get3A_327 = arith.constant 32 : index
        %get3A_328 = tpu.vector_load %arg6[%get3A_326, %get3A_327] {strides = array<i32>} : memref<128x128xi32, #tpu.memory_space<vmem>>, vector<16xi32>,
        %bitcast3A_329 = vector.bitcast %get3A_328 : vector<16xi32> to vector<32xbf16>
        %add3A_330 = arith.constant 5 : i32
        %add3A_331 = arith.addi %mul3A_72, %add3A_330 : i32
        %get3A_332 = arith.index_cast %add3A_331 : i32 to index
        %get3A_333 = arith.constant 32 : index
        %get3A_334 = tpu.vector_load %arg6[%get3A_332, %get3A_333] {strides = array<i32>} : memref<128x128xi32, #tpu.memory_space<vmem>>, vector<16xi32>,
        %bitcast3A_335 = vector.bitcast %get3A_334 : vector<16xi32> to vector<32xbf16>
        %add3A_336 = arith.constant 6 : i32
        %add3A_337 = arith.addi %mul3A_72, %add3A_336 : i32
        %get3A_338 = arith.index_cast %add3A_337 : i32 to index
        %get3A_339 = arith.constant 32 : index
        %get3A_340 = tpu.vector_load %arg6[%get3A_338, %get3A_339] {strides = array<i32>} : memref<128x128xi32, #tpu.memory_space<vmem>>, vector<16xi32>,
        %bitcast3A_341 = vector.bitcast %get3A_340 : vector<16xi32> to vector<32xbf16>
        %add3A_342 = arith.constant 7 : i32
        %add3A_343 = arith.addi %mul3A_72, %add3A_342 : i32
        %get3A_344 = arith.index_cast %add3A_343 : i32 to index
        %get3A_345 = arith.constant 32 : index
        %get3A_346 = tpu.vector_load %arg6[%get3A_344, %get3A_345] {strides = array<i32>} : memref<128x128xi32, #tpu.memory_space<vmem>>, vector<16xi32>,
        %bitcast3A_347 = vector.bitcast %get3A_346 : vector<16xi32> to vector<32xbf16>
        %add3A_348 = arith.constant 8 : i32
        %add3A_349 = arith.addi %mul3A_72, %add3A_348 : i32
        %get3A_350 = arith.index_cast %add3A_349 : i32 to index
        %get3A_351 = arith.constant 32 : index
        %get3A_352 = tpu.vector_load %arg6[%get3A_350, %get3A_351] {strides = array<i32>} : memref<128x128xi32, #tpu.memory_space<vmem>>, vector<16xi32>,
        %bitcast3A_353 = vector.bitcast %get3A_352 : vector<16xi32> to vector<32xbf16>
        %add3A_354 = arith.constant 9 : i32
        %add3A_355 = arith.addi %mul3A_72, %add3A_354 : i32
        %get3A_356 = arith.index_cast %add3A_355 : i32 to index
        %get3A_357 = arith.constant 32 : index
        %get3A_358 = tpu.vector_load %arg6[%get3A_356, %get3A_357] {strides = array<i32>} : memref<128x128xi32, #tpu.memory_space<vmem>>, vector<16xi32>,
        %bitcast3A_359 = vector.bitcast %get3A_358 : vector<16xi32> to vector<32xbf16>
        %add3A_360 = arith.constant 10 : i32
        %add3A_361 = arith.addi %mul3A_72, %add3A_360 : i32
        %get3A_362 = arith.index_cast %add3A_361 : i32 to index
        %get3A_363 = arith.constant 32 : index
        %get3A_364 = tpu.vector_load %arg6[%get3A_362, %get3A_363] {strides = array<i32>} : memref<128x128xi32, #tpu.memory_space<vmem>>, vector<16xi32>,
        %bitcast3A_365 = vector.bitcast %get3A_364 : vector<16xi32> to vector<32xbf16>
        %add3A_366 = arith.constant 11 : i32
        %add3A_367 = arith.addi %mul3A_72, %add3A_366 : i32
        %get3A_368 = arith.index_cast %add3A_367 : i32 to index
        %get3A_369 = arith.constant 32 : index
        %get3A_370 = tpu.vector_load %arg6[%get3A_368, %get3A_369] {strides = array<i32>} : memref<128x128xi32, #tpu.memory_space<vmem>>, vector<16xi32>,
        %bitcast3A_371 = vector.bitcast %get3A_370 : vector<16xi32> to vector<32xbf16>
        %add3A_372 = arith.constant 12 : i32
        %add3A_373 = arith.addi %mul3A_72, %add3A_372 : i32
        %get3A_374 = arith.index_cast %add3A_373 : i32 to index
        %get3A_375 = arith.constant 32 : index
        %get3A_376 = tpu.vector_load %arg6[%get3A_374, %get3A_375] {strides = array<i32>} : memref<128x128xi32, #tpu.memory_space<vmem>>, vector<16xi32>,
        %bitcast3A_377 = vector.bitcast %get3A_376 : vector<16xi32> to vector<32xbf16>
        %add3A_378 = arith.constant 13 : i32
        %add3A_379 = arith.addi %mul3A_72, %add3A_378 : i32
        %get3A_380 = arith.index_cast %add3A_379 : i32 to index
        %get3A_381 = arith.constant 32 : index
        %get3A_382 = tpu.vector_load %arg6[%get3A_380, %get3A_381] {strides = array<i32>} : memref<128x128xi32, #tpu.memory_space<vmem>>, vector<16xi32>,
        %bitcast3A_383 = vector.bitcast %get3A_382 : vector<16xi32> to vector<32xbf16>
        %add3A_384 = arith.constant 14 : i32
        %add3A_385 = arith.addi %mul3A_72, %add3A_384 : i32
        %get3A_386 = arith.index_cast %add3A_385 : i32 to index
        %get3A_387 = arith.constant 32 : index
        %get3A_388 = tpu.vector_load %arg6[%get3A_386, %get3A_387] {strides = array<i32>} : memref<128x128xi32, #tpu.memory_space<vmem>>, vector<16xi32>,
        %bitcast3A_389 = vector.bitcast %get3A_388 : vector<16xi32> to vector<32xbf16>
        %add3A_390 = arith.constant 15 : i32
        %add3A_391 = arith.addi %mul3A_72, %add3A_390 : i32
        %get3A_392 = arith.index_cast %add3A_391 : i32 to index
        %get3A_393 = arith.constant 32 : index
        %get3A_394 = tpu.vector_load %arg6[%get3A_392, %get3A_393] {strides = array<i32>} : memref<128x128xi32, #tpu.memory_space<vmem>>, vector<16xi32>,
        %bitcast3A_395 = vector.bitcast %get3A_394 : vector<16xi32> to vector<32xbf16>
        %add3A_396 = arith.addf %bitcast3A_305, %bitcast3A_311 : vector<32xbf16>
        %add3A_397 = arith.addf %bitcast3A_317, %bitcast3A_323 : vector<32xbf16>
        %add3A_398 = arith.addf %bitcast3A_329, %bitcast3A_335 : vector<32xbf16>
        %add3A_399 = arith.addf %bitcast3A_341, %bitcast3A_347 : vector<32xbf16>
        %add3A_400 = arith.addf %bitcast3A_353, %bitcast3A_359 : vector<32xbf16>
        %add3A_401 = arith.addf %bitcast3A_365, %bitcast3A_371 : vector<32xbf16>
        %add3A_402 = arith.addf %bitcast3A_377, %bitcast3A_383 : vector<32xbf16>
        %add3A_403 = arith.addf %bitcast3A_389, %bitcast3A_395 : vector<32xbf16>
        %add3A_404 = arith.addf %add3A_396, %add3A_397 : vector<32xbf16>
        %add3A_405 = arith.addf %add3A_398, %add3A_399 : vector<32xbf16>
        %add3A_406 = arith.addf %add3A_400, %add3A_401 : vector<32xbf16>
        %add3A_407 = arith.addf %add3A_402, %add3A_403 : vector<32xbf16>
        %add3A_408 = arith.addf %add3A_404, %add3A_405 : vector<32xbf16>
        %add3A_409 = arith.addf %add3A_406, %add3A_407 : vector<32xbf16>
        %add3A_410 = arith.addf %add3A_408, %add3A_409 : vector<32xbf16>
        %bitcast3A_411 = vector.bitcast %add3A_410 : vector<32xbf16> to vector<16xi32>
        %swap3A_412 = arith.index_cast %scan3A_69 : i32 to index
        %swap3A_413 = arith.constant 32 : index
        %swap3A_414 = tpu.vector_load %arg8[%swap3A_412, %swap3A_413] {strides = array<i32>} : memref<8x128xi32, #tpu.memory_space<vmem>>, vector<16xi32>,
        tpu.vector_store %arg8[%swap3A_412, %swap3A_413], %bitcast3A_411 {strides = array<i32>} : memref<8x128xi32, #tpu.memory_space<vmem>>, vector<16xi32>,
        %add3A_415 = arith.constant 0 : i32
        %add3A_416 = arith.addi %mul3A_72, %add3A_415 : i32
        %get3A_417 = arith.index_cast %add3A_416 : i32 to index
        %get3A_418 = arith.constant 48 : index
        %get3A_419 = tpu.vector_load %arg6[%get3A_417, %get3A_418] {strides = array<i32>} : memref<128x128xi32, #tpu.memory_space<vmem>>, vector<16xi32>,
        %bitcast3A_420 = vector.bitcast %get3A_419 : vector<16xi32> to vector<32xbf16>
        %add3A_421 = arith.constant 1 : i32
        %add3A_422 = arith.addi %mul3A_72, %add3A_421 : i32
        %get3A_423 = arith.index_cast %add3A_422 : i32 to index
        %get3A_424 = arith.constant 48 : index
        %get3A_425 = tpu.vector_load %arg6[%get3A_423, %get3A_424] {strides = array<i32>} : memref<128x128xi32, #tpu.memory_space<vmem>>, vector<16xi32>,
        %bitcast3A_426 = vector.bitcast %get3A_425 : vector<16xi32> to vector<32xbf16>
        %add3A_427 = arith.constant 2 : i32
        %add3A_428 = arith.addi %mul3A_72, %add3A_427 : i32
        %get3A_429 = arith.index_cast %add3A_428 : i32 to index
        %get3A_430 = arith.constant 48 : index
        %get3A_431 = tpu.vector_load %arg6[%get3A_429, %get3A_430] {strides = array<i32>} : memref<128x128xi32, #tpu.memory_space<vmem>>, vector<16xi32>,
        %bitcast3A_432 = vector.bitcast %get3A_431 : vector<16xi32> to vector<32xbf16>
        %add3A_433 = arith.constant 3 : i32
        %add3A_434 = arith.addi %mul3A_72, %add3A_433 : i32
        %get3A_435 = arith.index_cast %add3A_434 : i32 to index
        %get3A_436 = arith.constant 48 : index
        %get3A_437 = tpu.vector_load %arg6[%get3A_435, %get3A_436] {strides = array<i32>} : memref<128x128xi32, #tpu.memory_space<vmem>>, vector<16xi32>,
        %bitcast3A_438 = vector.bitcast %get3A_437 : vector<16xi32> to vector<32xbf16>
        %add3A_439 = arith.constant 4 : i32
        %add3A_440 = arith.addi %mul3A_72, %add3A_439 : i32
        %get3A_441 = arith.index_cast %add3A_440 : i32 to index
        %get3A_442 = arith.constant 48 : index
        %get3A_443 = tpu.vector_load %arg6[%get3A_441, %get3A_442] {strides = array<i32>} : memref<128x128xi32, #tpu.memory_space<vmem>>, vector<16xi32>,
        %bitcast3A_444 = vector.bitcast %get3A_443 : vector<16xi32> to vector<32xbf16>
        %add3A_445 = arith.constant 5 : i32
        %add3A_446 = arith.addi %mul3A_72, %add3A_445 : i32
        %get3A_447 = arith.index_cast %add3A_446 : i32 to index
        %get3A_448 = arith.constant 48 : index
        %get3A_449 = tpu.vector_load %arg6[%get3A_447, %get3A_448] {strides = array<i32>} : memref<128x128xi32, #tpu.memory_space<vmem>>, vector<16xi32>,
        %bitcast3A_450 = vector.bitcast %get3A_449 : vector<16xi32> to vector<32xbf16>
        %add3A_451 = arith.constant 6 : i32
        %add3A_452 = arith.addi %mul3A_72, %add3A_451 : i32
        %get3A_453 = arith.index_cast %add3A_452 : i32 to index
        %get3A_454 = arith.constant 48 : index
        %get3A_455 = tpu.vector_load %arg6[%get3A_453, %get3A_454] {strides = array<i32>} : memref<128x128xi32, #tpu.memory_space<vmem>>, vector<16xi32>,
        %bitcast3A_456 = vector.bitcast %get3A_455 : vector<16xi32> to vector<32xbf16>
        %add3A_457 = arith.constant 7 : i32
        %add3A_458 = arith.addi %mul3A_72, %add3A_457 : i32
        %get3A_459 = arith.index_cast %add3A_458 : i32 to index
        %get3A_460 = arith.constant 48 : index
        %get3A_461 = tpu.vector_load %arg6[%get3A_459, %get3A_460] {strides = array<i32>} : memref<128x128xi32, #tpu.memory_space<vmem>>, vector<16xi32>,
        %bitcast3A_462 = vector.bitcast %get3A_461 : vector<16xi32> to vector<32xbf16>
        %add3A_463 = arith.constant 8 : i32
        %add3A_464 = arith.addi %mul3A_72, %add3A_463 : i32
        %get3A_465 = arith.index_cast %add3A_464 : i32 to index
        %get3A_466 = arith.constant 48 : index
        %get3A_467 = tpu.vector_load %arg6[%get3A_465, %get3A_466] {strides = array<i32>} : memref<128x128xi32, #tpu.memory_space<vmem>>, vector<16xi32>,
        %bitcast3A_468 = vector.bitcast %get3A_467 : vector<16xi32> to vector<32xbf16>
        %add3A_469 = arith.constant 9 : i32
        %add3A_470 = arith.addi %mul3A_72, %add3A_469 : i32
        %get3A_471 = arith.index_cast %add3A_470 : i32 to index
        %get3A_472 = arith.constant 48 : index
        %get3A_473 = tpu.vector_load %arg6[%get3A_471, %get3A_472] {strides = array<i32>} : memref<128x128xi32, #tpu.memory_space<vmem>>, vector<16xi32>,
        %bitcast3A_474 = vector.bitcast %get3A_473 : vector<16xi32> to vector<32xbf16>
        %add3A_475 = arith.constant 10 : i32
        %add3A_476 = arith.addi %mul3A_72, %add3A_475 : i32
        %get3A_477 = arith.index_cast %add3A_476 : i32 to index
        %get3A_478 = arith.constant 48 : index
        %get3A_479 = tpu.vector_load %arg6[%get3A_477, %get3A_478] {strides = array<i32>} : memref<128x128xi32, #tpu.memory_space<vmem>>, vector<16xi32>,
        %bitcast3A_480 = vector.bitcast %get3A_479 : vector<16xi32> to vector<32xbf16>
        %add3A_481 = arith.constant 11 : i32
        %add3A_482 = arith.addi %mul3A_72, %add3A_481 : i32
        %get3A_483 = arith.index_cast %add3A_482 : i32 to index
        %get3A_484 = arith.constant 48 : index
        %get3A_485 = tpu.vector_load %arg6[%get3A_483, %get3A_484] {strides = array<i32>} : memref<128x128xi32, #tpu.memory_space<vmem>>, vector<16xi32>,
        %bitcast3A_486 = vector.bitcast %get3A_485 : vector<16xi32> to vector<32xbf16>
        %add3A_487 = arith.constant 12 : i32
        %add3A_488 = arith.addi %mul3A_72, %add3A_487 : i32
        %get3A_489 = arith.index_cast %add3A_488 : i32 to index
        %get3A_490 = arith.constant 48 : index
        %get3A_491 = tpu.vector_load %arg6[%get3A_489, %get3A_490] {strides = array<i32>} : memref<128x128xi32, #tpu.memory_space<vmem>>, vector<16xi32>,
        %bitcast3A_492 = vector.bitcast %get3A_491 : vector<16xi32> to vector<32xbf16>
        %add3A_493 = arith.constant 13 : i32
        %add3A_494 = arith.addi %mul3A_72, %add3A_493 : i32
        %get3A_495 = arith.index_cast %add3A_494 : i32 to index
        %get3A_496 = arith.constant 48 : index
        %get3A_497 = tpu.vector_load %arg6[%get3A_495, %get3A_496] {strides = array<i32>} : memref<128x128xi32, #tpu.memory_space<vmem>>, vector<16xi32>,
        %bitcast3A_498 = vector.bitcast %get3A_497 : vector<16xi32> to vector<32xbf16>
        %add3A_499 = arith.constant 14 : i32
        %add3A_500 = arith.addi %mul3A_72, %add3A_499 : i32
        %get3A_501 = arith.index_cast %add3A_500 : i32 to index
        %get3A_502 = arith.constant 48 : index
        %get3A_503 = tpu.vector_load %arg6[%get3A_501, %get3A_502] {strides = array<i32>} : memref<128x128xi32, #tpu.memory_space<vmem>>, vector<16xi32>,
        %bitcast3A_504 = vector.bitcast %get3A_503 : vector<16xi32> to vector<32xbf16>
        %add3A_505 = arith.constant 15 : i32
        %add3A_506 = arith.addi %mul3A_72, %add3A_505 : i32
        %get3A_507 = arith.index_cast %add3A_506 : i32 to index
        %get3A_508 = arith.constant 48 : index
        %get3A_509 = tpu.vector_load %arg6[%get3A_507, %get3A_508] {strides = array<i32>} : memref<128x128xi32, #tpu.memory_space<vmem>>, vector<16xi32>,
        %bitcast3A_510 = vector.bitcast %get3A_509 : vector<16xi32> to vector<32xbf16>
        %add3A_511 = arith.addf %bitcast3A_420, %bitcast3A_426 : vector<32xbf16>
        %add3A_512 = arith.addf %bitcast3A_432, %bitcast3A_438 : vector<32xbf16>
        %add3A_513 = arith.addf %bitcast3A_444, %bitcast3A_450 : vector<32xbf16>
        %add3A_514 = arith.addf %bitcast3A_456, %bitcast3A_462 : vector<32xbf16>
        %add3A_515 = arith.addf %bitcast3A_468, %bitcast3A_474 : vector<32xbf16>
        %add3A_516 = arith.addf %bitcast3A_480, %bitcast3A_486 : vector<32xbf16>
        %add3A_517 = arith.addf %bitcast3A_492, %bitcast3A_498 : vector<32xbf16>
        %add3A_518 = arith.addf %bitcast3A_504, %bitcast3A_510 : vector<32xbf16>
        %add3A_519 = arith.addf %add3A_511, %add3A_512 : vector<32xbf16>
        %add3A_520 = arith.addf %add3A_513, %add3A_514 : vector<32xbf16>
        %add3A_521 = arith.addf %add3A_515, %add3A_516 : vector<32xbf16>
        %add3A_522 = arith.addf %add3A_517, %add3A_518 : vector<32xbf16>
        %add3A_523 = arith.addf %add3A_519, %add3A_520 : vector<32xbf16>
        %add3A_524 = arith.addf %add3A_521, %add3A_522 : vector<32xbf16>
        %add3A_525 = arith.addf %add3A_523, %add3A_524 : vector<32xbf16>
        %bitcast3A_526 = vector.bitcast %add3A_525 : vector<32xbf16> to vector<16xi32>
        %swap3A_527 = arith.index_cast %scan3A_69 : i32 to index
        %swap3A_528 = arith.constant 48 : index
        %swap3A_529 = tpu.vector_load %arg8[%swap3A_527, %swap3A_528] {strides = array<i32>} : memref<8x128xi32, #tpu.memory_space<vmem>>, vector<16xi32>,
        tpu.vector_store %arg8[%swap3A_527, %swap3A_528], %bitcast3A_526 {strides = array<i32>} : memref<8x128xi32, #tpu.memory_space<vmem>>, vector<16xi32>,
        %add3A_530 = arith.constant 0 : i32
        %add3A_531 = arith.addi %mul3A_72, %add3A_530 : i32
        %get3A_532 = arith.index_cast %add3A_531 : i32 to index
        %get3A_533 = arith.constant 64 : index
        %get3A_534 = tpu.vector_load %arg6[%get3A_532, %get3A_533] {strides = array<i32>} : memref<128x128xi32, #tpu.memory_space<vmem>>, vector<16xi32>,
        %bitcast3A_535 = vector.bitcast %get3A_534 : vector<16xi32> to vector<32xbf16>
        %add3A_536 = arith.constant 1 : i32
        %add3A_537 = arith.addi %mul3A_72, %add3A_536 : i32
        %get3A_538 = arith.index_cast %add3A_537 : i32 to index
        %get3A_539 = arith.constant 64 : index
        %get3A_540 = tpu.vector_load %arg6[%get3A_538, %get3A_539] {strides = array<i32>} : memref<128x128xi32, #tpu.memory_space<vmem>>, vector<16xi32>,
        %bitcast3A_541 = vector.bitcast %get3A_540 : vector<16xi32> to vector<32xbf16>
        %add3A_542 = arith.constant 2 : i32
        %add3A_543 = arith.addi %mul3A_72, %add3A_542 : i32
        %get3A_544 = arith.index_cast %add3A_543 : i32 to index
        %get3A_545 = arith.constant 64 : index
        %get3A_546 = tpu.vector_load %arg6[%get3A_544, %get3A_545] {strides = array<i32>} : memref<128x128xi32, #tpu.memory_space<vmem>>, vector<16xi32>,
        %bitcast3A_547 = vector.bitcast %get3A_546 : vector<16xi32> to vector<32xbf16>
        %add3A_548 = arith.constant 3 : i32
        %add3A_549 = arith.addi %mul3A_72, %add3A_548 : i32
        %get3A_550 = arith.index_cast %add3A_549 : i32 to index
        %get3A_551 = arith.constant 64 : index
        %get3A_552 = tpu.vector_load %arg6[%get3A_550, %get3A_551] {strides = array<i32>} : memref<128x128xi32, #tpu.memory_space<vmem>>, vector<16xi32>,
        %bitcast3A_553 = vector.bitcast %get3A_552 : vector<16xi32> to vector<32xbf16>
        %add3A_554 = arith.constant 4 : i32
        %add3A_555 = arith.addi %mul3A_72, %add3A_554 : i32
        %get3A_556 = arith.index_cast %add3A_555 : i32 to index
        %get3A_557 = arith.constant 64 : index
        %get3A_558 = tpu.vector_load %arg6[%get3A_556, %get3A_557] {strides = array<i32>} : memref<128x128xi32, #tpu.memory_space<vmem>>, vector<16xi32>,
        %bitcast3A_559 = vector.bitcast %get3A_558 : vector<16xi32> to vector<32xbf16>
        %add3A_560 = arith.constant 5 : i32
        %add3A_561 = arith.addi %mul3A_72, %add3A_560 : i32
        %get3A_562 = arith.index_cast %add3A_561 : i32 to index
        %get3A_563 = arith.constant 64 : index
        %get3A_564 = tpu.vector_load %arg6[%get3A_562, %get3A_563] {strides = array<i32>} : memref<128x128xi32, #tpu.memory_space<vmem>>, vector<16xi32>,
        %bitcast3A_565 = vector.bitcast %get3A_564 : vector<16xi32> to vector<32xbf16>
        %add3A_566 = arith.constant 6 : i32
        %add3A_567 = arith.addi %mul3A_72, %add3A_566 : i32
        %get3A_568 = arith.index_cast %add3A_567 : i32 to index
        %get3A_569 = arith.constant 64 : index
        %get3A_570 = tpu.vector_load %arg6[%get3A_568, %get3A_569] {strides = array<i32>} : memref<128x128xi32, #tpu.memory_space<vmem>>, vector<16xi32>,
        %bitcast3A_571 = vector.bitcast %get3A_570 : vector<16xi32> to vector<32xbf16>
        %add3A_572 = arith.constant 7 : i32
        %add3A_573 = arith.addi %mul3A_72, %add3A_572 : i32
        %get3A_574 = arith.index_cast %add3A_573 : i32 to index
        %get3A_575 = arith.constant 64 : index
        %get3A_576 = tpu.vector_load %arg6[%get3A_574, %get3A_575] {strides = array<i32>} : memref<128x128xi32, #tpu.memory_space<vmem>>, vector<16xi32>,
        %bitcast3A_577 = vector.bitcast %get3A_576 : vector<16xi32> to vector<32xbf16>
        %add3A_578 = arith.constant 8 : i32
        %add3A_579 = arith.addi %mul3A_72, %add3A_578 : i32
        %get3A_580 = arith.index_cast %add3A_579 : i32 to index
        %get3A_581 = arith.constant 64 : index
        %get3A_582 = tpu.vector_load %arg6[%get3A_580, %get3A_581] {strides = array<i32>} : memref<128x128xi32, #tpu.memory_space<vmem>>, vector<16xi32>,
        %bitcast3A_583 = vector.bitcast %get3A_582 : vector<16xi32> to vector<32xbf16>
        %add3A_584 = arith.constant 9 : i32
        %add3A_585 = arith.addi %mul3A_72, %add3A_584 : i32
        %get3A_586 = arith.index_cast %add3A_585 : i32 to index
        %get3A_587 = arith.constant 64 : index
        %get3A_588 = tpu.vector_load %arg6[%get3A_586, %get3A_587] {strides = array<i32>} : memref<128x128xi32, #tpu.memory_space<vmem>>, vector<16xi32>,
        %bitcast3A_589 = vector.bitcast %get3A_588 : vector<16xi32> to vector<32xbf16>
        %add3A_590 = arith.constant 10 : i32
        %add3A_591 = arith.addi %mul3A_72, %add3A_590 : i32
        %get3A_592 = arith.index_cast %add3A_591 : i32 to index
        %get3A_593 = arith.constant 64 : index
        %get3A_594 = tpu.vector_load %arg6[%get3A_592, %get3A_593] {strides = array<i32>} : memref<128x128xi32, #tpu.memory_space<vmem>>, vector<16xi32>,
        %bitcast3A_595 = vector.bitcast %get3A_594 : vector<16xi32> to vector<32xbf16>
        %add3A_596 = arith.constant 11 : i32
        %add3A_597 = arith.addi %mul3A_72, %add3A_596 : i32
        %get3A_598 = arith.index_cast %add3A_597 : i32 to index
        %get3A_599 = arith.constant 64 : index
        %get3A_600 = tpu.vector_load %arg6[%get3A_598, %get3A_599] {strides = array<i32>} : memref<128x128xi32, #tpu.memory_space<vmem>>, vector<16xi32>,
        %bitcast3A_601 = vector.bitcast %get3A_600 : vector<16xi32> to vector<32xbf16>
        %add3A_602 = arith.constant 12 : i32
        %add3A_603 = arith.addi %mul3A_72, %add3A_602 : i32
        %get3A_604 = arith.index_cast %add3A_603 : i32 to index
        %get3A_605 = arith.constant 64 : index
        %get3A_606 = tpu.vector_load %arg6[%get3A_604, %get3A_605] {strides = array<i32>} : memref<128x128xi32, #tpu.memory_space<vmem>>, vector<16xi32>,
        %bitcast3A_607 = vector.bitcast %get3A_606 : vector<16xi32> to vector<32xbf16>
        %add3A_608 = arith.constant 13 : i32
        %add3A_609 = arith.addi %mul3A_72, %add3A_608 : i32
        %get3A_610 = arith.index_cast %add3A_609 : i32 to index
        %get3A_611 = arith.constant 64 : index
        %get3A_612 = tpu.vector_load %arg6[%get3A_610, %get3A_611] {strides = array<i32>} : memref<128x128xi32, #tpu.memory_space<vmem>>, vector<16xi32>,
        %bitcast3A_613 = vector.bitcast %get3A_612 : vector<16xi32> to vector<32xbf16>
        %add3A_614 = arith.constant 14 : i32
        %add3A_615 = arith.addi %mul3A_72, %add3A_614 : i32
        %get3A_616 = arith.index_cast %add3A_615 : i32 to index
        %get3A_617 = arith.constant 64 : index
        %get3A_618 = tpu.vector_load %arg6[%get3A_616, %get3A_617] {strides = array<i32>} : memref<128x128xi32, #tpu.memory_space<vmem>>, vector<16xi32>,
        %bitcast3A_619 = vector.bitcast %get3A_618 : vector<16xi32> to vector<32xbf16>
        %add3A_620 = arith.constant 15 : i32
        %add3A_621 = arith.addi %mul3A_72, %add3A_620 : i32
        %get3A_622 = arith.index_cast %add3A_621 : i32 to index
        %get3A_623 = arith.constant 64 : index
        %get3A_624 = tpu.vector_load %arg6[%get3A_622, %get3A_623] {strides = array<i32>} : memref<128x128xi32, #tpu.memory_space<vmem>>, vector<16xi32>,
        %bitcast3A_625 = vector.bitcast %get3A_624 : vector<16xi32> to vector<32xbf16>
        %add3A_626 = arith.addf %bitcast3A_535, %bitcast3A_541 : vector<32xbf16>
        %add3A_627 = arith.addf %bitcast3A_547, %bitcast3A_553 : vector<32xbf16>
        %add3A_628 = arith.addf %bitcast3A_559, %bitcast3A_565 : vector<32xbf16>
        %add3A_629 = arith.addf %bitcast3A_571, %bitcast3A_577 : vector<32xbf16>
        %add3A_630 = arith.addf %bitcast3A_583, %bitcast3A_589 : vector<32xbf16>
        %add3A_631 = arith.addf %bitcast3A_595, %bitcast3A_601 : vector<32xbf16>
        %add3A_632 = arith.addf %bitcast3A_607, %bitcast3A_613 : vector<32xbf16>
        %add3A_633 = arith.addf %bitcast3A_619, %bitcast3A_625 : vector<32xbf16>
        %add3A_634 = arith.addf %add3A_626, %add3A_627 : vector<32xbf16>
        %add3A_635 = arith.addf %add3A_628, %add3A_629 : vector<32xbf16>
        %add3A_636 = arith.addf %add3A_630, %add3A_631 : vector<32xbf16>
        %add3A_637 = arith.addf %add3A_632, %add3A_633 : vector<32xbf16>
        %add3A_638 = arith.addf %add3A_634, %add3A_635 : vector<32xbf16>
        %add3A_639 = arith.addf %add3A_636, %add3A_637 : vector<32xbf16>
        %add3A_640 = arith.addf %add3A_638, %add3A_639 : vector<32xbf16>
        %bitcast3A_641 = vector.bitcast %add3A_640 : vector<32xbf16> to vector<16xi32>
        %swap3A_642 = arith.index_cast %scan3A_69 : i32 to index
        %swap3A_643 = arith.constant 64 : index
        %swap3A_644 = tpu.vector_load %arg8[%swap3A_642, %swap3A_643] {strides = array<i32>} : memref<8x128xi32, #tpu.memory_space<vmem>>, vector<16xi32>,
        tpu.vector_store %arg8[%swap3A_642, %swap3A_643], %bitcast3A_641 {strides = array<i32>} : memref<8x128xi32, #tpu.memory_space<vmem>>, vector<16xi32>,
        %add3A_645 = arith.constant 0 : i32
        %add3A_646 = arith.addi %mul3A_72, %add3A_645 : i32
        %get3A_647 = arith.index_cast %add3A_646 : i32 to index
        %get3A_648 = arith.constant 80 : index
        %get3A_649 = tpu.vector_load %arg6[%get3A_647, %get3A_648] {strides = array<i32>} : memref<128x128xi32, #tpu.memory_space<vmem>>, vector<16xi32>,
        %bitcast3A_650 = vector.bitcast %get3A_649 : vector<16xi32> to vector<32xbf16>
        %add3A_651 = arith.constant 1 : i32
        %add3A_652 = arith.addi %mul3A_72, %add3A_651 : i32
        %get3A_653 = arith.index_cast %add3A_652 : i32 to index
        %get3A_654 = arith.constant 80 : index
        %get3A_655 = tpu.vector_load %arg6[%get3A_653, %get3A_654] {strides = array<i32>} : memref<128x128xi32, #tpu.memory_space<vmem>>, vector<16xi32>,
        %bitcast3A_656 = vector.bitcast %get3A_655 : vector<16xi32> to vector<32xbf16>
        %add3A_657 = arith.constant 2 : i32
        %add3A_658 = arith.addi %mul3A_72, %add3A_657 : i32
        %get3A_659 = arith.index_cast %add3A_658 : i32 to index
        %get3A_660 = arith.constant 80 : index
        %get3A_661 = tpu.vector_load %arg6[%get3A_659, %get3A_660] {strides = array<i32>} : memref<128x128xi32, #tpu.memory_space<vmem>>, vector<16xi32>,
        %bitcast3A_662 = vector.bitcast %get3A_661 : vector<16xi32> to vector<32xbf16>
        %add3A_663 = arith.constant 3 : i32
        %add3A_664 = arith.addi %mul3A_72, %add3A_663 : i32
        %get3A_665 = arith.index_cast %add3A_664 : i32 to index
        %get3A_666 = arith.constant 80 : index
        %get3A_667 = tpu.vector_load %arg6[%get3A_665, %get3A_666] {strides = array<i32>} : memref<128x128xi32, #tpu.memory_space<vmem>>, vector<16xi32>,
        %bitcast3A_668 = vector.bitcast %get3A_667 : vector<16xi32> to vector<32xbf16>
        %add3A_669 = arith.constant 4 : i32
        %add3A_670 = arith.addi %mul3A_72, %add3A_669 : i32
        %get3A_671 = arith.index_cast %add3A_670 : i32 to index
        %get3A_672 = arith.constant 80 : index
        %get3A_673 = tpu.vector_load %arg6[%get3A_671, %get3A_672] {strides = array<i32>} : memref<128x128xi32, #tpu.memory_space<vmem>>, vector<16xi32>,
        %bitcast3A_674 = vector.bitcast %get3A_673 : vector<16xi32> to vector<32xbf16>
        %add3A_675 = arith.constant 5 : i32
        %add3A_676 = arith.addi %mul3A_72, %add3A_675 : i32
        %get3A_677 = arith.index_cast %add3A_676 : i32 to index
        %get3A_678 = arith.constant 80 : index
        %get3A_679 = tpu.vector_load %arg6[%get3A_677, %get3A_678] {strides = array<i32>} : memref<128x128xi32, #tpu.memory_space<vmem>>, vector<16xi32>,
        %bitcast3A_680 = vector.bitcast %get3A_679 : vector<16xi32> to vector<32xbf16>
        %add3A_681 = arith.constant 6 : i32
        %add3A_682 = arith.addi %mul3A_72, %add3A_681 : i32
        %get3A_683 = arith.index_cast %add3A_682 : i32 to index
        %get3A_684 = arith.constant 80 : index
        %get3A_685 = tpu.vector_load %arg6[%get3A_683, %get3A_684] {strides = array<i32>} : memref<128x128xi32, #tpu.memory_space<vmem>>, vector<16xi32>,
        %bitcast3A_686 = vector.bitcast %get3A_685 : vector<16xi32> to vector<32xbf16>
        %add3A_687 = arith.constant 7 : i32
        %add3A_688 = arith.addi %mul3A_72, %add3A_687 : i32
        %get3A_689 = arith.index_cast %add3A_688 : i32 to index
        %get3A_690 = arith.constant 80 : index
        %get3A_691 = tpu.vector_load %arg6[%get3A_689, %get3A_690] {strides = array<i32>} : memref<128x128xi32, #tpu.memory_space<vmem>>, vector<16xi32>,
        %bitcast3A_692 = vector.bitcast %get3A_691 : vector<16xi32> to vector<32xbf16>
        %add3A_693 = arith.constant 8 : i32
        %add3A_694 = arith.addi %mul3A_72, %add3A_693 : i32
        %get3A_695 = arith.index_cast %add3A_694 : i32 to index
        %get3A_696 = arith.constant 80 : index
        %get3A_697 = tpu.vector_load %arg6[%get3A_695, %get3A_696] {strides = array<i32>} : memref<128x128xi32, #tpu.memory_space<vmem>>, vector<16xi32>,
        %bitcast3A_698 = vector.bitcast %get3A_697 : vector<16xi32> to vector<32xbf16>
        %add3A_699 = arith.constant 9 : i32
        %add3A_700 = arith.addi %mul3A_72, %add3A_699 : i32
        %get3A_701 = arith.index_cast %add3A_700 : i32 to index
        %get3A_702 = arith.constant 80 : index
        %get3A_703 = tpu.vector_load %arg6[%get3A_701, %get3A_702] {strides = array<i32>} : memref<128x128xi32, #tpu.memory_space<vmem>>, vector<16xi32>,
        %bitcast3A_704 = vector.bitcast %get3A_703 : vector<16xi32> to vector<32xbf16>
        %add3A_705 = arith.constant 10 : i32
        %add3A_706 = arith.addi %mul3A_72, %add3A_705 : i32
        %get3A_707 = arith.index_cast %add3A_706 : i32 to index
        %get3A_708 = arith.constant 80 : index
        %get3A_709 = tpu.vector_load %arg6[%get3A_707, %get3A_708] {strides = array<i32>} : memref<128x128xi32, #tpu.memory_space<vmem>>, vector<16xi32>,
        %bitcast3A_710 = vector.bitcast %get3A_709 : vector<16xi32> to vector<32xbf16>
        %add3A_711 = arith.constant 11 : i32
        %add3A_712 = arith.addi %mul3A_72, %add3A_711 : i32
        %get3A_713 = arith.index_cast %add3A_712 : i32 to index
        %get3A_714 = arith.constant 80 : index
        %get3A_715 = tpu.vector_load %arg6[%get3A_713, %get3A_714] {strides = array<i32>} : memref<128x128xi32, #tpu.memory_space<vmem>>, vector<16xi32>,
        %bitcast3A_716 = vector.bitcast %get3A_715 : vector<16xi32> to vector<32xbf16>
        %add3A_717 = arith.constant 12 : i32
        %add3A_718 = arith.addi %mul3A_72, %add3A_717 : i32
        %get3A_719 = arith.index_cast %add3A_718 : i32 to index
        %get3A_720 = arith.constant 80 : index
        %get3A_721 = tpu.vector_load %arg6[%get3A_719, %get3A_720] {strides = array<i32>} : memref<128x128xi32, #tpu.memory_space<vmem>>, vector<16xi32>,
        %bitcast3A_722 = vector.bitcast %get3A_721 : vector<16xi32> to vector<32xbf16>
        %add3A_723 = arith.constant 13 : i32
        %add3A_724 = arith.addi %mul3A_72, %add3A_723 : i32
        %get3A_725 = arith.index_cast %add3A_724 : i32 to index
        %get3A_726 = arith.constant 80 : index
        %get3A_727 = tpu.vector_load %arg6[%get3A_725, %get3A_726] {strides = array<i32>} : memref<128x128xi32, #tpu.memory_space<vmem>>, vector<16xi32>,
        %bitcast3A_728 = vector.bitcast %get3A_727 : vector<16xi32> to vector<32xbf16>
        %add3A_729 = arith.constant 14 : i32
        %add3A_730 = arith.addi %mul3A_72, %add3A_729 : i32
        %get3A_731 = arith.index_cast %add3A_730 : i32 to index
        %get3A_732 = arith.constant 80 : index
        %get3A_733 = tpu.vector_load %arg6[%get3A_731, %get3A_732] {strides = array<i32>} : memref<128x128xi32, #tpu.memory_space<vmem>>, vector<16xi32>,
        %bitcast3A_734 = vector.bitcast %get3A_733 : vector<16xi32> to vector<32xbf16>
        %add3A_735 = arith.constant 15 : i32
        %add3A_736 = arith.addi %mul3A_72, %add3A_735 : i32
        %get3A_737 = arith.index_cast %add3A_736 : i32 to index
        %get3A_738 = arith.constant 80 : index
        %get3A_739 = tpu.vector_load %arg6[%get3A_737, %get3A_738] {strides = array<i32>} : memref<128x128xi32, #tpu.memory_space<vmem>>, vector<16xi32>,
        %bitcast3A_740 = vector.bitcast %get3A_739 : vector<16xi32> to vector<32xbf16>
        %add3A_741 = arith.addf %bitcast3A_650, %bitcast3A_656 : vector<32xbf16>
        %add3A_742 = arith.addf %bitcast3A_662, %bitcast3A_668 : vector<32xbf16>
        %add3A_743 = arith.addf %bitcast3A_674, %bitcast3A_680 : vector<32xbf16>
        %add3A_744 = arith.addf %bitcast3A_686, %bitcast3A_692 : vector<32xbf16>
        %add3A_745 = arith.addf %bitcast3A_698, %bitcast3A_704 : vector<32xbf16>
        %add3A_746 = arith.addf %bitcast3A_710, %bitcast3A_716 : vector<32xbf16>
        %add3A_747 = arith.addf %bitcast3A_722, %bitcast3A_728 : vector<32xbf16>
        %add3A_748 = arith.addf %bitcast3A_734, %bitcast3A_740 : vector<32xbf16>
        %add3A_749 = arith.addf %add3A_741, %add3A_742 : vector<32xbf16>
        %add3A_750 = arith.addf %add3A_743, %add3A_744 : vector<32xbf16>
        %add3A_751 = arith.addf %add3A_745, %add3A_746 : vector<32xbf16>
        %add3A_752 = arith.addf %add3A_747, %add3A_748 : vector<32xbf16>
        %add3A_753 = arith.addf %add3A_749, %add3A_750 : vector<32xbf16>
        %add3A_754 = arith.addf %add3A_751, %add3A_752 : vector<32xbf16>
        %add3A_755 = arith.addf %add3A_753, %add3A_754 : vector<32xbf16>
        %bitcast3A_756 = vector.bitcast %add3A_755 : vector<32xbf16> to vector<16xi32>
        %swap3A_757 = arith.index_cast %scan3A_69 : i32 to index
        %swap3A_758 = arith.constant 80 : index
        %swap3A_759 = tpu.vector_load %arg8[%swap3A_757, %swap3A_758] {strides = array<i32>} : memref<8x128xi32, #tpu.memory_space<vmem>>, vector<16xi32>,
        tpu.vector_store %arg8[%swap3A_757, %swap3A_758], %bitcast3A_756 {strides = array<i32>} : memref<8x128xi32, #tpu.memory_space<vmem>>, vector<16xi32>,
        %add3A_760 = arith.constant 0 : i32
        %add3A_761 = arith.addi %mul3A_72, %add3A_760 : i32
        %get3A_762 = arith.index_cast %add3A_761 : i32 to index
        %get3A_763 = arith.constant 96 : index
        %get3A_764 = tpu.vector_load %arg6[%get3A_762, %get3A_763] {strides = array<i32>} : memref<128x128xi32, #tpu.memory_space<vmem>>, vector<16xi32>,
        %bitcast3A_765 = vector.bitcast %get3A_764 : vector<16xi32> to vector<32xbf16>
        %add3A_766 = arith.constant 1 : i32
        %add3A_767 = arith.addi %mul3A_72, %add3A_766 : i32
        %get3A_768 = arith.index_cast %add3A_767 : i32 to index
        %get3A_769 = arith.constant 96 : index
        %get3A_770 = tpu.vector_load %arg6[%get3A_768, %get3A_769] {strides = array<i32>} : memref<128x128xi32, #tpu.memory_space<vmem>>, vector<16xi32>,
        %bitcast3A_771 = vector.bitcast %get3A_770 : vector<16xi32> to vector<32xbf16>
        %add3A_772 = arith.constant 2 : i32
        %add3A_773 = arith.addi %mul3A_72, %add3A_772 : i32
        %get3A_774 = arith.index_cast %add3A_773 : i32 to index
        %get3A_775 = arith.constant 96 : index
        %get3A_776 = tpu.vector_load %arg6[%get3A_774, %get3A_775] {strides = array<i32>} : memref<128x128xi32, #tpu.memory_space<vmem>>, vector<16xi32>,
        %bitcast3A_777 = vector.bitcast %get3A_776 : vector<16xi32> to vector<32xbf16>
        %add3A_778 = arith.constant 3 : i32
        %add3A_779 = arith.addi %mul3A_72, %add3A_778 : i32
        %get3A_780 = arith.index_cast %add3A_779 : i32 to index
        %get3A_781 = arith.constant 96 : index
        %get3A_782 = tpu.vector_load %arg6[%get3A_780, %get3A_781] {strides = array<i32>} : memref<128x128xi32, #tpu.memory_space<vmem>>, vector<16xi32>,
        %bitcast3A_783 = vector.bitcast %get3A_782 : vector<16xi32> to vector<32xbf16>
        %add3A_784 = arith.constant 4 : i32
        %add3A_785 = arith.addi %mul3A_72, %add3A_784 : i32
        %get3A_786 = arith.index_cast %add3A_785 : i32 to index
        %get3A_787 = arith.constant 96 : index
        %get3A_788 = tpu.vector_load %arg6[%get3A_786, %get3A_787] {strides = array<i32>} : memref<128x128xi32, #tpu.memory_space<vmem>>, vector<16xi32>,
        %bitcast3A_789 = vector.bitcast %get3A_788 : vector<16xi32> to vector<32xbf16>
        %add3A_790 = arith.constant 5 : i32
        %add3A_791 = arith.addi %mul3A_72, %add3A_790 : i32
        %get3A_792 = arith.index_cast %add3A_791 : i32 to index
        %get3A_793 = arith.constant 96 : index
        %get3A_794 = tpu.vector_load %arg6[%get3A_792, %get3A_793] {strides = array<i32>} : memref<128x128xi32, #tpu.memory_space<vmem>>, vector<16xi32>,
        %bitcast3A_795 = vector.bitcast %get3A_794 : vector<16xi32> to vector<32xbf16>
        %add3A_796 = arith.constant 6 : i32
        %add3A_797 = arith.addi %mul3A_72, %add3A_796 : i32
        %get3A_798 = arith.index_cast %add3A_797 : i32 to index
        %get3A_799 = arith.constant 96 : index
        %get3A_800 = tpu.vector_load %arg6[%get3A_798, %get3A_799] {strides = array<i32>} : memref<128x128xi32, #tpu.memory_space<vmem>>, vector<16xi32>,
        %bitcast3A_801 = vector.bitcast %get3A_800 : vector<16xi32> to vector<32xbf16>
        %add3A_802 = arith.constant 7 : i32
        %add3A_803 = arith.addi %mul3A_72, %add3A_802 : i32
        %get3A_804 = arith.index_cast %add3A_803 : i32 to index
        %get3A_805 = arith.constant 96 : index
        %get3A_806 = tpu.vector_load %arg6[%get3A_804, %get3A_805] {strides = array<i32>} : memref<128x128xi32, #tpu.memory_space<vmem>>, vector<16xi32>,
        %bitcast3A_807 = vector.bitcast %get3A_806 : vector<16xi32> to vector<32xbf16>
        %add3A_808 = arith.constant 8 : i32
        %add3A_809 = arith.addi %mul3A_72, %add3A_808 : i32
        %get3A_810 = arith.index_cast %add3A_809 : i32 to index
        %get3A_811 = arith.constant 96 : index
        %get3A_812 = tpu.vector_load %arg6[%get3A_810, %get3A_811] {strides = array<i32>} : memref<128x128xi32, #tpu.memory_space<vmem>>, vector<16xi32>,
        %bitcast3A_813 = vector.bitcast %get3A_812 : vector<16xi32> to vector<32xbf16>
        %add3A_814 = arith.constant 9 : i32
        %add3A_815 = arith.addi %mul3A_72, %add3A_814 : i32
        %get3A_816 = arith.index_cast %add3A_815 : i32 to index
        %get3A_817 = arith.constant 96 : index
        %get3A_818 = tpu.vector_load %arg6[%get3A_816, %get3A_817] {strides = array<i32>} : memref<128x128xi32, #tpu.memory_space<vmem>>, vector<16xi32>,
        %bitcast3A_819 = vector.bitcast %get3A_818 : vector<16xi32> to vector<32xbf16>
        %add3A_820 = arith.constant 10 : i32
        %add3A_821 = arith.addi %mul3A_72, %add3A_820 : i32
        %get3A_822 = arith.index_cast %add3A_821 : i32 to index
        %get3A_823 = arith.constant 96 : index
        %get3A_824 = tpu.vector_load %arg6[%get3A_822, %get3A_823] {strides = array<i32>} : memref<128x128xi32, #tpu.memory_space<vmem>>, vector<16xi32>,
        %bitcast3A_825 = vector.bitcast %get3A_824 : vector<16xi32> to vector<32xbf16>
        %add3A_826 = arith.constant 11 : i32
        %add3A_827 = arith.addi %mul3A_72, %add3A_826 : i32
        %get3A_828 = arith.index_cast %add3A_827 : i32 to index
        %get3A_829 = arith.constant 96 : index
        %get3A_830 = tpu.vector_load %arg6[%get3A_828, %get3A_829] {strides = array<i32>} : memref<128x128xi32, #tpu.memory_space<vmem>>, vector<16xi32>,
        %bitcast3A_831 = vector.bitcast %get3A_830 : vector<16xi32> to vector<32xbf16>
        %add3A_832 = arith.constant 12 : i32
        %add3A_833 = arith.addi %mul3A_72, %add3A_832 : i32
        %get3A_834 = arith.index_cast %add3A_833 : i32 to index
        %get3A_835 = arith.constant 96 : index
        %get3A_836 = tpu.vector_load %arg6[%get3A_834, %get3A_835] {strides = array<i32>} : memref<128x128xi32, #tpu.memory_space<vmem>>, vector<16xi32>,
        %bitcast3A_837 = vector.bitcast %get3A_836 : vector<16xi32> to vector<32xbf16>
        %add3A_838 = arith.constant 13 : i32
        %add3A_839 = arith.addi %mul3A_72, %add3A_838 : i32
        %get3A_840 = arith.index_cast %add3A_839 : i32 to index
        %get3A_841 = arith.constant 96 : index
        %get3A_842 = tpu.vector_load %arg6[%get3A_840, %get3A_841] {strides = array<i32>} : memref<128x128xi32, #tpu.memory_space<vmem>>, vector<16xi32>,
        %bitcast3A_843 = vector.bitcast %get3A_842 : vector<16xi32> to vector<32xbf16>
        %add3A_844 = arith.constant 14 : i32
        %add3A_845 = arith.addi %mul3A_72, %add3A_844 : i32
        %get3A_846 = arith.index_cast %add3A_845 : i32 to index
        %get3A_847 = arith.constant 96 : index
        %get3A_848 = tpu.vector_load %arg6[%get3A_846, %get3A_847] {strides = array<i32>} : memref<128x128xi32, #tpu.memory_space<vmem>>, vector<16xi32>,
        %bitcast3A_849 = vector.bitcast %get3A_848 : vector<16xi32> to vector<32xbf16>
        %add3A_850 = arith.constant 15 : i32
        %add3A_851 = arith.addi %mul3A_72, %add3A_850 : i32
        %get3A_852 = arith.index_cast %add3A_851 : i32 to index
        %get3A_853 = arith.constant 96 : index
        %get3A_854 = tpu.vector_load %arg6[%get3A_852, %get3A_853] {strides = array<i32>} : memref<128x128xi32, #tpu.memory_space<vmem>>, vector<16xi32>,
        %bitcast3A_855 = vector.bitcast %get3A_854 : vector<16xi32> to vector<32xbf16>
        %add3A_856 = arith.addf %bitcast3A_765, %bitcast3A_771 : vector<32xbf16>
        %add3A_857 = arith.addf %bitcast3A_777, %bitcast3A_783 : vector<32xbf16>
        %add3A_858 = arith.addf %bitcast3A_789, %bitcast3A_795 : vector<32xbf16>
        %add3A_859 = arith.addf %bitcast3A_801, %bitcast3A_807 : vector<32xbf16>
        %add3A_860 = arith.addf %bitcast3A_813, %bitcast3A_819 : vector<32xbf16>
        %add3A_861 = arith.addf %bitcast3A_825, %bitcast3A_831 : vector<32xbf16>
        %add3A_862 = arith.addf %bitcast3A_837, %bitcast3A_843 : vector<32xbf16>
        %add3A_863 = arith.addf %bitcast3A_849, %bitcast3A_855 : vector<32xbf16>
        %add3A_864 = arith.addf %add3A_856, %add3A_857 : vector<32xbf16>
        %add3A_865 = arith.addf %add3A_858, %add3A_859 : vector<32xbf16>
        %add3A_866 = arith.addf %add3A_860, %add3A_861 : vector<32xbf16>
        %add3A_867 = arith.addf %add3A_862, %add3A_863 : vector<32xbf16>
        %add3A_868 = arith.addf %add3A_864, %add3A_865 : vector<32xbf16>
        %add3A_869 = arith.addf %add3A_866, %add3A_867 : vector<32xbf16>
        %add3A_870 = arith.addf %add3A_868, %add3A_869 : vector<32xbf16>
        %bitcast3A_871 = vector.bitcast %add3A_870 : vector<32xbf16> to vector<16xi32>
        %swap3A_872 = arith.index_cast %scan3A_69 : i32 to index
        %swap3A_873 = arith.constant 96 : index
        %swap3A_874 = tpu.vector_load %arg8[%swap3A_872, %swap3A_873] {strides = array<i32>} : memref<8x128xi32, #tpu.memory_space<vmem>>, vector<16xi32>,
        tpu.vector_store %arg8[%swap3A_872, %swap3A_873], %bitcast3A_871 {strides = array<i32>} : memref<8x128xi32, #tpu.memory_space<vmem>>, vector<16xi32>,
        %add3A_875 = arith.constant 0 : i32
        %add3A_876 = arith.addi %mul3A_72, %add3A_875 : i32
        %get3A_877 = arith.index_cast %add3A_876 : i32 to index
        %get3A_878 = arith.constant 112 : index
        %get3A_879 = tpu.vector_load %arg6[%get3A_877, %get3A_878] {strides = array<i32>} : memref<128x128xi32, #tpu.memory_space<vmem>>, vector<16xi32>,
        %bitcast3A_880 = vector.bitcast %get3A_879 : vector<16xi32> to vector<32xbf16>
        %add3A_881 = arith.constant 1 : i32
        %add3A_882 = arith.addi %mul3A_72, %add3A_881 : i32
        %get3A_883 = arith.index_cast %add3A_882 : i32 to index
        %get3A_884 = arith.constant 112 : index
        %get3A_885 = tpu.vector_load %arg6[%get3A_883, %get3A_884] {strides = array<i32>} : memref<128x128xi32, #tpu.memory_space<vmem>>, vector<16xi32>,
        %bitcast3A_886 = vector.bitcast %get3A_885 : vector<16xi32> to vector<32xbf16>
        %add3A_887 = arith.constant 2 : i32
        %add3A_888 = arith.addi %mul3A_72, %add3A_887 : i32
        %get3A_889 = arith.index_cast %add3A_888 : i32 to index
        %get3A_890 = arith.constant 112 : index
        %get3A_891 = tpu.vector_load %arg6[%get3A_889, %get3A_890] {strides = array<i32>} : memref<128x128xi32, #tpu.memory_space<vmem>>, vector<16xi32>,
        %bitcast3A_892 = vector.bitcast %get3A_891 : vector<16xi32> to vector<32xbf16>
        %add3A_893 = arith.constant 3 : i32
        %add3A_894 = arith.addi %mul3A_72, %add3A_893 : i32
        %get3A_895 = arith.index_cast %add3A_894 : i32 to index
        %get3A_896 = arith.constant 112 : index
        %get3A_897 = tpu.vector_load %arg6[%get3A_895, %get3A_896] {strides = array<i32>} : memref<128x128xi32, #tpu.memory_space<vmem>>, vector<16xi32>,
        %bitcast3A_898 = vector.bitcast %get3A_897 : vector<16xi32> to vector<32xbf16>
        %add3A_899 = arith.constant 4 : i32
        %add3A_900 = arith.addi %mul3A_72, %add3A_899 : i32
        %get3A_901 = arith.index_cast %add3A_900 : i32 to index
        %get3A_902 = arith.constant 112 : index
        %get3A_903 = tpu.vector_load %arg6[%get3A_901, %get3A_902] {strides = array<i32>} : memref<128x128xi32, #tpu.memory_space<vmem>>, vector<16xi32>,
        %bitcast3A_904 = vector.bitcast %get3A_903 : vector<16xi32> to vector<32xbf16>
        %add3A_905 = arith.constant 5 : i32
        %add3A_906 = arith.addi %mul3A_72, %add3A_905 : i32
        %get3A_907 = arith.index_cast %add3A_906 : i32 to index
        %get3A_908 = arith.constant 112 : index
        %get3A_909 = tpu.vector_load %arg6[%get3A_907, %get3A_908] {strides = array<i32>} : memref<128x128xi32, #tpu.memory_space<vmem>>, vector<16xi32>,
        %bitcast3A_910 = vector.bitcast %get3A_909 : vector<16xi32> to vector<32xbf16>
        %add3A_911 = arith.constant 6 : i32
        %add3A_912 = arith.addi %mul3A_72, %add3A_911 : i32
        %get3A_913 = arith.index_cast %add3A_912 : i32 to index
        %get3A_914 = arith.constant 112 : index
        %get3A_915 = tpu.vector_load %arg6[%get3A_913, %get3A_914] {strides = array<i32>} : memref<128x128xi32, #tpu.memory_space<vmem>>, vector<16xi32>,
        %bitcast3A_916 = vector.bitcast %get3A_915 : vector<16xi32> to vector<32xbf16>
        %add3A_917 = arith.constant 7 : i32
        %add3A_918 = arith.addi %mul3A_72, %add3A_917 : i32
        %get3A_919 = arith.index_cast %add3A_918 : i32 to index
        %get3A_920 = arith.constant 112 : index
        %get3A_921 = tpu.vector_load %arg6[%get3A_919, %get3A_920] {strides = array<i32>} : memref<128x128xi32, #tpu.memory_space<vmem>>, vector<16xi32>,
        %bitcast3A_922 = vector.bitcast %get3A_921 : vector<16xi32> to vector<32xbf16>
        %add3A_923 = arith.constant 8 : i32
        %add3A_924 = arith.addi %mul3A_72, %add3A_923 : i32
        %get3A_925 = arith.index_cast %add3A_924 : i32 to index
        %get3A_926 = arith.constant 112 : index
        %get3A_927 = tpu.vector_load %arg6[%get3A_925, %get3A_926] {strides = array<i32>} : memref<128x128xi32, #tpu.memory_space<vmem>>, vector<16xi32>,
        %bitcast3A_928 = vector.bitcast %get3A_927 : vector<16xi32> to vector<32xbf16>
        %add3A_929 = arith.constant 9 : i32
        %add3A_930 = arith.addi %mul3A_72, %add3A_929 : i32
        %get3A_931 = arith.index_cast %add3A_930 : i32 to index
        %get3A_932 = arith.constant 112 : index
        %get3A_933 = tpu.vector_load %arg6[%get3A_931, %get3A_932] {strides = array<i32>} : memref<128x128xi32, #tpu.memory_space<vmem>>, vector<16xi32>,
        %bitcast3A_934 = vector.bitcast %get3A_933 : vector<16xi32> to vector<32xbf16>
        %add3A_935 = arith.constant 10 : i32
        %add3A_936 = arith.addi %mul3A_72, %add3A_935 : i32
        %get3A_937 = arith.index_cast %add3A_936 : i32 to index
        %get3A_938 = arith.constant 112 : index
        %get3A_939 = tpu.vector_load %arg6[%get3A_937, %get3A_938] {strides = array<i32>} : memref<128x128xi32, #tpu.memory_space<vmem>>, vector<16xi32>,
        %bitcast3A_940 = vector.bitcast %get3A_939 : vector<16xi32> to vector<32xbf16>
        %add3A_941 = arith.constant 11 : i32
        %add3A_942 = arith.addi %mul3A_72, %add3A_941 : i32
        %get3A_943 = arith.index_cast %add3A_942 : i32 to index
        %get3A_944 = arith.constant 112 : index
        %get3A_945 = tpu.vector_load %arg6[%get3A_943, %get3A_944] {strides = array<i32>} : memref<128x128xi32, #tpu.memory_space<vmem>>, vector<16xi32>,
        %bitcast3A_946 = vector.bitcast %get3A_945 : vector<16xi32> to vector<32xbf16>
        %add3A_947 = arith.constant 12 : i32
        %add3A_948 = arith.addi %mul3A_72, %add3A_947 : i32
        %get3A_949 = arith.index_cast %add3A_948 : i32 to index
        %get3A_950 = arith.constant 112 : index
        %get3A_951 = tpu.vector_load %arg6[%get3A_949, %get3A_950] {strides = array<i32>} : memref<128x128xi32, #tpu.memory_space<vmem>>, vector<16xi32>,
        %bitcast3A_952 = vector.bitcast %get3A_951 : vector<16xi32> to vector<32xbf16>
        %add3A_953 = arith.constant 13 : i32
        %add3A_954 = arith.addi %mul3A_72, %add3A_953 : i32
        %get3A_955 = arith.index_cast %add3A_954 : i32 to index
        %get3A_956 = arith.constant 112 : index
        %get3A_957 = tpu.vector_load %arg6[%get3A_955, %get3A_956] {strides = array<i32>} : memref<128x128xi32, #tpu.memory_space<vmem>>, vector<16xi32>,
        %bitcast3A_958 = vector.bitcast %get3A_957 : vector<16xi32> to vector<32xbf16>
        %add3A_959 = arith.constant 14 : i32
        %add3A_960 = arith.addi %mul3A_72, %add3A_959 : i32
        %get3A_961 = arith.index_cast %add3A_960 : i32 to index
        %get3A_962 = arith.constant 112 : index
        %get3A_963 = tpu.vector_load %arg6[%get3A_961, %get3A_962] {strides = array<i32>} : memref<128x128xi32, #tpu.memory_space<vmem>>, vector<16xi32>,
        %bitcast3A_964 = vector.bitcast %get3A_963 : vector<16xi32> to vector<32xbf16>
        %add3A_965 = arith.constant 15 : i32
        %add3A_966 = arith.addi %mul3A_72, %add3A_965 : i32
        %get3A_967 = arith.index_cast %add3A_966 : i32 to index
        %get3A_968 = arith.constant 112 : index
        %get3A_969 = tpu.vector_load %arg6[%get3A_967, %get3A_968] {strides = array<i32>} : memref<128x128xi32, #tpu.memory_space<vmem>>, vector<16xi32>,
        %bitcast3A_970 = vector.bitcast %get3A_969 : vector<16xi32> to vector<32xbf16>
        %add3A_971 = arith.addf %bitcast3A_880, %bitcast3A_886 : vector<32xbf16>
        %add3A_972 = arith.addf %bitcast3A_892, %bitcast3A_898 : vector<32xbf16>
        %add3A_973 = arith.addf %bitcast3A_904, %bitcast3A_910 : vector<32xbf16>
        %add3A_974 = arith.addf %bitcast3A_916, %bitcast3A_922 : vector<32xbf16>
        %add3A_975 = arith.addf %bitcast3A_928, %bitcast3A_934 : vector<32xbf16>
        %add3A_976 = arith.addf %bitcast3A_940, %bitcast3A_946 : vector<32xbf16>
        %add3A_977 = arith.addf %bitcast3A_952, %bitcast3A_958 : vector<32xbf16>
        %add3A_978 = arith.addf %bitcast3A_964, %bitcast3A_970 : vector<32xbf16>
        %add3A_979 = arith.addf %add3A_971, %add3A_972 : vector<32xbf16>
        %add3A_980 = arith.addf %add3A_973, %add3A_974 : vector<32xbf16>
        %add3A_981 = arith.addf %add3A_975, %add3A_976 : vector<32xbf16>
        %add3A_982 = arith.addf %add3A_977, %add3A_978 : vector<32xbf16>
        %add3A_983 = arith.addf %add3A_979, %add3A_980 : vector<32xbf16>
        %add3A_984 = arith.addf %add3A_981, %add3A_982 : vector<32xbf16>
        %add3A_985 = arith.addf %add3A_983, %add3A_984 : vector<32xbf16>
        %bitcast3A_986 = vector.bitcast %add3A_985 : vector<32xbf16> to vector<16xi32>
        %swap3A_987 = arith.index_cast %scan3A_69 : i32 to index
        %swap3A_988 = arith.constant 112 : index
        %swap3A_989 = tpu.vector_load %arg8[%swap3A_987, %swap3A_988] {strides = array<i32>} : memref<8x128xi32, #tpu.memory_space<vmem>>, vector<16xi32>,
        tpu.vector_store %arg8[%swap3A_987, %swap3A_988], %bitcast3A_986 {strides = array<i32>} : memref<8x128xi32, #tpu.memory_space<vmem>>, vector<16xi32>,
        %scan3A_990 = arith.constant 0 : i32
        scf.yield %scan3A_990 : i32
      }
      %scan3A_40 = arith.constant 8 : i32
      %mul3A_41 = arith.constant 8 : i32
      %mul3A_42 = arith.muli %mul3A_20, %mul3A_41 : i32
      %add3A_43 = arith.addi %mul3A_6, %mul3A_42 : i32
      "tpu.region"() ({
        %run_scoped3A = tpu.sem_alloc : memref<!tpu.dma_semaphore, #tpu.memory_space<semaphore_mem>>
        %dma_start3A_69 = arith.constant 0 : i32
        %dma_start3A_70 = tpu.memref_slice %arg4[%add3A_43, %dma_start3A_69] : memref<10240x128xi32, #tpu.memory_space<hbm>> -> memref<8x128xi32, #tpu.memory_space<hbm>>
        %dma_start3A_71 = arith.constant 0 : i32
        %dma_start3A_72 = tpu.memref_slice %arg4[%add3A_43, %dma_start3A_71] : memref<10240x128xi32, #tpu.memory_space<hbm>> -> memref<8x128xi32, #tpu.memory_space<hbm>>
        tpu.enqueue_dma source(%arg8 : memref<8x128xi32, #tpu.memory_space<vmem>>) target(%dma_start3A_72 : memref<8x128xi32, #tpu.memory_space<hbm>>) target_semaphore(%run_scoped3A : memref<!tpu.dma_semaphore, #tpu.memory_space<semaphore_mem>>)
        %dma_wait3A_73 = arith.constant 0 : i32
        %dma_wait3A_74 = tpu.memref_slice %arg4[%add3A_43, %dma_wait3A_73] : memref<10240x128xi32, #tpu.memory_space<hbm>> -> memref<8x128xi32, #tpu.memory_space<hbm>>
        %dma_wait3A_75 = arith.constant 0 : i32
        %dma_wait3A_76 = tpu.memref_slice %arg4[%add3A_43, %dma_wait3A_75] : memref<10240x128xi32, #tpu.memory_space<hbm>> -> memref<8x128xi32, #tpu.memory_space<hbm>>
        tpu.wait_dma2 semaphore(%run_scoped3A : memref<!tpu.dma_semaphore, #tpu.memory_space<semaphore_mem>>) src(%arg8 : memref<8x128xi32, #tpu.memory_space<vmem>>) dst(%dma_wait3A_76 : memref<8x128xi32, #tpu.memory_space<hbm>>)
        tpu.yield
      }) : () -> ()
      %add3A_44 = arith.constant 2 : i32
      %add3A_45 = arith.addi %mul3A_20, %add3A_44 : i32
      %lt3A = arith.constant 40 : i32
      %lt3A_46 = arith.cmpi slt, %add3A_45, %lt3A : i32
      %convert_element_type3A = arith.extui %lt3A_46 : i1 to i32
      %cond3A = arith.constant 0 : i32
      %cond3A_47 = arith.cmpi ne, %convert_element_type3A, %cond3A : i32
      scf.if %cond3A_47 {
        %add3A_69 = arith.constant 2 : i32
        %add3A_70 = arith.addi %mul3A_20, %add3A_69 : i32
        %mul3A_71 = arith.constant 128 : i32
        %mul3A_72 = arith.muli %add3A_70, %mul3A_71 : i32
        %dma_start3A_73 = tpu.memref_slice %arg5[%mul3A_72] : memref<5120xi32, #tpu.memory_space<vmem>> -> memref<128xi32, #tpu.memory_space<vmem>>
        %dma_start3A_74 = arith.constant 0 : i32
        %dma_start3A_75 = arith.constant 0 : i32
        %dma_start3A_76 = tpu.memref_slice %arg3[%dma_start3A_74, %dma_start3A_75] : memref<10112x128xi32, #tpu.memory_space<hbm>> -> memref<10112x128xi32, #tpu.memory_space<hbm>>
        tpu.enqueue_indirect_dma source(%dma_start3A_76 : memref<10112x128xi32, #tpu.memory_space<hbm>>) target(%arg6 : memref<128x128xi32, #tpu.memory_space<vmem>>) offsets(%dma_start3A_73 : memref<128xi32, #tpu.memory_space<vmem>>) semaphore(%arg10 : memref<!tpu.dma_semaphore, #tpu.memory_space<semaphore_mem>>)
      } else {
      }
      %add3A_48 = arith.constant 1 : i32
      %add3A_49 = arith.addi %mul3A_20, %add3A_48 : i32
      %mul3A_50 = arith.constant 128 : i32
      %mul3A_51 = arith.muli %add3A_49, %mul3A_50 : i32
      %dma_wait3A_52 = tpu.memref_slice %arg5[%mul3A_51] : memref<5120xi32, #tpu.memory_space<vmem>> -> memref<128xi32, #tpu.memory_space<vmem>>
      %dma_wait3A_53 = arith.constant 0 : i32
      %dma_wait3A_54 = arith.constant 0 : i32
      %dma_wait3A_55 = tpu.memref_slice %arg3[%dma_wait3A_53, %dma_wait3A_54] : memref<10112x128xi32, #tpu.memory_space<hbm>> -> memref<10112x128xi32, #tpu.memory_space<hbm>>
      tpu.wait_indirect_dma semaphore(%arg11 : memref<!tpu.dma_semaphore, #tpu.memory_space<semaphore_mem>>) src(%dma_wait3A_55 : memref<10112x128xi32, #tpu.memory_space<hbm>>) dst(%arg7 : memref<128x128xi32, #tpu.memory_space<vmem>>)
      %scan3A_56 = arith.constant 0 : i32
      %scan3A_57 = arith.constant 0 : i32
      %scan3A_58 = arith.constant 8 : i32
      %scan3A_59 = arith.addi %scan3A_57, %scan3A_58 : i32
      %scan3A_60 = arith.constant 1 : i32
      %scan3A_61 = scf.for %scan3A_69 = %scan3A_57 to %scan3A_59 step %scan3A_60 iter_args(%scan3A_70 = %scan3A_56) -> (i32)  : i32 {
        %mul3A_71 = arith.constant 16 : i32
        %mul3A_72 = arith.muli %scan3A_69, %mul3A_71 : i32
        %add3A_73 = arith.constant 0 : i32
        %add3A_74 = arith.addi %mul3A_72, %add3A_73 : i32
        %get3A = arith.index_cast %add3A_74 : i32 to index
        %get3A_75 = arith.constant 0 : index
        %get3A_76 = tpu.vector_load %arg7[%get3A, %get3A_75] {strides = array<i32>} : memref<128x128xi32, #tpu.memory_space<vmem>>, vector<16xi32>,
        %bitcast3A = vector.bitcast %get3A_76 : vector<16xi32> to vector<32xbf16>
        %add3A_77 = arith.constant 1 : i32
        %add3A_78 = arith.addi %mul3A_72, %add3A_77 : i32
        %get3A_79 = arith.index_cast %add3A_78 : i32 to index
        %get3A_80 = arith.constant 0 : index
        %get3A_81 = tpu.vector_load %arg7[%get3A_79, %get3A_80] {strides = array<i32>} : memref<128x128xi32, #tpu.memory_space<vmem>>, vector<16xi32>,
        %bitcast3A_82 = vector.bitcast %get3A_81 : vector<16xi32> to vector<32xbf16>
        %add3A_83 = arith.constant 2 : i32
        %add3A_84 = arith.addi %mul3A_72, %add3A_83 : i32
        %get3A_85 = arith.index_cast %add3A_84 : i32 to index
        %get3A_86 = arith.constant 0 : index
        %get3A_87 = tpu.vector_load %arg7[%get3A_85, %get3A_86] {strides = array<i32>} : memref<128x128xi32, #tpu.memory_space<vmem>>, vector<16xi32>,
        %bitcast3A_88 = vector.bitcast %get3A_87 : vector<16xi32> to vector<32xbf16>
        %add3A_89 = arith.constant 3 : i32
        %add3A_90 = arith.addi %mul3A_72, %add3A_89 : i32
        %get3A_91 = arith.index_cast %add3A_90 : i32 to index
        %get3A_92 = arith.constant 0 : index
        %get3A_93 = tpu.vector_load %arg7[%get3A_91, %get3A_92] {strides = array<i32>} : memref<128x128xi32, #tpu.memory_space<vmem>>, vector<16xi32>,
        %bitcast3A_94 = vector.bitcast %get3A_93 : vector<16xi32> to vector<32xbf16>
        %add3A_95 = arith.constant 4 : i32
        %add3A_96 = arith.addi %mul3A_72, %add3A_95 : i32
        %get3A_97 = arith.index_cast %add3A_96 : i32 to index
        %get3A_98 = arith.constant 0 : index
        %get3A_99 = tpu.vector_load %arg7[%get3A_97, %get3A_98] {strides = array<i32>} : memref<128x128xi32, #tpu.memory_space<vmem>>, vector<16xi32>,
        %bitcast3A_100 = vector.bitcast %get3A_99 : vector<16xi32> to vector<32xbf16>
        %add3A_101 = arith.constant 5 : i32
        %add3A_102 = arith.addi %mul3A_72, %add3A_101 : i32
        %get3A_103 = arith.index_cast %add3A_102 : i32 to index
        %get3A_104 = arith.constant 0 : index
        %get3A_105 = tpu.vector_load %arg7[%get3A_103, %get3A_104] {strides = array<i32>} : memref<128x128xi32, #tpu.memory_space<vmem>>, vector<16xi32>,
        %bitcast3A_106 = vector.bitcast %get3A_105 : vector<16xi32> to vector<32xbf16>
        %add3A_107 = arith.constant 6 : i32
        %add3A_108 = arith.addi %mul3A_72, %add3A_107 : i32
        %get3A_109 = arith.index_cast %add3A_108 : i32 to index
        %get3A_110 = arith.constant 0 : index
        %get3A_111 = tpu.vector_load %arg7[%get3A_109, %get3A_110] {strides = array<i32>} : memref<128x128xi32, #tpu.memory_space<vmem>>, vector<16xi32>,
        %bitcast3A_112 = vector.bitcast %get3A_111 : vector<16xi32> to vector<32xbf16>
        %add3A_113 = arith.constant 7 : i32
        %add3A_114 = arith.addi %mul3A_72, %add3A_113 : i32
        %get3A_115 = arith.index_cast %add3A_114 : i32 to index
        %get3A_116 = arith.constant 0 : index
        %get3A_117 = tpu.vector_load %arg7[%get3A_115, %get3A_116] {strides = array<i32>} : memref<128x128xi32, #tpu.memory_space<vmem>>, vector<16xi32>,
        %bitcast3A_118 = vector.bitcast %get3A_117 : vector<16xi32> to vector<32xbf16>
        %add3A_119 = arith.constant 8 : i32
        %add3A_120 = arith.addi %mul3A_72, %add3A_119 : i32
        %get3A_121 = arith.index_cast %add3A_120 : i32 to index
        %get3A_122 = arith.constant 0 : index
        %get3A_123 = tpu.vector_load %arg7[%get3A_121, %get3A_122] {strides = array<i32>} : memref<128x128xi32, #tpu.memory_space<vmem>>, vector<16xi32>,
        %bitcast3A_124 = vector.bitcast %get3A_123 : vector<16xi32> to vector<32xbf16>
        %add3A_125 = arith.constant 9 : i32
        %add3A_126 = arith.addi %mul3A_72, %add3A_125 : i32
        %get3A_127 = arith.index_cast %add3A_126 : i32 to index
        %get3A_128 = arith.constant 0 : index
        %get3A_129 = tpu.vector_load %arg7[%get3A_127, %get3A_128] {strides = array<i32>} : memref<128x128xi32, #tpu.memory_space<vmem>>, vector<16xi32>,
        %bitcast3A_130 = vector.bitcast %get3A_129 : vector<16xi32> to vector<32xbf16>
        %add3A_131 = arith.constant 10 : i32
        %add3A_132 = arith.addi %mul3A_72, %add3A_131 : i32
        %get3A_133 = arith.index_cast %add3A_132 : i32 to index
        %get3A_134 = arith.constant 0 : index
        %get3A_135 = tpu.vector_load %arg7[%get3A_133, %get3A_134] {strides = array<i32>} : memref<128x128xi32, #tpu.memory_space<vmem>>, vector<16xi32>,
        %bitcast3A_136 = vector.bitcast %get3A_135 : vector<16xi32> to vector<32xbf16>
        %add3A_137 = arith.constant 11 : i32
        %add3A_138 = arith.addi %mul3A_72, %add3A_137 : i32
        %get3A_139 = arith.index_cast %add3A_138 : i32 to index
        %get3A_140 = arith.constant 0 : index
        %get3A_141 = tpu.vector_load %arg7[%get3A_139, %get3A_140] {strides = array<i32>} : memref<128x128xi32, #tpu.memory_space<vmem>>, vector<16xi32>,
        %bitcast3A_142 = vector.bitcast %get3A_141 : vector<16xi32> to vector<32xbf16>
        %add3A_143 = arith.constant 12 : i32
        %add3A_144 = arith.addi %mul3A_72, %add3A_143 : i32
        %get3A_145 = arith.index_cast %add3A_144 : i32 to index
        %get3A_146 = arith.constant 0 : index
        %get3A_147 = tpu.vector_load %arg7[%get3A_145, %get3A_146] {strides = array<i32>} : memref<128x128xi32, #tpu.memory_space<vmem>>, vector<16xi32>,
        %bitcast3A_148 = vector.bitcast %get3A_147 : vector<16xi32> to vector<32xbf16>
        %add3A_149 = arith.constant 13 : i32
        %add3A_150 = arith.addi %mul3A_72, %add3A_149 : i32
        %get3A_151 = arith.index_cast %add3A_150 : i32 to index
        %get3A_152 = arith.constant 0 : index
        %get3A_153 = tpu.vector_load %arg7[%get3A_151, %get3A_152] {strides = array<i32>} : memref<128x128xi32, #tpu.memory_space<vmem>>, vector<16xi32>,
        %bitcast3A_154 = vector.bitcast %get3A_153 : vector<16xi32> to vector<32xbf16>
        %add3A_155 = arith.constant 14 : i32
        %add3A_156 = arith.addi %mul3A_72, %add3A_155 : i32
        %get3A_157 = arith.index_cast %add3A_156 : i32 to index
        %get3A_158 = arith.constant 0 : index
        %get3A_159 = tpu.vector_load %arg7[%get3A_157, %get3A_158] {strides = array<i32>} : memref<128x128xi32, #tpu.memory_space<vmem>>, vector<16xi32>,
        %bitcast3A_160 = vector.bitcast %get3A_159 : vector<16xi32> to vector<32xbf16>
        %add3A_161 = arith.constant 15 : i32
        %add3A_162 = arith.addi %mul3A_72, %add3A_161 : i32
        %get3A_163 = arith.index_cast %add3A_162 : i32 to index
        %get3A_164 = arith.constant 0 : index
        %get3A_165 = tpu.vector_load %arg7[%get3A_163, %get3A_164] {strides = array<i32>} : memref<128x128xi32, #tpu.memory_space<vmem>>, vector<16xi32>,
        %bitcast3A_166 = vector.bitcast %get3A_165 : vector<16xi32> to vector<32xbf16>
        %add3A_167 = arith.addf %bitcast3A, %bitcast3A_82 : vector<32xbf16>
        %add3A_168 = arith.addf %bitcast3A_88, %bitcast3A_94 : vector<32xbf16>
        %add3A_169 = arith.addf %bitcast3A_100, %bitcast3A_106 : vector<32xbf16>
        %add3A_170 = arith.addf %bitcast3A_112, %bitcast3A_118 : vector<32xbf16>
        %add3A_171 = arith.addf %bitcast3A_124, %bitcast3A_130 : vector<32xbf16>
        %add3A_172 = arith.addf %bitcast3A_136, %bitcast3A_142 : vector<32xbf16>
        %add3A_173 = arith.addf %bitcast3A_148, %bitcast3A_154 : vector<32xbf16>
        %add3A_174 = arith.addf %bitcast3A_160, %bitcast3A_166 : vector<32xbf16>
        %add3A_175 = arith.addf %add3A_167, %add3A_168 : vector<32xbf16>
        %add3A_176 = arith.addf %add3A_169, %add3A_170 : vector<32xbf16>
        %add3A_177 = arith.addf %add3A_171, %add3A_172 : vector<32xbf16>
        %add3A_178 = arith.addf %add3A_173, %add3A_174 : vector<32xbf16>
        %add3A_179 = arith.addf %add3A_175, %add3A_176 : vector<32xbf16>
        %add3A_180 = arith.addf %add3A_177, %add3A_178 : vector<32xbf16>
        %add3A_181 = arith.addf %add3A_179, %add3A_180 : vector<32xbf16>
        %bitcast3A_182 = vector.bitcast %add3A_181 : vector<32xbf16> to vector<16xi32>
        %swap3A = arith.index_cast %scan3A_69 : i32 to index
        %swap3A_183 = arith.constant 0 : index
        %swap3A_184 = tpu.vector_load %arg9[%swap3A, %swap3A_183] {strides = array<i32>} : memref<8x128xi32, #tpu.memory_space<vmem>>, vector<16xi32>,
        tpu.vector_store %arg9[%swap3A, %swap3A_183], %bitcast3A_182 {strides = array<i32>} : memref<8x128xi32, #tpu.memory_space<vmem>>, vector<16xi32>,
        %add3A_185 = arith.constant 0 : i32
        %add3A_186 = arith.addi %mul3A_72, %add3A_185 : i32
        %get3A_187 = arith.index_cast %add3A_186 : i32 to index
        %get3A_188 = arith.constant 16 : index
        %get3A_189 = tpu.vector_load %arg7[%get3A_187, %get3A_188] {strides = array<i32>} : memref<128x128xi32, #tpu.memory_space<vmem>>, vector<16xi32>,
        %bitcast3A_190 = vector.bitcast %get3A_189 : vector<16xi32> to vector<32xbf16>
        %add3A_191 = arith.constant 1 : i32
        %add3A_192 = arith.addi %mul3A_72, %add3A_191 : i32
        %get3A_193 = arith.index_cast %add3A_192 : i32 to index
        %get3A_194 = arith.constant 16 : index
        %get3A_195 = tpu.vector_load %arg7[%get3A_193, %get3A_194] {strides = array<i32>} : memref<128x128xi32, #tpu.memory_space<vmem>>, vector<16xi32>,
        %bitcast3A_196 = vector.bitcast %get3A_195 : vector<16xi32> to vector<32xbf16>
        %add3A_197 = arith.constant 2 : i32
        %add3A_198 = arith.addi %mul3A_72, %add3A_197 : i32
        %get3A_199 = arith.index_cast %add3A_198 : i32 to index
        %get3A_200 = arith.constant 16 : index
        %get3A_201 = tpu.vector_load %arg7[%get3A_199, %get3A_200] {strides = array<i32>} : memref<128x128xi32, #tpu.memory_space<vmem>>, vector<16xi32>,
        %bitcast3A_202 = vector.bitcast %get3A_201 : vector<16xi32> to vector<32xbf16>
        %add3A_203 = arith.constant 3 : i32
        %add3A_204 = arith.addi %mul3A_72, %add3A_203 : i32
        %get3A_205 = arith.index_cast %add3A_204 : i32 to index
        %get3A_206 = arith.constant 16 : index
        %get3A_207 = tpu.vector_load %arg7[%get3A_205, %get3A_206] {strides = array<i32>} : memref<128x128xi32, #tpu.memory_space<vmem>>, vector<16xi32>,
        %bitcast3A_208 = vector.bitcast %get3A_207 : vector<16xi32> to vector<32xbf16>
        %add3A_209 = arith.constant 4 : i32
        %add3A_210 = arith.addi %mul3A_72, %add3A_209 : i32
        %get3A_211 = arith.index_cast %add3A_210 : i32 to index
        %get3A_212 = arith.constant 16 : index
        %get3A_213 = tpu.vector_load %arg7[%get3A_211, %get3A_212] {strides = array<i32>} : memref<128x128xi32, #tpu.memory_space<vmem>>, vector<16xi32>,
        %bitcast3A_214 = vector.bitcast %get3A_213 : vector<16xi32> to vector<32xbf16>
        %add3A_215 = arith.constant 5 : i32
        %add3A_216 = arith.addi %mul3A_72, %add3A_215 : i32
        %get3A_217 = arith.index_cast %add3A_216 : i32 to index
        %get3A_218 = arith.constant 16 : index
        %get3A_219 = tpu.vector_load %arg7[%get3A_217, %get3A_218] {strides = array<i32>} : memref<128x128xi32, #tpu.memory_space<vmem>>, vector<16xi32>,
        %bitcast3A_220 = vector.bitcast %get3A_219 : vector<16xi32> to vector<32xbf16>
        %add3A_221 = arith.constant 6 : i32
        %add3A_222 = arith.addi %mul3A_72, %add3A_221 : i32
        %get3A_223 = arith.index_cast %add3A_222 : i32 to index
        %get3A_224 = arith.constant 16 : index
        %get3A_225 = tpu.vector_load %arg7[%get3A_223, %get3A_224] {strides = array<i32>} : memref<128x128xi32, #tpu.memory_space<vmem>>, vector<16xi32>,
        %bitcast3A_226 = vector.bitcast %get3A_225 : vector<16xi32> to vector<32xbf16>
        %add3A_227 = arith.constant 7 : i32
        %add3A_228 = arith.addi %mul3A_72, %add3A_227 : i32
        %get3A_229 = arith.index_cast %add3A_228 : i32 to index
        %get3A_230 = arith.constant 16 : index
        %get3A_231 = tpu.vector_load %arg7[%get3A_229, %get3A_230] {strides = array<i32>} : memref<128x128xi32, #tpu.memory_space<vmem>>, vector<16xi32>,
        %bitcast3A_232 = vector.bitcast %get3A_231 : vector<16xi32> to vector<32xbf16>
        %add3A_233 = arith.constant 8 : i32
        %add3A_234 = arith.addi %mul3A_72, %add3A_233 : i32
        %get3A_235 = arith.index_cast %add3A_234 : i32 to index
        %get3A_236 = arith.constant 16 : index
        %get3A_237 = tpu.vector_load %arg7[%get3A_235, %get3A_236] {strides = array<i32>} : memref<128x128xi32, #tpu.memory_space<vmem>>, vector<16xi32>,
        %bitcast3A_238 = vector.bitcast %get3A_237 : vector<16xi32> to vector<32xbf16>
        %add3A_239 = arith.constant 9 : i32
        %add3A_240 = arith.addi %mul3A_72, %add3A_239 : i32
        %get3A_241 = arith.index_cast %add3A_240 : i32 to index
        %get3A_242 = arith.constant 16 : index
        %get3A_243 = tpu.vector_load %arg7[%get3A_241, %get3A_242] {strides = array<i32>} : memref<128x128xi32, #tpu.memory_space<vmem>>, vector<16xi32>,
        %bitcast3A_244 = vector.bitcast %get3A_243 : vector<16xi32> to vector<32xbf16>
        %add3A_245 = arith.constant 10 : i32
        %add3A_246 = arith.addi %mul3A_72, %add3A_245 : i32
        %get3A_247 = arith.index_cast %add3A_246 : i32 to index
        %get3A_248 = arith.constant 16 : index
        %get3A_249 = tpu.vector_load %arg7[%get3A_247, %get3A_248] {strides = array<i32>} : memref<128x128xi32, #tpu.memory_space<vmem>>, vector<16xi32>,
        %bitcast3A_250 = vector.bitcast %get3A_249 : vector<16xi32> to vector<32xbf16>
        %add3A_251 = arith.constant 11 : i32
        %add3A_252 = arith.addi %mul3A_72, %add3A_251 : i32
        %get3A_253 = arith.index_cast %add3A_252 : i32 to index
        %get3A_254 = arith.constant 16 : index
        %get3A_255 = tpu.vector_load %arg7[%get3A_253, %get3A_254] {strides = array<i32>} : memref<128x128xi32, #tpu.memory_space<vmem>>, vector<16xi32>,
        %bitcast3A_256 = vector.bitcast %get3A_255 : vector<16xi32> to vector<32xbf16>
        %add3A_257 = arith.constant 12 : i32
        %add3A_258 = arith.addi %mul3A_72, %add3A_257 : i32
        %get3A_259 = arith.index_cast %add3A_258 : i32 to index
        %get3A_260 = arith.constant 16 : index
        %get3A_261 = tpu.vector_load %arg7[%get3A_259, %get3A_260] {strides = array<i32>} : memref<128x128xi32, #tpu.memory_space<vmem>>, vector<16xi32>,
        %bitcast3A_262 = vector.bitcast %get3A_261 : vector<16xi32> to vector<32xbf16>
        %add3A_263 = arith.constant 13 : i32
        %add3A_264 = arith.addi %mul3A_72, %add3A_263 : i32
        %get3A_265 = arith.index_cast %add3A_264 : i32 to index
        %get3A_266 = arith.constant 16 : index
        %get3A_267 = tpu.vector_load %arg7[%get3A_265, %get3A_266] {strides = array<i32>} : memref<128x128xi32, #tpu.memory_space<vmem>>, vector<16xi32>,
        %bitcast3A_268 = vector.bitcast %get3A_267 : vector<16xi32> to vector<32xbf16>
        %add3A_269 = arith.constant 14 : i32
        %add3A_270 = arith.addi %mul3A_72, %add3A_269 : i32
        %get3A_271 = arith.index_cast %add3A_270 : i32 to index
        %get3A_272 = arith.constant 16 : index
        %get3A_273 = tpu.vector_load %arg7[%get3A_271, %get3A_272] {strides = array<i32>} : memref<128x128xi32, #tpu.memory_space<vmem>>, vector<16xi32>,
        %bitcast3A_274 = vector.bitcast %get3A_273 : vector<16xi32> to vector<32xbf16>
        %add3A_275 = arith.constant 15 : i32
        %add3A_276 = arith.addi %mul3A_72, %add3A_275 : i32
        %get3A_277 = arith.index_cast %add3A_276 : i32 to index
        %get3A_278 = arith.constant 16 : index
        %get3A_279 = tpu.vector_load %arg7[%get3A_277, %get3A_278] {strides = array<i32>} : memref<128x128xi32, #tpu.memory_space<vmem>>, vector<16xi32>,
        %bitcast3A_280 = vector.bitcast %get3A_279 : vector<16xi32> to vector<32xbf16>
        %add3A_281 = arith.addf %bitcast3A_190, %bitcast3A_196 : vector<32xbf16>
        %add3A_282 = arith.addf %bitcast3A_202, %bitcast3A_208 : vector<32xbf16>
        %add3A_283 = arith.addf %bitcast3A_214, %bitcast3A_220 : vector<32xbf16>
        %add3A_284 = arith.addf %bitcast3A_226, %bitcast3A_232 : vector<32xbf16>
        %add3A_285 = arith.addf %bitcast3A_238, %bitcast3A_244 : vector<32xbf16>
        %add3A_286 = arith.addf %bitcast3A_250, %bitcast3A_256 : vector<32xbf16>
        %add3A_287 = arith.addf %bitcast3A_262, %bitcast3A_268 : vector<32xbf16>
        %add3A_288 = arith.addf %bitcast3A_274, %bitcast3A_280 : vector<32xbf16>
        %add3A_289 = arith.addf %add3A_281, %add3A_282 : vector<32xbf16>
        %add3A_290 = arith.addf %add3A_283, %add3A_284 : vector<32xbf16>
        %add3A_291 = arith.addf %add3A_285, %add3A_286 : vector<32xbf16>
        %add3A_292 = arith.addf %add3A_287, %add3A_288 : vector<32xbf16>
        %add3A_293 = arith.addf %add3A_289, %add3A_290 : vector<32xbf16>
        %add3A_294 = arith.addf %add3A_291, %add3A_292 : vector<32xbf16>
        %add3A_295 = arith.addf %add3A_293, %add3A_294 : vector<32xbf16>
        %bitcast3A_296 = vector.bitcast %add3A_295 : vector<32xbf16> to vector<16xi32>
        %swap3A_297 = arith.index_cast %scan3A_69 : i32 to index
        %swap3A_298 = arith.constant 16 : index
        %swap3A_299 = tpu.vector_load %arg9[%swap3A_297, %swap3A_298] {strides = array<i32>} : memref<8x128xi32, #tpu.memory_space<vmem>>, vector<16xi32>,
        tpu.vector_store %arg9[%swap3A_297, %swap3A_298], %bitcast3A_296 {strides = array<i32>} : memref<8x128xi32, #tpu.memory_space<vmem>>, vector<16xi32>,
        %add3A_300 = arith.constant 0 : i32
        %add3A_301 = arith.addi %mul3A_72, %add3A_300 : i32
        %get3A_302 = arith.index_cast %add3A_301 : i32 to index
        %get3A_303 = arith.constant 32 : index
        %get3A_304 = tpu.vector_load %arg7[%get3A_302, %get3A_303] {strides = array<i32>} : memref<128x128xi32, #tpu.memory_space<vmem>>, vector<16xi32>,
        %bitcast3A_305 = vector.bitcast %get3A_304 : vector<16xi32> to vector<32xbf16>
        %add3A_306 = arith.constant 1 : i32
        %add3A_307 = arith.addi %mul3A_72, %add3A_306 : i32
        %get3A_308 = arith.index_cast %add3A_307 : i32 to index
        %get3A_309 = arith.constant 32 : index
        %get3A_310 = tpu.vector_load %arg7[%get3A_308, %get3A_309] {strides = array<i32>} : memref<128x128xi32, #tpu.memory_space<vmem>>, vector<16xi32>,
        %bitcast3A_311 = vector.bitcast %get3A_310 : vector<16xi32> to vector<32xbf16>
        %add3A_312 = arith.constant 2 : i32
        %add3A_313 = arith.addi %mul3A_72, %add3A_312 : i32
        %get3A_314 = arith.index_cast %add3A_313 : i32 to index
        %get3A_315 = arith.constant 32 : index
        %get3A_316 = tpu.vector_load %arg7[%get3A_314, %get3A_315] {strides = array<i32>} : memref<128x128xi32, #tpu.memory_space<vmem>>, vector<16xi32>,
        %bitcast3A_317 = vector.bitcast %get3A_316 : vector<16xi32> to vector<32xbf16>
        %add3A_318 = arith.constant 3 : i32
        %add3A_319 = arith.addi %mul3A_72, %add3A_318 : i32
        %get3A_320 = arith.index_cast %add3A_319 : i32 to index
        %get3A_321 = arith.constant 32 : index
        %get3A_322 = tpu.vector_load %arg7[%get3A_320, %get3A_321] {strides = array<i32>} : memref<128x128xi32, #tpu.memory_space<vmem>>, vector<16xi32>,
        %bitcast3A_323 = vector.bitcast %get3A_322 : vector<16xi32> to vector<32xbf16>
        %add3A_324 = arith.constant 4 : i32
        %add3A_325 = arith.addi %mul3A_72, %add3A_324 : i32
        %get3A_326 = arith.index_cast %add3A_325 : i32 to index
        %get3A_327 = arith.constant 32 : index
        %get3A_328 = tpu.vector_load %arg7[%get3A_326, %get3A_327] {strides = array<i32>} : memref<128x128xi32, #tpu.memory_space<vmem>>, vector<16xi32>,
        %bitcast3A_329 = vector.bitcast %get3A_328 : vector<16xi32> to vector<32xbf16>
        %add3A_330 = arith.constant 5 : i32
        %add3A_331 = arith.addi %mul3A_72, %add3A_330 : i32
        %get3A_332 = arith.index_cast %add3A_331 : i32 to index
        %get3A_333 = arith.constant 32 : index
        %get3A_334 = tpu.vector_load %arg7[%get3A_332, %get3A_333] {strides = array<i32>} : memref<128x128xi32, #tpu.memory_space<vmem>>, vector<16xi32>,
        %bitcast3A_335 = vector.bitcast %get3A_334 : vector<16xi32> to vector<32xbf16>
        %add3A_336 = arith.constant 6 : i32
        %add3A_337 = arith.addi %mul3A_72, %add3A_336 : i32
        %get3A_338 = arith.index_cast %add3A_337 : i32 to index
        %get3A_339 = arith.constant 32 : index
        %get3A_340 = tpu.vector_load %arg7[%get3A_338, %get3A_339] {strides = array<i32>} : memref<128x128xi32, #tpu.memory_space<vmem>>, vector<16xi32>,
        %bitcast3A_341 = vector.bitcast %get3A_340 : vector<16xi32> to vector<32xbf16>
        %add3A_342 = arith.constant 7 : i32
        %add3A_343 = arith.addi %mul3A_72, %add3A_342 : i32
        %get3A_344 = arith.index_cast %add3A_343 : i32 to index
        %get3A_345 = arith.constant 32 : index
        %get3A_346 = tpu.vector_load %arg7[%get3A_344, %get3A_345] {strides = array<i32>} : memref<128x128xi32, #tpu.memory_space<vmem>>, vector<16xi32>,
        %bitcast3A_347 = vector.bitcast %get3A_346 : vector<16xi32> to vector<32xbf16>
        %add3A_348 = arith.constant 8 : i32
        %add3A_349 = arith.addi %mul3A_72, %add3A_348 : i32
        %get3A_350 = arith.index_cast %add3A_349 : i32 to index
        %get3A_351 = arith.constant 32 : index
        %get3A_352 = tpu.vector_load %arg7[%get3A_350, %get3A_351] {strides = array<i32>} : memref<128x128xi32, #tpu.memory_space<vmem>>, vector<16xi32>,
        %bitcast3A_353 = vector.bitcast %get3A_352 : vector<16xi32> to vector<32xbf16>
        %add3A_354 = arith.constant 9 : i32
        %add3A_355 = arith.addi %mul3A_72, %add3A_354 : i32
        %get3A_356 = arith.index_cast %add3A_355 : i32 to index
        %get3A_357 = arith.constant 32 : index
        %get3A_358 = tpu.vector_load %arg7[%get3A_356, %get3A_357] {strides = array<i32>} : memref<128x128xi32, #tpu.memory_space<vmem>>, vector<16xi32>,
        %bitcast3A_359 = vector.bitcast %get3A_358 : vector<16xi32> to vector<32xbf16>
        %add3A_360 = arith.constant 10 : i32
        %add3A_361 = arith.addi %mul3A_72, %add3A_360 : i32
        %get3A_362 = arith.index_cast %add3A_361 : i32 to index
        %get3A_363 = arith.constant 32 : index
        %get3A_364 = tpu.vector_load %arg7[%get3A_362, %get3A_363] {strides = array<i32>} : memref<128x128xi32, #tpu.memory_space<vmem>>, vector<16xi32>,
        %bitcast3A_365 = vector.bitcast %get3A_364 : vector<16xi32> to vector<32xbf16>
        %add3A_366 = arith.constant 11 : i32
        %add3A_367 = arith.addi %mul3A_72, %add3A_366 : i32
        %get3A_368 = arith.index_cast %add3A_367 : i32 to index
        %get3A_369 = arith.constant 32 : index
        %get3A_370 = tpu.vector_load %arg7[%get3A_368, %get3A_369] {strides = array<i32>} : memref<128x128xi32, #tpu.memory_space<vmem>>, vector<16xi32>,
        %bitcast3A_371 = vector.bitcast %get3A_370 : vector<16xi32> to vector<32xbf16>
        %add3A_372 = arith.constant 12 : i32
        %add3A_373 = arith.addi %mul3A_72, %add3A_372 : i32
        %get3A_374 = arith.index_cast %add3A_373 : i32 to index
        %get3A_375 = arith.constant 32 : index
        %get3A_376 = tpu.vector_load %arg7[%get3A_374, %get3A_375] {strides = array<i32>} : memref<128x128xi32, #tpu.memory_space<vmem>>, vector<16xi32>,
        %bitcast3A_377 = vector.bitcast %get3A_376 : vector<16xi32> to vector<32xbf16>
        %add3A_378 = arith.constant 13 : i32
        %add3A_379 = arith.addi %mul3A_72, %add3A_378 : i32
        %get3A_380 = arith.index_cast %add3A_379 : i32 to index
        %get3A_381 = arith.constant 32 : index
        %get3A_382 = tpu.vector_load %arg7[%get3A_380, %get3A_381] {strides = array<i32>} : memref<128x128xi32, #tpu.memory_space<vmem>>, vector<16xi32>,
        %bitcast3A_383 = vector.bitcast %get3A_382 : vector<16xi32> to vector<32xbf16>
        %add3A_384 = arith.constant 14 : i32
        %add3A_385 = arith.addi %mul3A_72, %add3A_384 : i32
        %get3A_386 = arith.index_cast %add3A_385 : i32 to index
        %get3A_387 = arith.constant 32 : index
        %get3A_388 = tpu.vector_load %arg7[%get3A_386, %get3A_387] {strides = array<i32>} : memref<128x128xi32, #tpu.memory_space<vmem>>, vector<16xi32>,
        %bitcast3A_389 = vector.bitcast %get3A_388 : vector<16xi32> to vector<32xbf16>
        %add3A_390 = arith.constant 15 : i32
        %add3A_391 = arith.addi %mul3A_72, %add3A_390 : i32
        %get3A_392 = arith.index_cast %add3A_391 : i32 to index
        %get3A_393 = arith.constant 32 : index
        %get3A_394 = tpu.vector_load %arg7[%get3A_392, %get3A_393] {strides = array<i32>} : memref<128x128xi32, #tpu.memory_space<vmem>>, vector<16xi32>,
        %bitcast3A_395 = vector.bitcast %get3A_394 : vector<16xi32> to vector<32xbf16>
        %add3A_396 = arith.addf %bitcast3A_305, %bitcast3A_311 : vector<32xbf16>
        %add3A_397 = arith.addf %bitcast3A_317, %bitcast3A_323 : vector<32xbf16>
        %add3A_398 = arith.addf %bitcast3A_329, %bitcast3A_335 : vector<32xbf16>
        %add3A_399 = arith.addf %bitcast3A_341, %bitcast3A_347 : vector<32xbf16>
        %add3A_400 = arith.addf %bitcast3A_353, %bitcast3A_359 : vector<32xbf16>
        %add3A_401 = arith.addf %bitcast3A_365, %bitcast3A_371 : vector<32xbf16>
        %add3A_402 = arith.addf %bitcast3A_377, %bitcast3A_383 : vector<32xbf16>
        %add3A_403 = arith.addf %bitcast3A_389, %bitcast3A_395 : vector<32xbf16>
        %add3A_404 = arith.addf %add3A_396, %add3A_397 : vector<32xbf16>
        %add3A_405 = arith.addf %add3A_398, %add3A_399 : vector<32xbf16>
        %add3A_406 = arith.addf %add3A_400, %add3A_401 : vector<32xbf16>
        %add3A_407 = arith.addf %add3A_402, %add3A_403 : vector<32xbf16>
        %add3A_408 = arith.addf %add3A_404, %add3A_405 : vector<32xbf16>
        %add3A_409 = arith.addf %add3A_406, %add3A_407 : vector<32xbf16>
        %add3A_410 = arith.addf %add3A_408, %add3A_409 : vector<32xbf16>
        %bitcast3A_411 = vector.bitcast %add3A_410 : vector<32xbf16> to vector<16xi32>
        %swap3A_412 = arith.index_cast %scan3A_69 : i32 to index
        %swap3A_413 = arith.constant 32 : index
        %swap3A_414 = tpu.vector_load %arg9[%swap3A_412, %swap3A_413] {strides = array<i32>} : memref<8x128xi32, #tpu.memory_space<vmem>>, vector<16xi32>,
        tpu.vector_store %arg9[%swap3A_412, %swap3A_413], %bitcast3A_411 {strides = array<i32>} : memref<8x128xi32, #tpu.memory_space<vmem>>, vector<16xi32>,
        %add3A_415 = arith.constant 0 : i32
        %add3A_416 = arith.addi %mul3A_72, %add3A_415 : i32
        %get3A_417 = arith.index_cast %add3A_416 : i32 to index
        %get3A_418 = arith.constant 48 : index
        %get3A_419 = tpu.vector_load %arg7[%get3A_417, %get3A_418] {strides = array<i32>} : memref<128x128xi32, #tpu.memory_space<vmem>>, vector<16xi32>,
        %bitcast3A_420 = vector.bitcast %get3A_419 : vector<16xi32> to vector<32xbf16>
        %add3A_421 = arith.constant 1 : i32
        %add3A_422 = arith.addi %mul3A_72, %add3A_421 : i32
        %get3A_423 = arith.index_cast %add3A_422 : i32 to index
        %get3A_424 = arith.constant 48 : index
        %get3A_425 = tpu.vector_load %arg7[%get3A_423, %get3A_424] {strides = array<i32>} : memref<128x128xi32, #tpu.memory_space<vmem>>, vector<16xi32>,
        %bitcast3A_426 = vector.bitcast %get3A_425 : vector<16xi32> to vector<32xbf16>
        %add3A_427 = arith.constant 2 : i32
        %add3A_428 = arith.addi %mul3A_72, %add3A_427 : i32
        %get3A_429 = arith.index_cast %add3A_428 : i32 to index
        %get3A_430 = arith.constant 48 : index
        %get3A_431 = tpu.vector_load %arg7[%get3A_429, %get3A_430] {strides = array<i32>} : memref<128x128xi32, #tpu.memory_space<vmem>>, vector<16xi32>,
        %bitcast3A_432 = vector.bitcast %get3A_431 : vector<16xi32> to vector<32xbf16>
        %add3A_433 = arith.constant 3 : i32
        %add3A_434 = arith.addi %mul3A_72, %add3A_433 : i32
        %get3A_435 = arith.index_cast %add3A_434 : i32 to index
        %get3A_436 = arith.constant 48 : index
        %get3A_437 = tpu.vector_load %arg7[%get3A_435, %get3A_436] {strides = array<i32>} : memref<128x128xi32, #tpu.memory_space<vmem>>, vector<16xi32>,
        %bitcast3A_438 = vector.bitcast %get3A_437 : vector<16xi32> to vector<32xbf16>
        %add3A_439 = arith.constant 4 : i32
        %add3A_440 = arith.addi %mul3A_72, %add3A_439 : i32
        %get3A_441 = arith.index_cast %add3A_440 : i32 to index
        %get3A_442 = arith.constant 48 : index
        %get3A_443 = tpu.vector_load %arg7[%get3A_441, %get3A_442] {strides = array<i32>} : memref<128x128xi32, #tpu.memory_space<vmem>>, vector<16xi32>,
        %bitcast3A_444 = vector.bitcast %get3A_443 : vector<16xi32> to vector<32xbf16>
        %add3A_445 = arith.constant 5 : i32
        %add3A_446 = arith.addi %mul3A_72, %add3A_445 : i32
        %get3A_447 = arith.index_cast %add3A_446 : i32 to index
        %get3A_448 = arith.constant 48 : index
        %get3A_449 = tpu.vector_load %arg7[%get3A_447, %get3A_448] {strides = array<i32>} : memref<128x128xi32, #tpu.memory_space<vmem>>, vector<16xi32>,
        %bitcast3A_450 = vector.bitcast %get3A_449 : vector<16xi32> to vector<32xbf16>
        %add3A_451 = arith.constant 6 : i32
        %add3A_452 = arith.addi %mul3A_72, %add3A_451 : i32
        %get3A_453 = arith.index_cast %add3A_452 : i32 to index
        %get3A_454 = arith.constant 48 : index
        %get3A_455 = tpu.vector_load %arg7[%get3A_453, %get3A_454] {strides = array<i32>} : memref<128x128xi32, #tpu.memory_space<vmem>>, vector<16xi32>,
        %bitcast3A_456 = vector.bitcast %get3A_455 : vector<16xi32> to vector<32xbf16>
        %add3A_457 = arith.constant 7 : i32
        %add3A_458 = arith.addi %mul3A_72, %add3A_457 : i32
        %get3A_459 = arith.index_cast %add3A_458 : i32 to index
        %get3A_460 = arith.constant 48 : index
        %get3A_461 = tpu.vector_load %arg7[%get3A_459, %get3A_460] {strides = array<i32>} : memref<128x128xi32, #tpu.memory_space<vmem>>, vector<16xi32>,
        %bitcast3A_462 = vector.bitcast %get3A_461 : vector<16xi32> to vector<32xbf16>
        %add3A_463 = arith.constant 8 : i32
        %add3A_464 = arith.addi %mul3A_72, %add3A_463 : i32
        %get3A_465 = arith.index_cast %add3A_464 : i32 to index
        %get3A_466 = arith.constant 48 : index
        %get3A_467 = tpu.vector_load %arg7[%get3A_465, %get3A_466] {strides = array<i32>} : memref<128x128xi32, #tpu.memory_space<vmem>>, vector<16xi32>,
        %bitcast3A_468 = vector.bitcast %get3A_467 : vector<16xi32> to vector<32xbf16>
        %add3A_469 = arith.constant 9 : i32
        %add3A_470 = arith.addi %mul3A_72, %add3A_469 : i32
        %get3A_471 = arith.index_cast %add3A_470 : i32 to index
        %get3A_472 = arith.constant 48 : index
        %get3A_473 = tpu.vector_load %arg7[%get3A_471, %get3A_472] {strides = array<i32>} : memref<128x128xi32, #tpu.memory_space<vmem>>, vector<16xi32>,
        %bitcast3A_474 = vector.bitcast %get3A_473 : vector<16xi32> to vector<32xbf16>
        %add3A_475 = arith.constant 10 : i32
        %add3A_476 = arith.addi %mul3A_72, %add3A_475 : i32
        %get3A_477 = arith.index_cast %add3A_476 : i32 to index
        %get3A_478 = arith.constant 48 : index
        %get3A_479 = tpu.vector_load %arg7[%get3A_477, %get3A_478] {strides = array<i32>} : memref<128x128xi32, #tpu.memory_space<vmem>>, vector<16xi32>,
        %bitcast3A_480 = vector.bitcast %get3A_479 : vector<16xi32> to vector<32xbf16>
        %add3A_481 = arith.constant 11 : i32
        %add3A_482 = arith.addi %mul3A_72, %add3A_481 : i32
        %get3A_483 = arith.index_cast %add3A_482 : i32 to index
        %get3A_484 = arith.constant 48 : index
        %get3A_485 = tpu.vector_load %arg7[%get3A_483, %get3A_484] {strides = array<i32>} : memref<128x128xi32, #tpu.memory_space<vmem>>, vector<16xi32>,
        %bitcast3A_486 = vector.bitcast %get3A_485 : vector<16xi32> to vector<32xbf16>
        %add3A_487 = arith.constant 12 : i32
        %add3A_488 = arith.addi %mul3A_72, %add3A_487 : i32
        %get3A_489 = arith.index_cast %add3A_488 : i32 to index
        %get3A_490 = arith.constant 48 : index
        %get3A_491 = tpu.vector_load %arg7[%get3A_489, %get3A_490] {strides = array<i32>} : memref<128x128xi32, #tpu.memory_space<vmem>>, vector<16xi32>,
        %bitcast3A_492 = vector.bitcast %get3A_491 : vector<16xi32> to vector<32xbf16>
        %add3A_493 = arith.constant 13 : i32
        %add3A_494 = arith.addi %mul3A_72, %add3A_493 : i32
        %get3A_495 = arith.index_cast %add3A_494 : i32 to index
        %get3A_496 = arith.constant 48 : index
        %get3A_497 = tpu.vector_load %arg7[%get3A_495, %get3A_496] {strides = array<i32>} : memref<128x128xi32, #tpu.memory_space<vmem>>, vector<16xi32>,
        %bitcast3A_498 = vector.bitcast %get3A_497 : vector<16xi32> to vector<32xbf16>
        %add3A_499 = arith.constant 14 : i32
        %add3A_500 = arith.addi %mul3A_72, %add3A_499 : i32
        %get3A_501 = arith.index_cast %add3A_500 : i32 to index
        %get3A_502 = arith.constant 48 : index
        %get3A_503 = tpu.vector_load %arg7[%get3A_501, %get3A_502] {strides = array<i32>} : memref<128x128xi32, #tpu.memory_space<vmem>>, vector<16xi32>,
        %bitcast3A_504 = vector.bitcast %get3A_503 : vector<16xi32> to vector<32xbf16>
        %add3A_505 = arith.constant 15 : i32
        %add3A_506 = arith.addi %mul3A_72, %add3A_505 : i32
        %get3A_507 = arith.index_cast %add3A_506 : i32 to index
        %get3A_508 = arith.constant 48 : index
        %get3A_509 = tpu.vector_load %arg7[%get3A_507, %get3A_508] {strides = array<i32>} : memref<128x128xi32, #tpu.memory_space<vmem>>, vector<16xi32>,
        %bitcast3A_510 = vector.bitcast %get3A_509 : vector<16xi32> to vector<32xbf16>
        %add3A_511 = arith.addf %bitcast3A_420, %bitcast3A_426 : vector<32xbf16>
        %add3A_512 = arith.addf %bitcast3A_432, %bitcast3A_438 : vector<32xbf16>
        %add3A_513 = arith.addf %bitcast3A_444, %bitcast3A_450 : vector<32xbf16>
        %add3A_514 = arith.addf %bitcast3A_456, %bitcast3A_462 : vector<32xbf16>
        %add3A_515 = arith.addf %bitcast3A_468, %bitcast3A_474 : vector<32xbf16>
        %add3A_516 = arith.addf %bitcast3A_480, %bitcast3A_486 : vector<32xbf16>
        %add3A_517 = arith.addf %bitcast3A_492, %bitcast3A_498 : vector<32xbf16>
        %add3A_518 = arith.addf %bitcast3A_504, %bitcast3A_510 : vector<32xbf16>
        %add3A_519 = arith.addf %add3A_511, %add3A_512 : vector<32xbf16>
        %add3A_520 = arith.addf %add3A_513, %add3A_514 : vector<32xbf16>
        %add3A_521 = arith.addf %add3A_515, %add3A_516 : vector<32xbf16>
        %add3A_522 = arith.addf %add3A_517, %add3A_518 : vector<32xbf16>
        %add3A_523 = arith.addf %add3A_519, %add3A_520 : vector<32xbf16>
        %add3A_524 = arith.addf %add3A_521, %add3A_522 : vector<32xbf16>
        %add3A_525 = arith.addf %add3A_523, %add3A_524 : vector<32xbf16>
        %bitcast3A_526 = vector.bitcast %add3A_525 : vector<32xbf16> to vector<16xi32>
        %swap3A_527 = arith.index_cast %scan3A_69 : i32 to index
        %swap3A_528 = arith.constant 48 : index
        %swap3A_529 = tpu.vector_load %arg9[%swap3A_527, %swap3A_528] {strides = array<i32>} : memref<8x128xi32, #tpu.memory_space<vmem>>, vector<16xi32>,
        tpu.vector_store %arg9[%swap3A_527, %swap3A_528], %bitcast3A_526 {strides = array<i32>} : memref<8x128xi32, #tpu.memory_space<vmem>>, vector<16xi32>,
        %add3A_530 = arith.constant 0 : i32
        %add3A_531 = arith.addi %mul3A_72, %add3A_530 : i32
        %get3A_532 = arith.index_cast %add3A_531 : i32 to index
        %get3A_533 = arith.constant 64 : index
        %get3A_534 = tpu.vector_load %arg7[%get3A_532, %get3A_533] {strides = array<i32>} : memref<128x128xi32, #tpu.memory_space<vmem>>, vector<16xi32>,
        %bitcast3A_535 = vector.bitcast %get3A_534 : vector<16xi32> to vector<32xbf16>
        %add3A_536 = arith.constant 1 : i32
        %add3A_537 = arith.addi %mul3A_72, %add3A_536 : i32
        %get3A_538 = arith.index_cast %add3A_537 : i32 to index
        %get3A_539 = arith.constant 64 : index
        %get3A_540 = tpu.vector_load %arg7[%get3A_538, %get3A_539] {strides = array<i32>} : memref<128x128xi32, #tpu.memory_space<vmem>>, vector<16xi32>,
        %bitcast3A_541 = vector.bitcast %get3A_540 : vector<16xi32> to vector<32xbf16>
        %add3A_542 = arith.constant 2 : i32
        %add3A_543 = arith.addi %mul3A_72, %add3A_542 : i32
        %get3A_544 = arith.index_cast %add3A_543 : i32 to index
        %get3A_545 = arith.constant 64 : index
        %get3A_546 = tpu.vector_load %arg7[%get3A_544, %get3A_545] {strides = array<i32>} : memref<128x128xi32, #tpu.memory_space<vmem>>, vector<16xi32>,
        %bitcast3A_547 = vector.bitcast %get3A_546 : vector<16xi32> to vector<32xbf16>
        %add3A_548 = arith.constant 3 : i32
        %add3A_549 = arith.addi %mul3A_72, %add3A_548 : i32
        %get3A_550 = arith.index_cast %add3A_549 : i32 to index
        %get3A_551 = arith.constant 64 : index
        %get3A_552 = tpu.vector_load %arg7[%get3A_550, %get3A_551] {strides = array<i32>} : memref<128x128xi32, #tpu.memory_space<vmem>>, vector<16xi32>,
        %bitcast3A_553 = vector.bitcast %get3A_552 : vector<16xi32> to vector<32xbf16>
        %add3A_554 = arith.constant 4 : i32
        %add3A_555 = arith.addi %mul3A_72, %add3A_554 : i32
        %get3A_556 = arith.index_cast %add3A_555 : i32 to index
        %get3A_557 = arith.constant 64 : index
        %get3A_558 = tpu.vector_load %arg7[%get3A_556, %get3A_557] {strides = array<i32>} : memref<128x128xi32, #tpu.memory_space<vmem>>, vector<16xi32>,
        %bitcast3A_559 = vector.bitcast %get3A_558 : vector<16xi32> to vector<32xbf16>
        %add3A_560 = arith.constant 5 : i32
        %add3A_561 = arith.addi %mul3A_72, %add3A_560 : i32
        %get3A_562 = arith.index_cast %add3A_561 : i32 to index
        %get3A_563 = arith.constant 64 : index
        %get3A_564 = tpu.vector_load %arg7[%get3A_562, %get3A_563] {strides = array<i32>} : memref<128x128xi32, #tpu.memory_space<vmem>>, vector<16xi32>,
        %bitcast3A_565 = vector.bitcast %get3A_564 : vector<16xi32> to vector<32xbf16>
        %add3A_566 = arith.constant 6 : i32
        %add3A_567 = arith.addi %mul3A_72, %add3A_566 : i32
        %get3A_568 = arith.index_cast %add3A_567 : i32 to index
        %get3A_569 = arith.constant 64 : index
        %get3A_570 = tpu.vector_load %arg7[%get3A_568, %get3A_569] {strides = array<i32>} : memref<128x128xi32, #tpu.memory_space<vmem>>, vector<16xi32>,
        %bitcast3A_571 = vector.bitcast %get3A_570 : vector<16xi32> to vector<32xbf16>
        %add3A_572 = arith.constant 7 : i32
        %add3A_573 = arith.addi %mul3A_72, %add3A_572 : i32
        %get3A_574 = arith.index_cast %add3A_573 : i32 to index
        %get3A_575 = arith.constant 64 : index
        %get3A_576 = tpu.vector_load %arg7[%get3A_574, %get3A_575] {strides = array<i32>} : memref<128x128xi32, #tpu.memory_space<vmem>>, vector<16xi32>,
        %bitcast3A_577 = vector.bitcast %get3A_576 : vector<16xi32> to vector<32xbf16>
        %add3A_578 = arith.constant 8 : i32
        %add3A_579 = arith.addi %mul3A_72, %add3A_578 : i32
        %get3A_580 = arith.index_cast %add3A_579 : i32 to index
        %get3A_581 = arith.constant 64 : index
        %get3A_582 = tpu.vector_load %arg7[%get3A_580, %get3A_581] {strides = array<i32>} : memref<128x128xi32, #tpu.memory_space<vmem>>, vector<16xi32>,
        %bitcast3A_583 = vector.bitcast %get3A_582 : vector<16xi32> to vector<32xbf16>
        %add3A_584 = arith.constant 9 : i32
        %add3A_585 = arith.addi %mul3A_72, %add3A_584 : i32
        %get3A_586 = arith.index_cast %add3A_585 : i32 to index
        %get3A_587 = arith.constant 64 : index
        %get3A_588 = tpu.vector_load %arg7[%get3A_586, %get3A_587] {strides = array<i32>} : memref<128x128xi32, #tpu.memory_space<vmem>>, vector<16xi32>,
        %bitcast3A_589 = vector.bitcast %get3A_588 : vector<16xi32> to vector<32xbf16>
        %add3A_590 = arith.constant 10 : i32
        %add3A_591 = arith.addi %mul3A_72, %add3A_590 : i32
        %get3A_592 = arith.index_cast %add3A_591 : i32 to index
        %get3A_593 = arith.constant 64 : index
        %get3A_594 = tpu.vector_load %arg7[%get3A_592, %get3A_593] {strides = array<i32>} : memref<128x128xi32, #tpu.memory_space<vmem>>, vector<16xi32>,
        %bitcast3A_595 = vector.bitcast %get3A_594 : vector<16xi32> to vector<32xbf16>
        %add3A_596 = arith.constant 11 : i32
        %add3A_597 = arith.addi %mul3A_72, %add3A_596 : i32
        %get3A_598 = arith.index_cast %add3A_597 : i32 to index
        %get3A_599 = arith.constant 64 : index
        %get3A_600 = tpu.vector_load %arg7[%get3A_598, %get3A_599] {strides = array<i32>} : memref<128x128xi32, #tpu.memory_space<vmem>>, vector<16xi32>,
        %bitcast3A_601 = vector.bitcast %get3A_600 : vector<16xi32> to vector<32xbf16>
        %add3A_602 = arith.constant 12 : i32
        %add3A_603 = arith.addi %mul3A_72, %add3A_602 : i32
        %get3A_604 = arith.index_cast %add3A_603 : i32 to index
        %get3A_605 = arith.constant 64 : index
        %get3A_606 = tpu.vector_load %arg7[%get3A_604, %get3A_605] {strides = array<i32>} : memref<128x128xi32, #tpu.memory_space<vmem>>, vector<16xi32>,
        %bitcast3A_607 = vector.bitcast %get3A_606 : vector<16xi32> to vector<32xbf16>
        %add3A_608 = arith.constant 13 : i32
        %add3A_609 = arith.addi %mul3A_72, %add3A_608 : i32
        %get3A_610 = arith.index_cast %add3A_609 : i32 to index
        %get3A_611 = arith.constant 64 : index
        %get3A_612 = tpu.vector_load %arg7[%get3A_610, %get3A_611] {strides = array<i32>} : memref<128x128xi32, #tpu.memory_space<vmem>>, vector<16xi32>,
        %bitcast3A_613 = vector.bitcast %get3A_612 : vector<16xi32> to vector<32xbf16>
        %add3A_614 = arith.constant 14 : i32
        %add3A_615 = arith.addi %mul3A_72, %add3A_614 : i32
        %get3A_616 = arith.index_cast %add3A_615 : i32 to index
        %get3A_617 = arith.constant 64 : index
        %get3A_618 = tpu.vector_load %arg7[%get3A_616, %get3A_617] {strides = array<i32>} : memref<128x128xi32, #tpu.memory_space<vmem>>, vector<16xi32>,
        %bitcast3A_619 = vector.bitcast %get3A_618 : vector<16xi32> to vector<32xbf16>
        %add3A_620 = arith.constant 15 : i32
        %add3A_621 = arith.addi %mul3A_72, %add3A_620 : i32
        %get3A_622 = arith.index_cast %add3A_621 : i32 to index
        %get3A_623 = arith.constant 64 : index
        %get3A_624 = tpu.vector_load %arg7[%get3A_622, %get3A_623] {strides = array<i32>} : memref<128x128xi32, #tpu.memory_space<vmem>>, vector<16xi32>,
        %bitcast3A_625 = vector.bitcast %get3A_624 : vector<16xi32> to vector<32xbf16>
        %add3A_626 = arith.addf %bitcast3A_535, %bitcast3A_541 : vector<32xbf16>
        %add3A_627 = arith.addf %bitcast3A_547, %bitcast3A_553 : vector<32xbf16>
        %add3A_628 = arith.addf %bitcast3A_559, %bitcast3A_565 : vector<32xbf16>
        %add3A_629 = arith.addf %bitcast3A_571, %bitcast3A_577 : vector<32xbf16>
        %add3A_630 = arith.addf %bitcast3A_583, %bitcast3A_589 : vector<32xbf16>
        %add3A_631 = arith.addf %bitcast3A_595, %bitcast3A_601 : vector<32xbf16>
        %add3A_632 = arith.addf %bitcast3A_607, %bitcast3A_613 : vector<32xbf16>
        %add3A_633 = arith.addf %bitcast3A_619, %bitcast3A_625 : vector<32xbf16>
        %add3A_634 = arith.addf %add3A_626, %add3A_627 : vector<32xbf16>
        %add3A_635 = arith.addf %add3A_628, %add3A_629 : vector<32xbf16>
        %add3A_636 = arith.addf %add3A_630, %add3A_631 : vector<32xbf16>
        %add3A_637 = arith.addf %add3A_632, %add3A_633 : vector<32xbf16>
        %add3A_638 = arith.addf %add3A_634, %add3A_635 : vector<32xbf16>
        %add3A_639 = arith.addf %add3A_636, %add3A_637 : vector<32xbf16>
        %add3A_640 = arith.addf %add3A_638, %add3A_639 : vector<32xbf16>
        %bitcast3A_641 = vector.bitcast %add3A_640 : vector<32xbf16> to vector<16xi32>
        %swap3A_642 = arith.index_cast %scan3A_69 : i32 to index
        %swap3A_643 = arith.constant 64 : index
        %swap3A_644 = tpu.vector_load %arg9[%swap3A_642, %swap3A_643] {strides = array<i32>} : memref<8x128xi32, #tpu.memory_space<vmem>>, vector<16xi32>,
        tpu.vector_store %arg9[%swap3A_642, %swap3A_643], %bitcast3A_641 {strides = array<i32>} : memref<8x128xi32, #tpu.memory_space<vmem>>, vector<16xi32>,
        %add3A_645 = arith.constant 0 : i32
        %add3A_646 = arith.addi %mul3A_72, %add3A_645 : i32
        %get3A_647 = arith.index_cast %add3A_646 : i32 to index
        %get3A_648 = arith.constant 80 : index
        %get3A_649 = tpu.vector_load %arg7[%get3A_647, %get3A_648] {strides = array<i32>} : memref<128x128xi32, #tpu.memory_space<vmem>>, vector<16xi32>,
        %bitcast3A_650 = vector.bitcast %get3A_649 : vector<16xi32> to vector<32xbf16>
        %add3A_651 = arith.constant 1 : i32
        %add3A_652 = arith.addi %mul3A_72, %add3A_651 : i32
        %get3A_653 = arith.index_cast %add3A_652 : i32 to index
        %get3A_654 = arith.constant 80 : index
        %get3A_655 = tpu.vector_load %arg7[%get3A_653, %get3A_654] {strides = array<i32>} : memref<128x128xi32, #tpu.memory_space<vmem>>, vector<16xi32>,
        %bitcast3A_656 = vector.bitcast %get3A_655 : vector<16xi32> to vector<32xbf16>
        %add3A_657 = arith.constant 2 : i32
        %add3A_658 = arith.addi %mul3A_72, %add3A_657 : i32
        %get3A_659 = arith.index_cast %add3A_658 : i32 to index
        %get3A_660 = arith.constant 80 : index
        %get3A_661 = tpu.vector_load %arg7[%get3A_659, %get3A_660] {strides = array<i32>} : memref<128x128xi32, #tpu.memory_space<vmem>>, vector<16xi32>,
        %bitcast3A_662 = vector.bitcast %get3A_661 : vector<16xi32> to vector<32xbf16>
        %add3A_663 = arith.constant 3 : i32
        %add3A_664 = arith.addi %mul3A_72, %add3A_663 : i32
        %get3A_665 = arith.index_cast %add3A_664 : i32 to index
        %get3A_666 = arith.constant 80 : index
        %get3A_667 = tpu.vector_load %arg7[%get3A_665, %get3A_666] {strides = array<i32>} : memref<128x128xi32, #tpu.memory_space<vmem>>, vector<16xi32>,
        %bitcast3A_668 = vector.bitcast %get3A_667 : vector<16xi32> to vector<32xbf16>
        %add3A_669 = arith.constant 4 : i32
        %add3A_670 = arith.addi %mul3A_72, %add3A_669 : i32
        %get3A_671 = arith.index_cast %add3A_670 : i32 to index
        %get3A_672 = arith.constant 80 : index
        %get3A_673 = tpu.vector_load %arg7[%get3A_671, %get3A_672] {strides = array<i32>} : memref<128x128xi32, #tpu.memory_space<vmem>>, vector<16xi32>,
        %bitcast3A_674 = vector.bitcast %get3A_673 : vector<16xi32> to vector<32xbf16>
        %add3A_675 = arith.constant 5 : i32
        %add3A_676 = arith.addi %mul3A_72, %add3A_675 : i32
        %get3A_677 = arith.index_cast %add3A_676 : i32 to index
        %get3A_678 = arith.constant 80 : index
        %get3A_679 = tpu.vector_load %arg7[%get3A_677, %get3A_678] {strides = array<i32>} : memref<128x128xi32, #tpu.memory_space<vmem>>, vector<16xi32>,
        %bitcast3A_680 = vector.bitcast %get3A_679 : vector<16xi32> to vector<32xbf16>
        %add3A_681 = arith.constant 6 : i32
        %add3A_682 = arith.addi %mul3A_72, %add3A_681 : i32
        %get3A_683 = arith.index_cast %add3A_682 : i32 to index
        %get3A_684 = arith.constant 80 : index
        %get3A_685 = tpu.vector_load %arg7[%get3A_683, %get3A_684] {strides = array<i32>} : memref<128x128xi32, #tpu.memory_space<vmem>>, vector<16xi32>,
        %bitcast3A_686 = vector.bitcast %get3A_685 : vector<16xi32> to vector<32xbf16>
        %add3A_687 = arith.constant 7 : i32
        %add3A_688 = arith.addi %mul3A_72, %add3A_687 : i32
        %get3A_689 = arith.index_cast %add3A_688 : i32 to index
        %get3A_690 = arith.constant 80 : index
        %get3A_691 = tpu.vector_load %arg7[%get3A_689, %get3A_690] {strides = array<i32>} : memref<128x128xi32, #tpu.memory_space<vmem>>, vector<16xi32>,
        %bitcast3A_692 = vector.bitcast %get3A_691 : vector<16xi32> to vector<32xbf16>
        %add3A_693 = arith.constant 8 : i32
        %add3A_694 = arith.addi %mul3A_72, %add3A_693 : i32
        %get3A_695 = arith.index_cast %add3A_694 : i32 to index
        %get3A_696 = arith.constant 80 : index
        %get3A_697 = tpu.vector_load %arg7[%get3A_695, %get3A_696] {strides = array<i32>} : memref<128x128xi32, #tpu.memory_space<vmem>>, vector<16xi32>,
        %bitcast3A_698 = vector.bitcast %get3A_697 : vector<16xi32> to vector<32xbf16>
        %add3A_699 = arith.constant 9 : i32
        %add3A_700 = arith.addi %mul3A_72, %add3A_699 : i32
        %get3A_701 = arith.index_cast %add3A_700 : i32 to index
        %get3A_702 = arith.constant 80 : index
        %get3A_703 = tpu.vector_load %arg7[%get3A_701, %get3A_702] {strides = array<i32>} : memref<128x128xi32, #tpu.memory_space<vmem>>, vector<16xi32>,
        %bitcast3A_704 = vector.bitcast %get3A_703 : vector<16xi32> to vector<32xbf16>
        %add3A_705 = arith.constant 10 : i32
        %add3A_706 = arith.addi %mul3A_72, %add3A_705 : i32
        %get3A_707 = arith.index_cast %add3A_706 : i32 to index
        %get3A_708 = arith.constant 80 : index
        %get3A_709 = tpu.vector_load %arg7[%get3A_707, %get3A_708] {strides = array<i32>} : memref<128x128xi32, #tpu.memory_space<vmem>>, vector<16xi32>,
        %bitcast3A_710 = vector.bitcast %get3A_709 : vector<16xi32> to vector<32xbf16>
        %add3A_711 = arith.constant 11 : i32
        %add3A_712 = arith.addi %mul3A_72, %add3A_711 : i32
        %get3A_713 = arith.index_cast %add3A_712 : i32 to index
        %get3A_714 = arith.constant 80 : index
        %get3A_715 = tpu.vector_load %arg7[%get3A_713, %get3A_714] {strides = array<i32>} : memref<128x128xi32, #tpu.memory_space<vmem>>, vector<16xi32>,
        %bitcast3A_716 = vector.bitcast %get3A_715 : vector<16xi32> to vector<32xbf16>
        %add3A_717 = arith.constant 12 : i32
        %add3A_718 = arith.addi %mul3A_72, %add3A_717 : i32
        %get3A_719 = arith.index_cast %add3A_718 : i32 to index
        %get3A_720 = arith.constant 80 : index
        %get3A_721 = tpu.vector_load %arg7[%get3A_719, %get3A_720] {strides = array<i32>} : memref<128x128xi32, #tpu.memory_space<vmem>>, vector<16xi32>,
        %bitcast3A_722 = vector.bitcast %get3A_721 : vector<16xi32> to vector<32xbf16>
        %add3A_723 = arith.constant 13 : i32
        %add3A_724 = arith.addi %mul3A_72, %add3A_723 : i32
        %get3A_725 = arith.index_cast %add3A_724 : i32 to index
        %get3A_726 = arith.constant 80 : index
        %get3A_727 = tpu.vector_load %arg7[%get3A_725, %get3A_726] {strides = array<i32>} : memref<128x128xi32, #tpu.memory_space<vmem>>, vector<16xi32>,
        %bitcast3A_728 = vector.bitcast %get3A_727 : vector<16xi32> to vector<32xbf16>
        %add3A_729 = arith.constant 14 : i32
        %add3A_730 = arith.addi %mul3A_72, %add3A_729 : i32
        %get3A_731 = arith.index_cast %add3A_730 : i32 to index
        %get3A_732 = arith.constant 80 : index
        %get3A_733 = tpu.vector_load %arg7[%get3A_731, %get3A_732] {strides = array<i32>} : memref<128x128xi32, #tpu.memory_space<vmem>>, vector<16xi32>,
        %bitcast3A_734 = vector.bitcast %get3A_733 : vector<16xi32> to vector<32xbf16>
        %add3A_735 = arith.constant 15 : i32
        %add3A_736 = arith.addi %mul3A_72, %add3A_735 : i32
        %get3A_737 = arith.index_cast %add3A_736 : i32 to index
        %get3A_738 = arith.constant 80 : index
        %get3A_739 = tpu.vector_load %arg7[%get3A_737, %get3A_738] {strides = array<i32>} : memref<128x128xi32, #tpu.memory_space<vmem>>, vector<16xi32>,
        %bitcast3A_740 = vector.bitcast %get3A_739 : vector<16xi32> to vector<32xbf16>
        %add3A_741 = arith.addf %bitcast3A_650, %bitcast3A_656 : vector<32xbf16>
        %add3A_742 = arith.addf %bitcast3A_662, %bitcast3A_668 : vector<32xbf16>
        %add3A_743 = arith.addf %bitcast3A_674, %bitcast3A_680 : vector<32xbf16>
        %add3A_744 = arith.addf %bitcast3A_686, %bitcast3A_692 : vector<32xbf16>
        %add3A_745 = arith.addf %bitcast3A_698, %bitcast3A_704 : vector<32xbf16>
        %add3A_746 = arith.addf %bitcast3A_710, %bitcast3A_716 : vector<32xbf16>
        %add3A_747 = arith.addf %bitcast3A_722, %bitcast3A_728 : vector<32xbf16>
        %add3A_748 = arith.addf %bitcast3A_734, %bitcast3A_740 : vector<32xbf16>
        %add3A_749 = arith.addf %add3A_741, %add3A_742 : vector<32xbf16>
        %add3A_750 = arith.addf %add3A_743, %add3A_744 : vector<32xbf16>
        %add3A_751 = arith.addf %add3A_745, %add3A_746 : vector<32xbf16>
        %add3A_752 = arith.addf %add3A_747, %add3A_748 : vector<32xbf16>
        %add3A_753 = arith.addf %add3A_749, %add3A_750 : vector<32xbf16>
        %add3A_754 = arith.addf %add3A_751, %add3A_752 : vector<32xbf16>
        %add3A_755 = arith.addf %add3A_753, %add3A_754 : vector<32xbf16>
        %bitcast3A_756 = vector.bitcast %add3A_755 : vector<32xbf16> to vector<16xi32>
        %swap3A_757 = arith.index_cast %scan3A_69 : i32 to index
        %swap3A_758 = arith.constant 80 : index
        %swap3A_759 = tpu.vector_load %arg9[%swap3A_757, %swap3A_758] {strides = array<i32>} : memref<8x128xi32, #tpu.memory_space<vmem>>, vector<16xi32>,
        tpu.vector_store %arg9[%swap3A_757, %swap3A_758], %bitcast3A_756 {strides = array<i32>} : memref<8x128xi32, #tpu.memory_space<vmem>>, vector<16xi32>,
        %add3A_760 = arith.constant 0 : i32
        %add3A_761 = arith.addi %mul3A_72, %add3A_760 : i32
        %get3A_762 = arith.index_cast %add3A_761 : i32 to index
        %get3A_763 = arith.constant 96 : index
        %get3A_764 = tpu.vector_load %arg7[%get3A_762, %get3A_763] {strides = array<i32>} : memref<128x128xi32, #tpu.memory_space<vmem>>, vector<16xi32>,
        %bitcast3A_765 = vector.bitcast %get3A_764 : vector<16xi32> to vector<32xbf16>
        %add3A_766 = arith.constant 1 : i32
        %add3A_767 = arith.addi %mul3A_72, %add3A_766 : i32
        %get3A_768 = arith.index_cast %add3A_767 : i32 to index
        %get3A_769 = arith.constant 96 : index
        %get3A_770 = tpu.vector_load %arg7[%get3A_768, %get3A_769] {strides = array<i32>} : memref<128x128xi32, #tpu.memory_space<vmem>>, vector<16xi32>,
        %bitcast3A_771 = vector.bitcast %get3A_770 : vector<16xi32> to vector<32xbf16>
        %add3A_772 = arith.constant 2 : i32
        %add3A_773 = arith.addi %mul3A_72, %add3A_772 : i32
        %get3A_774 = arith.index_cast %add3A_773 : i32 to index
        %get3A_775 = arith.constant 96 : index
        %get3A_776 = tpu.vector_load %arg7[%get3A_774, %get3A_775] {strides = array<i32>} : memref<128x128xi32, #tpu.memory_space<vmem>>, vector<16xi32>,
        %bitcast3A_777 = vector.bitcast %get3A_776 : vector<16xi32> to vector<32xbf16>
        %add3A_778 = arith.constant 3 : i32
        %add3A_779 = arith.addi %mul3A_72, %add3A_778 : i32
        %get3A_780 = arith.index_cast %add3A_779 : i32 to index
        %get3A_781 = arith.constant 96 : index
        %get3A_782 = tpu.vector_load %arg7[%get3A_780, %get3A_781] {strides = array<i32>} : memref<128x128xi32, #tpu.memory_space<vmem>>, vector<16xi32>,
        %bitcast3A_783 = vector.bitcast %get3A_782 : vector<16xi32> to vector<32xbf16>
        %add3A_784 = arith.constant 4 : i32
        %add3A_785 = arith.addi %mul3A_72, %add3A_784 : i32
        %get3A_786 = arith.index_cast %add3A_785 : i32 to index
        %get3A_787 = arith.constant 96 : index
        %get3A_788 = tpu.vector_load %arg7[%get3A_786, %get3A_787] {strides = array<i32>} : memref<128x128xi32, #tpu.memory_space<vmem>>, vector<16xi32>,
        %bitcast3A_789 = vector.bitcast %get3A_788 : vector<16xi32> to vector<32xbf16>
        %add3A_790 = arith.constant 5 : i32
        %add3A_791 = arith.addi %mul3A_72, %add3A_790 : i32
        %get3A_792 = arith.index_cast %add3A_791 : i32 to index
        %get3A_793 = arith.constant 96 : index
        %get3A_794 = tpu.vector_load %arg7[%get3A_792, %get3A_793] {strides = array<i32>} : memref<128x128xi32, #tpu.memory_space<vmem>>, vector<16xi32>,
        %bitcast3A_795 = vector.bitcast %get3A_794 : vector<16xi32> to vector<32xbf16>
        %add3A_796 = arith.constant 6 : i32
        %add3A_797 = arith.addi %mul3A_72, %add3A_796 : i32
        %get3A_798 = arith.index_cast %add3A_797 : i32 to index
        %get3A_799 = arith.constant 96 : index
        %get3A_800 = tpu.vector_load %arg7[%get3A_798, %get3A_799] {strides = array<i32>} : memref<128x128xi32, #tpu.memory_space<vmem>>, vector<16xi32>,
        %bitcast3A_801 = vector.bitcast %get3A_800 : vector<16xi32> to vector<32xbf16>
        %add3A_802 = arith.constant 7 : i32
        %add3A_803 = arith.addi %mul3A_72, %add3A_802 : i32
        %get3A_804 = arith.index_cast %add3A_803 : i32 to index
        %get3A_805 = arith.constant 96 : index
        %get3A_806 = tpu.vector_load %arg7[%get3A_804, %get3A_805] {strides = array<i32>} : memref<128x128xi32, #tpu.memory_space<vmem>>, vector<16xi32>,
        %bitcast3A_807 = vector.bitcast %get3A_806 : vector<16xi32> to vector<32xbf16>
        %add3A_808 = arith.constant 8 : i32
        %add3A_809 = arith.addi %mul3A_72, %add3A_808 : i32
        %get3A_810 = arith.index_cast %add3A_809 : i32 to index
        %get3A_811 = arith.constant 96 : index
        %get3A_812 = tpu.vector_load %arg7[%get3A_810, %get3A_811] {strides = array<i32>} : memref<128x128xi32, #tpu.memory_space<vmem>>, vector<16xi32>,
        %bitcast3A_813 = vector.bitcast %get3A_812 : vector<16xi32> to vector<32xbf16>
        %add3A_814 = arith.constant 9 : i32
        %add3A_815 = arith.addi %mul3A_72, %add3A_814 : i32
        %get3A_816 = arith.index_cast %add3A_815 : i32 to index
        %get3A_817 = arith.constant 96 : index
        %get3A_818 = tpu.vector_load %arg7[%get3A_816, %get3A_817] {strides = array<i32>} : memref<128x128xi32, #tpu.memory_space<vmem>>, vector<16xi32>,
        %bitcast3A_819 = vector.bitcast %get3A_818 : vector<16xi32> to vector<32xbf16>
        %add3A_820 = arith.constant 10 : i32
        %add3A_821 = arith.addi %mul3A_72, %add3A_820 : i32
        %get3A_822 = arith.index_cast %add3A_821 : i32 to index
        %get3A_823 = arith.constant 96 : index
        %get3A_824 = tpu.vector_load %arg7[%get3A_822, %get3A_823] {strides = array<i32>} : memref<128x128xi32, #tpu.memory_space<vmem>>, vector<16xi32>,
        %bitcast3A_825 = vector.bitcast %get3A_824 : vector<16xi32> to vector<32xbf16>
        %add3A_826 = arith.constant 11 : i32
        %add3A_827 = arith.addi %mul3A_72, %add3A_826 : i32
        %get3A_828 = arith.index_cast %add3A_827 : i32 to index
        %get3A_829 = arith.constant 96 : index
        %get3A_830 = tpu.vector_load %arg7[%get3A_828, %get3A_829] {strides = array<i32>} : memref<128x128xi32, #tpu.memory_space<vmem>>, vector<16xi32>,
        %bitcast3A_831 = vector.bitcast %get3A_830 : vector<16xi32> to vector<32xbf16>
        %add3A_832 = arith.constant 12 : i32
        %add3A_833 = arith.addi %mul3A_72, %add3A_832 : i32
        %get3A_834 = arith.index_cast %add3A_833 : i32 to index
        %get3A_835 = arith.constant 96 : index
        %get3A_836 = tpu.vector_load %arg7[%get3A_834, %get3A_835] {strides = array<i32>} : memref<128x128xi32, #tpu.memory_space<vmem>>, vector<16xi32>,
        %bitcast3A_837 = vector.bitcast %get3A_836 : vector<16xi32> to vector<32xbf16>
        %add3A_838 = arith.constant 13 : i32
        %add3A_839 = arith.addi %mul3A_72, %add3A_838 : i32
        %get3A_840 = arith.index_cast %add3A_839 : i32 to index
        %get3A_841 = arith.constant 96 : index
        %get3A_842 = tpu.vector_load %arg7[%get3A_840, %get3A_841] {strides = array<i32>} : memref<128x128xi32, #tpu.memory_space<vmem>>, vector<16xi32>,
        %bitcast3A_843 = vector.bitcast %get3A_842 : vector<16xi32> to vector<32xbf16>
        %add3A_844 = arith.constant 14 : i32
        %add3A_845 = arith.addi %mul3A_72, %add3A_844 : i32
        %get3A_846 = arith.index_cast %add3A_845 : i32 to index
        %get3A_847 = arith.constant 96 : index
        %get3A_848 = tpu.vector_load %arg7[%get3A_846, %get3A_847] {strides = array<i32>} : memref<128x128xi32, #tpu.memory_space<vmem>>, vector<16xi32>,
        %bitcast3A_849 = vector.bitcast %get3A_848 : vector<16xi32> to vector<32xbf16>
        %add3A_850 = arith.constant 15 : i32
        %add3A_851 = arith.addi %mul3A_72, %add3A_850 : i32
        %get3A_852 = arith.index_cast %add3A_851 : i32 to index
        %get3A_853 = arith.constant 96 : index
        %get3A_854 = tpu.vector_load %arg7[%get3A_852, %get3A_853] {strides = array<i32>} : memref<128x128xi32, #tpu.memory_space<vmem>>, vector<16xi32>,
        %bitcast3A_855 = vector.bitcast %get3A_854 : vector<16xi32> to vector<32xbf16>
        %add3A_856 = arith.addf %bitcast3A_765, %bitcast3A_771 : vector<32xbf16>
        %add3A_857 = arith.addf %bitcast3A_777, %bitcast3A_783 : vector<32xbf16>
        %add3A_858 = arith.addf %bitcast3A_789, %bitcast3A_795 : vector<32xbf16>
        %add3A_859 = arith.addf %bitcast3A_801, %bitcast3A_807 : vector<32xbf16>
        %add3A_860 = arith.addf %bitcast3A_813, %bitcast3A_819 : vector<32xbf16>
        %add3A_861 = arith.addf %bitcast3A_825, %bitcast3A_831 : vector<32xbf16>
        %add3A_862 = arith.addf %bitcast3A_837, %bitcast3A_843 : vector<32xbf16>
        %add3A_863 = arith.addf %bitcast3A_849, %bitcast3A_855 : vector<32xbf16>
        %add3A_864 = arith.addf %add3A_856, %add3A_857 : vector<32xbf16>
        %add3A_865 = arith.addf %add3A_858, %add3A_859 : vector<32xbf16>
        %add3A_866 = arith.addf %add3A_860, %add3A_861 : vector<32xbf16>
        %add3A_867 = arith.addf %add3A_862, %add3A_863 : vector<32xbf16>
        %add3A_868 = arith.addf %add3A_864, %add3A_865 : vector<32xbf16>
        %add3A_869 = arith.addf %add3A_866, %add3A_867 : vector<32xbf16>
        %add3A_870 = arith.addf %add3A_868, %add3A_869 : vector<32xbf16>
        %bitcast3A_871 = vector.bitcast %add3A_870 : vector<32xbf16> to vector<16xi32>
        %swap3A_872 = arith.index_cast %scan3A_69 : i32 to index
        %swap3A_873 = arith.constant 96 : index
        %swap3A_874 = tpu.vector_load %arg9[%swap3A_872, %swap3A_873] {strides = array<i32>} : memref<8x128xi32, #tpu.memory_space<vmem>>, vector<16xi32>,
        tpu.vector_store %arg9[%swap3A_872, %swap3A_873], %bitcast3A_871 {strides = array<i32>} : memref<8x128xi32, #tpu.memory_space<vmem>>, vector<16xi32>,
        %add3A_875 = arith.constant 0 : i32
        %add3A_876 = arith.addi %mul3A_72, %add3A_875 : i32
        %get3A_877 = arith.index_cast %add3A_876 : i32 to index
        %get3A_878 = arith.constant 112 : index
        %get3A_879 = tpu.vector_load %arg7[%get3A_877, %get3A_878] {strides = array<i32>} : memref<128x128xi32, #tpu.memory_space<vmem>>, vector<16xi32>,
        %bitcast3A_880 = vector.bitcast %get3A_879 : vector<16xi32> to vector<32xbf16>
        %add3A_881 = arith.constant 1 : i32
        %add3A_882 = arith.addi %mul3A_72, %add3A_881 : i32
        %get3A_883 = arith.index_cast %add3A_882 : i32 to index
        %get3A_884 = arith.constant 112 : index
        %get3A_885 = tpu.vector_load %arg7[%get3A_883, %get3A_884] {strides = array<i32>} : memref<128x128xi32, #tpu.memory_space<vmem>>, vector<16xi32>,
        %bitcast3A_886 = vector.bitcast %get3A_885 : vector<16xi32> to vector<32xbf16>
        %add3A_887 = arith.constant 2 : i32
        %add3A_888 = arith.addi %mul3A_72, %add3A_887 : i32
        %get3A_889 = arith.index_cast %add3A_888 : i32 to index
        %get3A_890 = arith.constant 112 : index
        %get3A_891 = tpu.vector_load %arg7[%get3A_889, %get3A_890] {strides = array<i32>} : memref<128x128xi32, #tpu.memory_space<vmem>>, vector<16xi32>,
        %bitcast3A_892 = vector.bitcast %get3A_891 : vector<16xi32> to vector<32xbf16>
        %add3A_893 = arith.constant 3 : i32
        %add3A_894 = arith.addi %mul3A_72, %add3A_893 : i32
        %get3A_895 = arith.index_cast %add3A_894 : i32 to index
        %get3A_896 = arith.constant 112 : index
        %get3A_897 = tpu.vector_load %arg7[%get3A_895, %get3A_896] {strides = array<i32>} : memref<128x128xi32, #tpu.memory_space<vmem>>, vector<16xi32>,
        %bitcast3A_898 = vector.bitcast %get3A_897 : vector<16xi32> to vector<32xbf16>
        %add3A_899 = arith.constant 4 : i32
        %add3A_900 = arith.addi %mul3A_72, %add3A_899 : i32
        %get3A_901 = arith.index_cast %add3A_900 : i32 to index
        %get3A_902 = arith.constant 112 : index
        %get3A_903 = tpu.vector_load %arg7[%get3A_901, %get3A_902] {strides = array<i32>} : memref<128x128xi32, #tpu.memory_space<vmem>>, vector<16xi32>,
        %bitcast3A_904 = vector.bitcast %get3A_903 : vector<16xi32> to vector<32xbf16>
        %add3A_905 = arith.constant 5 : i32
        %add3A_906 = arith.addi %mul3A_72, %add3A_905 : i32
        %get3A_907 = arith.index_cast %add3A_906 : i32 to index
        %get3A_908 = arith.constant 112 : index
        %get3A_909 = tpu.vector_load %arg7[%get3A_907, %get3A_908] {strides = array<i32>} : memref<128x128xi32, #tpu.memory_space<vmem>>, vector<16xi32>,
        %bitcast3A_910 = vector.bitcast %get3A_909 : vector<16xi32> to vector<32xbf16>
        %add3A_911 = arith.constant 6 : i32
        %add3A_912 = arith.addi %mul3A_72, %add3A_911 : i32
        %get3A_913 = arith.index_cast %add3A_912 : i32 to index
        %get3A_914 = arith.constant 112 : index
        %get3A_915 = tpu.vector_load %arg7[%get3A_913, %get3A_914] {strides = array<i32>} : memref<128x128xi32, #tpu.memory_space<vmem>>, vector<16xi32>,
        %bitcast3A_916 = vector.bitcast %get3A_915 : vector<16xi32> to vector<32xbf16>
        %add3A_917 = arith.constant 7 : i32
        %add3A_918 = arith.addi %mul3A_72, %add3A_917 : i32
        %get3A_919 = arith.index_cast %add3A_918 : i32 to index
        %get3A_920 = arith.constant 112 : index
        %get3A_921 = tpu.vector_load %arg7[%get3A_919, %get3A_920] {strides = array<i32>} : memref<128x128xi32, #tpu.memory_space<vmem>>, vector<16xi32>,
        %bitcast3A_922 = vector.bitcast %get3A_921 : vector<16xi32> to vector<32xbf16>
        %add3A_923 = arith.constant 8 : i32
        %add3A_924 = arith.addi %mul3A_72, %add3A_923 : i32
        %get3A_925 = arith.index_cast %add3A_924 : i32 to index
        %get3A_926 = arith.constant 112 : index
        %get3A_927 = tpu.vector_load %arg7[%get3A_925, %get3A_926] {strides = array<i32>} : memref<128x128xi32, #tpu.memory_space<vmem>>, vector<16xi32>,
        %bitcast3A_928 = vector.bitcast %get3A_927 : vector<16xi32> to vector<32xbf16>
        %add3A_929 = arith.constant 9 : i32
        %add3A_930 = arith.addi %mul3A_72, %add3A_929 : i32
        %get3A_931 = arith.index_cast %add3A_930 : i32 to index
        %get3A_932 = arith.constant 112 : index
        %get3A_933 = tpu.vector_load %arg7[%get3A_931, %get3A_932] {strides = array<i32>} : memref<128x128xi32, #tpu.memory_space<vmem>>, vector<16xi32>,
        %bitcast3A_934 = vector.bitcast %get3A_933 : vector<16xi32> to vector<32xbf16>
        %add3A_935 = arith.constant 10 : i32
        %add3A_936 = arith.addi %mul3A_72, %add3A_935 : i32
        %get3A_937 = arith.index_cast %add3A_936 : i32 to index
        %get3A_938 = arith.constant 112 : index
        %get3A_939 = tpu.vector_load %arg7[%get3A_937, %get3A_938] {strides = array<i32>} : memref<128x128xi32, #tpu.memory_space<vmem>>, vector<16xi32>,
        %bitcast3A_940 = vector.bitcast %get3A_939 : vector<16xi32> to vector<32xbf16>
        %add3A_941 = arith.constant 11 : i32
        %add3A_942 = arith.addi %mul3A_72, %add3A_941 : i32
        %get3A_943 = arith.index_cast %add3A_942 : i32 to index
        %get3A_944 = arith.constant 112 : index
        %get3A_945 = tpu.vector_load %arg7[%get3A_943, %get3A_944] {strides = array<i32>} : memref<128x128xi32, #tpu.memory_space<vmem>>, vector<16xi32>,
        %bitcast3A_946 = vector.bitcast %get3A_945 : vector<16xi32> to vector<32xbf16>
        %add3A_947 = arith.constant 12 : i32
        %add3A_948 = arith.addi %mul3A_72, %add3A_947 : i32
        %get3A_949 = arith.index_cast %add3A_948 : i32 to index
        %get3A_950 = arith.constant 112 : index
        %get3A_951 = tpu.vector_load %arg7[%get3A_949, %get3A_950] {strides = array<i32>} : memref<128x128xi32, #tpu.memory_space<vmem>>, vector<16xi32>,
        %bitcast3A_952 = vector.bitcast %get3A_951 : vector<16xi32> to vector<32xbf16>
        %add3A_953 = arith.constant 13 : i32
        %add3A_954 = arith.addi %mul3A_72, %add3A_953 : i32
        %get3A_955 = arith.index_cast %add3A_954 : i32 to index
        %get3A_956 = arith.constant 112 : index
        %get3A_957 = tpu.vector_load %arg7[%get3A_955, %get3A_956] {strides = array<i32>} : memref<128x128xi32, #tpu.memory_space<vmem>>, vector<16xi32>,
        %bitcast3A_958 = vector.bitcast %get3A_957 : vector<16xi32> to vector<32xbf16>
        %add3A_959 = arith.constant 14 : i32
        %add3A_960 = arith.addi %mul3A_72, %add3A_959 : i32
        %get3A_961 = arith.index_cast %add3A_960 : i32 to index
        %get3A_962 = arith.constant 112 : index
        %get3A_963 = tpu.vector_load %arg7[%get3A_961, %get3A_962] {strides = array<i32>} : memref<128x128xi32, #tpu.memory_space<vmem>>, vector<16xi32>,
        %bitcast3A_964 = vector.bitcast %get3A_963 : vector<16xi32> to vector<32xbf16>
        %add3A_965 = arith.constant 15 : i32
        %add3A_966 = arith.addi %mul3A_72, %add3A_965 : i32
        %get3A_967 = arith.index_cast %add3A_966 : i32 to index
        %get3A_968 = arith.constant 112 : index
        %get3A_969 = tpu.vector_load %arg7[%get3A_967, %get3A_968] {strides = array<i32>} : memref<128x128xi32, #tpu.memory_space<vmem>>, vector<16xi32>,
        %bitcast3A_970 = vector.bitcast %get3A_969 : vector<16xi32> to vector<32xbf16>
        %add3A_971 = arith.addf %bitcast3A_880, %bitcast3A_886 : vector<32xbf16>
        %add3A_972 = arith.addf %bitcast3A_892, %bitcast3A_898 : vector<32xbf16>
        %add3A_973 = arith.addf %bitcast3A_904, %bitcast3A_910 : vector<32xbf16>
        %add3A_974 = arith.addf %bitcast3A_916, %bitcast3A_922 : vector<32xbf16>
        %add3A_975 = arith.addf %bitcast3A_928, %bitcast3A_934 : vector<32xbf16>
        %add3A_976 = arith.addf %bitcast3A_940, %bitcast3A_946 : vector<32xbf16>
        %add3A_977 = arith.addf %bitcast3A_952, %bitcast3A_958 : vector<32xbf16>
        %add3A_978 = arith.addf %bitcast3A_964, %bitcast3A_970 : vector<32xbf16>
        %add3A_979 = arith.addf %add3A_971, %add3A_972 : vector<32xbf16>
        %add3A_980 = arith.addf %add3A_973, %add3A_974 : vector<32xbf16>
        %add3A_981 = arith.addf %add3A_975, %add3A_976 : vector<32xbf16>
        %add3A_982 = arith.addf %add3A_977, %add3A_978 : vector<32xbf16>
        %add3A_983 = arith.addf %add3A_979, %add3A_980 : vector<32xbf16>
        %add3A_984 = arith.addf %add3A_981, %add3A_982 : vector<32xbf16>
        %add3A_985 = arith.addf %add3A_983, %add3A_984 : vector<32xbf16>
        %bitcast3A_986 = vector.bitcast %add3A_985 : vector<32xbf16> to vector<16xi32>
        %swap3A_987 = arith.index_cast %scan3A_69 : i32 to index
        %swap3A_988 = arith.constant 112 : index
        %swap3A_989 = tpu.vector_load %arg9[%swap3A_987, %swap3A_988] {strides = array<i32>} : memref<8x128xi32, #tpu.memory_space<vmem>>, vector<16xi32>,
        tpu.vector_store %arg9[%swap3A_987, %swap3A_988], %bitcast3A_986 {strides = array<i32>} : memref<8x128xi32, #tpu.memory_space<vmem>>, vector<16xi32>,
        %scan3A_990 = arith.constant 0 : i32
        scf.yield %scan3A_990 : i32
      }
      %scan3A_62 = arith.constant 8 : i32
      %add3A_63 = arith.constant 1 : i32
      %add3A_64 = arith.addi %mul3A_20, %add3A_63 : i32
      %mul3A_65 = arith.constant 8 : i32
      %mul3A_66 = arith.muli %add3A_64, %mul3A_65 : i32
      %add3A_67 = arith.addi %mul3A_6, %mul3A_66 : i32
      "tpu.region"() ({
        %run_scoped3A = tpu.sem_alloc : memref<!tpu.dma_semaphore, #tpu.memory_space<semaphore_mem>>
        %dma_start3A_69 = arith.constant 0 : i32
        %dma_start3A_70 = tpu.memref_slice %arg4[%add3A_67, %dma_start3A_69] : memref<10240x128xi32, #tpu.memory_space<hbm>> -> memref<8x128xi32, #tpu.memory_space<hbm>>
        %dma_start3A_71 = arith.constant 0 : i32
        %dma_start3A_72 = tpu.memref_slice %arg4[%add3A_67, %dma_start3A_71] : memref<10240x128xi32, #tpu.memory_space<hbm>> -> memref<8x128xi32, #tpu.memory_space<hbm>>
        tpu.enqueue_dma source(%arg9 : memref<8x128xi32, #tpu.memory_space<vmem>>) target(%dma_start3A_72 : memref<8x128xi32, #tpu.memory_space<hbm>>) target_semaphore(%run_scoped3A : memref<!tpu.dma_semaphore, #tpu.memory_space<semaphore_mem>>)
        %dma_wait3A_73 = arith.constant 0 : i32
        %dma_wait3A_74 = tpu.memref_slice %arg4[%add3A_67, %dma_wait3A_73] : memref<10240x128xi32, #tpu.memory_space<hbm>> -> memref<8x128xi32, #tpu.memory_space<hbm>>
        %dma_wait3A_75 = arith.constant 0 : i32
        %dma_wait3A_76 = tpu.memref_slice %arg4[%add3A_67, %dma_wait3A_75] : memref<10240x128xi32, #tpu.memory_space<hbm>> -> memref<8x128xi32, #tpu.memory_space<hbm>>
        tpu.wait_dma2 semaphore(%run_scoped3A : memref<!tpu.dma_semaphore, #tpu.memory_space<semaphore_mem>>) src(%arg9 : memref<8x128xi32, #tpu.memory_space<vmem>>) dst(%dma_wait3A_76 : memref<8x128xi32, #tpu.memory_space<hbm>>)
        tpu.yield
      }) : () -> ()
      %scan3A_68 = arith.constant 0 : i32
      scf.yield %scan3A_68 : i32
    }
    %scan3A_16 = arith.constant 20 : i32
    return
  }
}

module attributes {stable_mosaic.version = 14 : i64} {
  func.func @_tc_linstats_body(%arg0: i32, %arg1: memref<1000x256xf32, #tpu.memory_space<vmem>>, %arg2: memref<256x256xf32, #tpu.memory_space<vmem>>, %arg3: memref<1x256xf32, #tpu.memory_space<vmem>>, %arg4: memref<1000x8xf32, #tpu.memory_space<vmem>>, %arg5: memref<1000x256xf32, #tpu.memory_space<vmem>>, %arg6: memref<8x256xf32, #tpu.memory_space<vmem>>, %arg7: memref<8x256xf32, #tpu.memory_space<vmem>>) attributes {dimension_semantics = [#tpu.dimension_semantics<arbitrary>], iteration_bounds = array<i64: 10>, scalar_prefetch = 0 : i64, scratch_operands = 0 : i64, tpu.core_type = #tpu.core_type<tc>, window_params = [{transform_indices = @transform_0, window_bounds = array<i64: 1000, 256>}, {pipeline_mode = #tpu.pipeline_mode<synchronous>, transform_indices = @transform_1, window_bounds = array<i64: 256, 256>}, {pipeline_mode = #tpu.pipeline_mode<synchronous>, transform_indices = @transform_2, window_bounds = array<i64: 1, 256>}, {transform_indices = @transform_3, window_bounds = array<i64: 1000, 8>}, {transform_indices = @transform_4, window_bounds = array<i64: 1000, 256>}, {pipeline_mode = #tpu.pipeline_mode<synchronous>, transform_indices = @transform_5, window_bounds = array<i64: 8, 256>}, {pipeline_mode = #tpu.pipeline_mode<synchronous>, transform_indices = @transform_6, window_bounds = array<i64: 8, 256>}]} {
    %get3A = arith.constant 0 : index
    %get3A_0 = arith.constant 0 : index
    %get3A_1 = vector.load %arg1[%get3A, %get3A_0] : memref<1000x256xf32, #tpu.memory_space<vmem>>, vector<1000x256xf32>
    %get3A_2 = arith.constant 0 : index
    %get3A_3 = arith.constant 0 : index
    %get3A_4 = vector.load %arg2[%get3A_2, %get3A_3] : memref<256x256xf32, #tpu.memory_space<vmem>>, vector<256x256xf32>
    %dot_general3A = arith.constant dense<0.000000e+00> : vector<1000x256xf32>
    %dot_general3A_5 = tpu.matmul %get3A_1, %get3A_4, %dot_general3A {dimension_numbers = #tpu.dot_dimension_numbers<[1], [0], [0], [1], [0, 0, 1, 1], [], []>, precision = #tpu.contract_precision<fp32>, transpose_lhs_hint = false} : vector<1000x256xf32>, vector<256x256xf32>, vector<1000x256xf32> -> vector<1000x256xf32>
    %get3A_6 = arith.constant 0 : index
    %get3A_7 = arith.constant 0 : index
    %get3A_8 = vector.load %arg3[%get3A_6, %get3A_7] : memref<1x256xf32, #tpu.memory_space<vmem>>, vector<1x256xf32>
    %add3A = vector.broadcast %get3A_8 : vector<1x256xf32> to vector<1000x256xf32>
    %add3A_9 = arith.addf %dot_general3A_5, %add3A : vector<1000x256xf32>
    %swap3A = arith.constant 0 : index
    %swap3A_10 = arith.constant 0 : index
    %swap3A_11 = vector.load %arg5[%swap3A, %swap3A_10] : memref<1000x256xf32, #tpu.memory_space<vmem>>, vector<1000x256xf32>
    tpu.vector_store %arg5[%swap3A, %swap3A_10], %add3A_9 {strides = array<i32>} : memref<1000x256xf32, #tpu.memory_space<vmem>>, vector<1000x256xf32>,
    %eq3A = arith.constant 0 : i32
    %eq3A_12 = arith.cmpi eq, %arg0, %eq3A : i32
    %convert_element_type3A = arith.extui %eq3A_12 : i1 to i32
    %cond3A = arith.constant 0 : i32
    %cond3A_13 = arith.cmpi ne, %convert_element_type3A, %cond3A : i32
    scf.if %cond3A_13 {
      %broadcast_in_dim3A = arith.constant 0.000000e+00 : f32
      %broadcast_in_dim3A_35 = vector.broadcast %broadcast_in_dim3A : f32 to vector<8x256xf32>
      %swap3A_36 = arith.constant 0 : index
      %swap3A_37 = arith.constant 0 : index
      %swap3A_38 = vector.load %arg6[%swap3A_36, %swap3A_37] : memref<8x256xf32, #tpu.memory_space<vmem>>, vector<8x256xf32>
      tpu.vector_store %arg6[%swap3A_36, %swap3A_37], %broadcast_in_dim3A_35 {strides = array<i32>} : memref<8x256xf32, #tpu.memory_space<vmem>>, vector<8x256xf32>,
      %broadcast_in_dim3A_39 = arith.constant 0.000000e+00 : f32
      %broadcast_in_dim3A_40 = vector.broadcast %broadcast_in_dim3A_39 : f32 to vector<8x256xf32>
      %swap3A_41 = arith.constant 0 : index
      %swap3A_42 = arith.constant 0 : index
      %swap3A_43 = vector.load %arg7[%swap3A_41, %swap3A_42] : memref<8x256xf32, #tpu.memory_space<vmem>>, vector<8x256xf32>
      tpu.vector_store %arg7[%swap3A_41, %swap3A_42], %broadcast_in_dim3A_40 {strides = array<i32>} : memref<8x256xf32, #tpu.memory_space<vmem>>, vector<8x256xf32>,
    } else {
    }
    %get3A_14 = arith.constant 0 : index
    %get3A_15 = arith.constant 0 : index
    %get3A_16 = vector.load %arg4[%get3A_14, %get3A_15] : memref<1000x8xf32, #tpu.memory_space<vmem>>, vector<1000x8xf32>
    %get3A_17 = arith.constant 0 : index
    %get3A_18 = arith.constant 0 : index
    %get3A_19 = vector.load %arg6[%get3A_17, %get3A_18] : memref<8x256xf32, #tpu.memory_space<vmem>>, vector<8x256xf32>
    %dot_general3A_20 = arith.constant dense<0.000000e+00> : vector<8x256xf32>
    %dot_general3A_21 = tpu.matmul %get3A_16, %add3A_9, %dot_general3A_20 {dimension_numbers = #tpu.dot_dimension_numbers<[0], [0], [1], [1], [0, 1, 1, 1], [], []>, transpose_lhs_hint = false} : vector<1000x8xf32>, vector<1000x256xf32>, vector<8x256xf32> -> vector<8x256xf32>
    %add3A_22 = arith.addf %get3A_19, %dot_general3A_21 : vector<8x256xf32>
    %swap3A_23 = arith.constant 0 : index
    %swap3A_24 = arith.constant 0 : index
    %swap3A_25 = vector.load %arg6[%swap3A_23, %swap3A_24] : memref<8x256xf32, #tpu.memory_space<vmem>>, vector<8x256xf32>
    tpu.vector_store %arg6[%swap3A_23, %swap3A_24], %add3A_22 {strides = array<i32>} : memref<8x256xf32, #tpu.memory_space<vmem>>, vector<8x256xf32>,
    %get3A_26 = arith.constant 0 : index
    %get3A_27 = arith.constant 0 : index
    %get3A_28 = vector.load %arg7[%get3A_26, %get3A_27] : memref<8x256xf32, #tpu.memory_space<vmem>>, vector<8x256xf32>
    %mul3A = arith.mulf %add3A_9, %add3A_9 : vector<1000x256xf32>
    %dot_general3A_29 = arith.constant dense<0.000000e+00> : vector<8x256xf32>
    %dot_general3A_30 = tpu.matmul %get3A_16, %mul3A, %dot_general3A_29 {dimension_numbers = #tpu.dot_dimension_numbers<[0], [0], [1], [1], [0, 1, 1, 1], [], []>, transpose_lhs_hint = false} : vector<1000x8xf32>, vector<1000x256xf32>, vector<8x256xf32> -> vector<8x256xf32>
    %add3A_31 = arith.addf %get3A_28, %dot_general3A_30 : vector<8x256xf32>
    %swap3A_32 = arith.constant 0 : index
    %swap3A_33 = arith.constant 0 : index
    %swap3A_34 = vector.load %arg7[%swap3A_32, %swap3A_33] : memref<8x256xf32, #tpu.memory_space<vmem>>, vector<8x256xf32>
    tpu.vector_store %arg7[%swap3A_32, %swap3A_33], %add3A_31 {strides = array<i32>} : memref<8x256xf32, #tpu.memory_space<vmem>>, vector<8x256xf32>,
    return
  }
  func.func @transform_0(%arg0: i32) -> (i32, i32) {
    %c0_i32 = arith.constant 0 : i32
    %c0_i32_0 = arith.constant 0 : i32
    return %arg0, %c0_i32 : i32, i32
  }
  func.func @transform_1(%arg0: i32) -> (i32, i32) {
    %c0_i32 = arith.constant 0 : i32
    %c0_i32_0 = arith.constant 0 : i32
    %c0_i32_1 = arith.constant 0 : i32
    return %c0_i32, %c0_i32_0 : i32, i32
  }
  func.func @transform_2(%arg0: i32) -> (i32, i32) {
    %c0_i32 = arith.constant 0 : i32
    %c0_i32_0 = arith.constant 0 : i32
    %c0_i32_1 = arith.constant 0 : i32
    return %c0_i32, %c0_i32_0 : i32, i32
  }
  func.func @transform_3(%arg0: i32) -> (i32, i32) {
    %c0_i32 = arith.constant 0 : i32
    %c0_i32_0 = arith.constant 0 : i32
    return %arg0, %c0_i32 : i32, i32
  }
  func.func @transform_4(%arg0: i32) -> (i32, i32) {
    %c0_i32 = arith.constant 0 : i32
    %c0_i32_0 = arith.constant 0 : i32
    return %arg0, %c0_i32 : i32, i32
  }
  func.func @transform_5(%arg0: i32) -> (i32, i32) {
    %c0_i32 = arith.constant 0 : i32
    %c0_i32_0 = arith.constant 0 : i32
    %c0_i32_1 = arith.constant 0 : i32
    return %c0_i32, %c0_i32_0 : i32, i32
  }
  func.func @transform_6(%arg0: i32) -> (i32, i32) {
    %c0_i32 = arith.constant 0 : i32
    %c0_i32_0 = arith.constant 0 : i32
    %c0_i32_1 = arith.constant 0 : i32
    return %c0_i32, %c0_i32_0 : i32, i32
  }
}

module attributes {stable_mosaic.version = 14 : i64} {
  func.func @_tc_affine_relu_body(%arg0: i32, %arg1: memref<1000x256xf32, #tpu.memory_space<vmem>>, %arg2: memref<1x256xf32, #tpu.memory_space<vmem>>, %arg3: memref<1x256xf32, #tpu.memory_space<vmem>>, %arg4: memref<1000x128xi32, #tpu.memory_space<vmem>>) attributes {dimension_semantics = [#tpu.dimension_semantics<arbitrary>], iteration_bounds = array<i64: 10>, scalar_prefetch = 0 : i64, scratch_operands = 0 : i64, tpu.core_type = #tpu.core_type<tc>, window_params = [{transform_indices = @transform_0, window_bounds = array<i64: 1000, 256>}, {pipeline_mode = #tpu.pipeline_mode<synchronous>, transform_indices = @transform_1, window_bounds = array<i64: 1, 256>}, {pipeline_mode = #tpu.pipeline_mode<synchronous>, transform_indices = @transform_2, window_bounds = array<i64: 1, 256>}, {transform_indices = @transform_3, window_bounds = array<i64: 1000, 128>}]} {
    %get3A = arith.constant 0 : index
    %get3A_0 = arith.constant 0 : index
    %get3A_1 = vector.load %arg1[%get3A, %get3A_0] : memref<1000x256xf32, #tpu.memory_space<vmem>>, vector<1000x256xf32>
    %get3A_2 = arith.constant 0 : index
    %get3A_3 = arith.constant 0 : index
    %get3A_4 = vector.load %arg2[%get3A_2, %get3A_3] : memref<1x256xf32, #tpu.memory_space<vmem>>, vector<1x256xf32>
    %mul3A = vector.broadcast %get3A_4 : vector<1x256xf32> to vector<1000x256xf32>
    %mul3A_5 = arith.mulf %get3A_1, %mul3A : vector<1000x256xf32>
    %get3A_6 = arith.constant 0 : index
    %get3A_7 = arith.constant 0 : index
    %get3A_8 = vector.load %arg3[%get3A_6, %get3A_7] : memref<1x256xf32, #tpu.memory_space<vmem>>, vector<1x256xf32>
    %add3A = vector.broadcast %get3A_8 : vector<1x256xf32> to vector<1000x256xf32>
    %add3A_9 = arith.addf %mul3A_5, %add3A : vector<1000x256xf32>
    %max3A = arith.constant 0.000000e+00 : f32
    %max3A_10 = vector.broadcast %max3A : f32 to vector<1000x256xf32>
    %max3A_11 = arith.maximumf %add3A_9, %max3A_10 : vector<1000x256xf32>
    %convert_element_type3A = arith.truncf %max3A_11 : vector<1000x256xf32> to vector<1000x256xbf16>
    %bitcast_convert_type3A = tpu.bitcast %convert_element_type3A : vector<1000x256xbf16> -> vector<1000x256xi16>
    %convert_element_type3A_12 = arith.extui %bitcast_convert_type3A : vector<1000x256xi16> to vector<1000x256xi32>
    %slice3A = vector.extract_strided_slice %convert_element_type3A_12 {offsets = [0, 0], sizes = [1000, 128], strides = [1, 1]} : vector<1000x256xi32> to vector<1000x128xi32>
    %slice3A_13 = vector.extract_strided_slice %convert_element_type3A_12 {offsets = [0, 128], sizes = [1000, 128], strides = [1, 1]} : vector<1000x256xi32> to vector<1000x128xi32>
    %shift_left3A = arith.constant 16 : i32
    %shift_left3A_14 = vector.broadcast %shift_left3A : i32 to vector<1000x128xi32>
    %shift_left3A_15 = arith.shli %slice3A_13, %shift_left3A_14 : vector<1000x128xi32>
    %or3A = arith.ori %slice3A, %shift_left3A_15 : vector<1000x128xi32>
    %swap3A = arith.constant 0 : index
    %swap3A_16 = arith.constant 0 : index
    %swap3A_17 = vector.load %arg4[%swap3A, %swap3A_16] : memref<1000x128xi32, #tpu.memory_space<vmem>>, vector<1000x128xi32>
    tpu.vector_store %arg4[%swap3A, %swap3A_16], %or3A {strides = array<i32>} : memref<1000x128xi32, #tpu.memory_space<vmem>>, vector<1000x128xi32>,
    return
  }
  func.func @transform_0(%arg0: i32) -> (i32, i32) {
    %c0_i32 = arith.constant 0 : i32
    %c0_i32_0 = arith.constant 0 : i32
    return %arg0, %c0_i32 : i32, i32
  }
  func.func @transform_1(%arg0: i32) -> (i32, i32) {
    %c0_i32 = arith.constant 0 : i32
    %c0_i32_0 = arith.constant 0 : i32
    %c0_i32_1 = arith.constant 0 : i32
    return %c0_i32, %c0_i32_0 : i32, i32
  }
  func.func @transform_2(%arg0: i32) -> (i32, i32) {
    %c0_i32 = arith.constant 0 : i32
    %c0_i32_0 = arith.constant 0 : i32
    %c0_i32_1 = arith.constant 0 : i32
    return %c0_i32, %c0_i32_0 : i32, i32
  }
  func.func @transform_3(%arg0: i32) -> (i32, i32) {
    %c0_i32 = arith.constant 0 : i32
    %c0_i32_0 = arith.constant 0 : i32
    return %arg0, %c0_i32 : i32, i32
  }
}

module attributes {stable_mosaic.version = 14 : i64} {
  func.func @_tc_posfeat_body(%arg0: i32, %arg1: memref<1280x8xf32, #tpu.memory_space<vmem>>, %arg2: memref<1x8xf32, #tpu.memory_space<vmem>>, %arg3: memref<1x8xf32, #tpu.memory_space<vmem>>, %arg4: memref<1x8xf32, #tpu.memory_space<vmem>>, %arg5: memref<1280x8xf32, #tpu.memory_space<vmem>>, %arg6: memref<8x8xf32, #tpu.memory_space<vmem>>) attributes {dimension_semantics = [#tpu.dimension_semantics<arbitrary>], iteration_bounds = array<i64: 125>, scalar_prefetch = 0 : i64, scratch_operands = 0 : i64, tpu.core_type = #tpu.core_type<tc>, window_params = [{transform_indices = @transform_0, window_bounds = array<i64: 1280, 8>}, {pipeline_mode = #tpu.pipeline_mode<synchronous>, transform_indices = @transform_1, window_bounds = array<i64: 1, 8>}, {pipeline_mode = #tpu.pipeline_mode<synchronous>, transform_indices = @transform_2, window_bounds = array<i64: 1, 8>}, {pipeline_mode = #tpu.pipeline_mode<synchronous>, transform_indices = @transform_3, window_bounds = array<i64: 1, 8>}, {transform_indices = @transform_4, window_bounds = array<i64: 1280, 8>}, {pipeline_mode = #tpu.pipeline_mode<synchronous>, transform_indices = @transform_5, window_bounds = array<i64: 8, 8>}]} {
    %get3A = arith.constant 0 : index
    %get3A_0 = arith.constant 0 : index
    %get3A_1 = vector.load %arg1[%get3A, %get3A_0] : memref<1280x8xf32, #tpu.memory_space<vmem>>, vector<1280x8xf32>
    %slice3A = vector.extract_strided_slice %get3A_1 {offsets = [0, 0], sizes = [1280, 1], strides = [1, 1]} : vector<1280x8xf32> to vector<1280x1xf32>
    %sqrt3A = math.sqrt %slice3A : vector<1280x1xf32>
    %get3A_2 = arith.constant 0 : index
    %get3A_3 = arith.constant 0 : index
    %get3A_4 = vector.load %arg2[%get3A_2, %get3A_3] : memref<1x8xf32, #tpu.memory_space<vmem>>, vector<1x8xf32>
    %mul3A = vector.broadcast %get3A_4 : vector<1x8xf32> to vector<1280x8xf32>
    %mul3A_5 = arith.mulf %get3A_1, %mul3A : vector<1280x8xf32>
    %get3A_6 = arith.constant 0 : index
    %get3A_7 = arith.constant 0 : index
    %get3A_8 = vector.load %arg3[%get3A_6, %get3A_7] : memref<1x8xf32, #tpu.memory_space<vmem>>, vector<1x8xf32>
    %mul3A_9 = vector.broadcast %sqrt3A : vector<1280x1xf32> to vector<1280x8xf32>
    %mul3A_10 = vector.broadcast %get3A_8 : vector<1x8xf32> to vector<1280x8xf32>
    %mul3A_11 = arith.mulf %mul3A_9, %mul3A_10 : vector<1280x8xf32>
    %add3A = arith.addf %mul3A_5, %mul3A_11 : vector<1280x8xf32>
    %get3A_12 = arith.constant 0 : index
    %get3A_13 = arith.constant 0 : index
    %get3A_14 = vector.load %arg4[%get3A_12, %get3A_13] : memref<1x8xf32, #tpu.memory_space<vmem>>, vector<1x8xf32>
    %add3A_15 = vector.broadcast %get3A_14 : vector<1x8xf32> to vector<1280x8xf32>
    %add3A_16 = arith.addf %add3A, %add3A_15 : vector<1280x8xf32>
    %swap3A = arith.constant 0 : index
    %swap3A_17 = arith.constant 0 : index
    %swap3A_18 = vector.load %arg5[%swap3A, %swap3A_17] : memref<1280x8xf32, #tpu.memory_space<vmem>>, vector<1280x8xf32>
    tpu.vector_store %arg5[%swap3A, %swap3A_17], %add3A_16 {strides = array<i32>} : memref<1280x8xf32, #tpu.memory_space<vmem>>, vector<1280x8xf32>,
    %eq3A = arith.constant 0 : i32
    %eq3A_19 = arith.cmpi eq, %arg0, %eq3A : i32
    %convert_element_type3A = arith.extui %eq3A_19 : i1 to i32
    %cond3A = arith.constant 0 : i32
    %cond3A_20 = arith.cmpi ne, %convert_element_type3A, %cond3A : i32
    scf.if %cond3A_20 {
      %broadcast_in_dim3A = arith.constant 0.000000e+00 : f32
      %broadcast_in_dim3A_29 = vector.broadcast %broadcast_in_dim3A : f32 to vector<8x8xf32>
      %swap3A_30 = arith.constant 0 : index
      %swap3A_31 = arith.constant 0 : index
      %swap3A_32 = vector.load %arg6[%swap3A_30, %swap3A_31] : memref<8x8xf32, #tpu.memory_space<vmem>>, vector<8x8xf32>
      tpu.vector_store %arg6[%swap3A_30, %swap3A_31], %broadcast_in_dim3A_29 {strides = array<i32>} : memref<8x8xf32, #tpu.memory_space<vmem>>, vector<8x8xf32>,
    } else {
    }
    %get3A_21 = arith.constant 0 : index
    %get3A_22 = arith.constant 0 : index
    %get3A_23 = vector.load %arg6[%get3A_21, %get3A_22] : memref<8x8xf32, #tpu.memory_space<vmem>>, vector<8x8xf32>
    %dot_general3A = arith.constant dense<0.000000e+00> : vector<8x8xf32>
    %dot_general3A_24 = tpu.matmul %add3A_16, %add3A_16, %dot_general3A {dimension_numbers = #tpu.dot_dimension_numbers<[0], [0], [1], [1], [0, 1, 1, 1], [], []>, transpose_lhs_hint = false} : vector<1280x8xf32>, vector<1280x8xf32>, vector<8x8xf32> -> vector<8x8xf32>
    %add3A_25 = arith.addf %get3A_23, %dot_general3A_24 : vector<8x8xf32>
    %swap3A_26 = arith.constant 0 : index
    %swap3A_27 = arith.constant 0 : index
    %swap3A_28 = vector.load %arg6[%swap3A_26, %swap3A_27] : memref<8x8xf32, #tpu.memory_space<vmem>>, vector<8x8xf32>
    tpu.vector_store %arg6[%swap3A_26, %swap3A_27], %add3A_25 {strides = array<i32>} : memref<8x8xf32, #tpu.memory_space<vmem>>, vector<8x8xf32>,
    return
  }
  func.func @transform_0(%arg0: i32) -> (i32, i32) {
    %c0_i32 = arith.constant 0 : i32
    %c0_i32_0 = arith.constant 0 : i32
    return %arg0, %c0_i32 : i32, i32
  }
  func.func @transform_1(%arg0: i32) -> (i32, i32) {
    %c0_i32 = arith.constant 0 : i32
    %c0_i32_0 = arith.constant 0 : i32
    %c0_i32_1 = arith.constant 0 : i32
    return %c0_i32, %c0_i32_0 : i32, i32
  }
  func.func @transform_2(%arg0: i32) -> (i32, i32) {
    %c0_i32 = arith.constant 0 : i32
    %c0_i32_0 = arith.constant 0 : i32
    %c0_i32_1 = arith.constant 0 : i32
    return %c0_i32, %c0_i32_0 : i32, i32
  }
  func.func @transform_3(%arg0: i32) -> (i32, i32) {
    %c0_i32 = arith.constant 0 : i32
    %c0_i32_0 = arith.constant 0 : i32
    %c0_i32_1 = arith.constant 0 : i32
    return %c0_i32, %c0_i32_0 : i32, i32
  }
  func.func @transform_4(%arg0: i32) -> (i32, i32) {
    %c0_i32 = arith.constant 0 : i32
    %c0_i32_0 = arith.constant 0 : i32
    return %arg0, %c0_i32 : i32, i32
  }
  func.func @transform_5(%arg0: i32) -> (i32, i32) {
    %c0_i32 = arith.constant 0 : i32
    %c0_i32_0 = arith.constant 0 : i32
    %c0_i32_1 = arith.constant 0 : i32
    return %c0_i32, %c0_i32_0 : i32, i32
  }
}

module attributes {stable_mosaic.version = 14 : i64} {
  func.func @_tc_posapply_body(%arg0: i32, %arg1: memref<1280x8xf32, #tpu.memory_space<vmem>>, %arg2: memref<8x256xf32, #tpu.memory_space<vmem>>, %arg3: memref<80x256xf32, #tpu.memory_space<vmem>>) attributes {dimension_semantics = [#tpu.dimension_semantics<arbitrary>], iteration_bounds = array<i64: 125>, scalar_prefetch = 0 : i64, scratch_operands = 0 : i64, tpu.core_type = #tpu.core_type<tc>, window_params = [{transform_indices = @transform_0, window_bounds = array<i64: 1280, 8>}, {pipeline_mode = #tpu.pipeline_mode<synchronous>, transform_indices = @transform_1, window_bounds = array<i64: 8, 256>}, {transform_indices = @transform_2, window_bounds = array<i64: 80, 256>}]} {
    %get3A = arith.constant 0 : index
    %get3A_0 = arith.constant 0 : index
    %get3A_1 = vector.load %arg1[%get3A, %get3A_0] : memref<1280x8xf32, #tpu.memory_space<vmem>>, vector<1280x8xf32>
    %get3A_2 = arith.constant 0 : index
    %get3A_3 = arith.constant 0 : index
    %get3A_4 = vector.load %arg2[%get3A_2, %get3A_3] : memref<8x256xf32, #tpu.memory_space<vmem>>, vector<8x256xf32>
    %dot_general3A = arith.constant dense<0.000000e+00> : vector<1280x256xf32>
    %dot_general3A_5 = tpu.matmul %get3A_1, %get3A_4, %dot_general3A {dimension_numbers = #tpu.dot_dimension_numbers<[1], [0], [0], [1], [0, 0, 1, 1], [], []>, transpose_lhs_hint = false} : vector<1280x8xf32>, vector<8x256xf32>, vector<1280x256xf32> -> vector<1280x256xf32>
    %max3A = arith.constant 0.000000e+00 : f32
    %max3A_6 = vector.broadcast %max3A : f32 to vector<1280x256xf32>
    %max3A_7 = arith.maximumf %dot_general3A_5, %max3A_6 : vector<1280x256xf32>
    %reshape3A = vector.shape_cast %max3A_7 : vector<1280x256xf32> to vector<80x16x256xf32>
    %reduce_sum3A = arith.constant dense<0.000000e+00> : vector<80x256xf32>
    %reduce_sum3A_8 = vector.multi_reduction <add>, %reshape3A, %reduce_sum3A [1] : vector<80x16x256xf32> to vector<80x256xf32>
    %swap3A = arith.constant 0 : index
    %swap3A_9 = arith.constant 0 : index
    %swap3A_10 = vector.load %arg3[%swap3A, %swap3A_9] : memref<80x256xf32, #tpu.memory_space<vmem>>, vector<80x256xf32>
    tpu.vector_store %arg3[%swap3A, %swap3A_9], %reduce_sum3A_8 {strides = array<i32>} : memref<80x256xf32, #tpu.memory_space<vmem>>, vector<80x256xf32>,
    return
  }
  func.func @transform_0(%arg0: i32) -> (i32, i32) {
    %c0_i32 = arith.constant 0 : i32
    %c0_i32_0 = arith.constant 0 : i32
    return %arg0, %c0_i32 : i32, i32
  }
  func.func @transform_1(%arg0: i32) -> (i32, i32) {
    %c0_i32 = arith.constant 0 : i32
    %c0_i32_0 = arith.constant 0 : i32
    %c0_i32_1 = arith.constant 0 : i32
    return %c0_i32, %c0_i32_0 : i32, i32
  }
  func.func @transform_2(%arg0: i32) -> (i32, i32) {
    %c0_i32 = arith.constant 0 : i32
    %c0_i32_0 = arith.constant 0 : i32
    return %arg0, %c0_i32 : i32, i32
  }
}

</mosaic_0001>

<sc_bundles>
// kernel: kernel.11.cloned.1.call-start
scs
__scs_entry_jumppad:
0x0: {  	(pc) =	sbr.rel $0x88, $3  }
0x1: {  	(tag) =	ssettag $0x0;
	lr =	simm.s32 $0x1  }
0x2: {  	[smem:$0x3F96] =	sst lr;
	_ =	strace $0xD0000000  }
0x3: {  	_ = 	snop  }
0x4: {  	_ = 	snop  }
0x5: {  	_ = 	snop  }
0x6: {  	_ = 	snop  }
0x7: {  	_ = 	snop  }
__scs_overlays_trampoline_lowered:
0x8: {  	[smem:$0x3FA5] =	sst s0  }
0x9: {  	[smem:$0x3FA6] =	sst s1  }
0xa: {  	[smem:$0x3FA7] =	sst s2  }
0xb: {  	[smem:$0x3FA8] =	sst s3  }
0xc: {  	[smem:$0x3FA9] =	sst s4  }
0xd: {  	[smem:$0x3FAA] =	sst s5  }
0xe: {  	[smem:$0x3FAB] =	sst s6  }
0xf: {  	[smem:$0x3FAC] =	sst s7  }
0x10: {  	[smem:$0x3FAD] =	sst s8  }
0x11: {  	[smem:$0x3FAE] =	sst s9;
	s0 =	simm.s32 @!p0 $0x0  }
0x12: {  	s1 =	sld [smem:$0x3F94];
	s0 =	simm.s32 @p0 $0x1  }
0x13: {  	[smem:$0x3FAF] =	sst s0;
	s0 =	simm.s32 @!p1 $0x0  }
0x14: {  	s2 =	sld [smem:$0x3F93];
	s0 =	simm.s32 @p1 $0x1  }
0x15: {  	[smem:$0x3FB0] =	sst s0;
	s0 =	simm.s32 @!p2 $0x0  }
0x16: {  	s3 =	sld [smem:$0x3FDB];
	s0 =	simm.s32 @p2 $0x1  }
0x17: {  	s4 =	simm.s32 $0x1BF5;
	[smem:$0x3FB2] =	sst s0  }
0x18: {  	s0 =	sld [smem:$0x3F95];
	_ =	swait.ge [sflag:s4], $0x0  }
0x19: {  	s7 =	sld [smem:$0x3F96]  }
0x1a: {  	s8 =	sadd.s32 $0xFFFFE003, lr  }
0x1b: {  	s9 =	sadd.s32 $0xFFFFFEF7, lr;
	s5 =	simm.s32 $0xFFFFFFFF;
	p2 =	slt.u32 s8, $0xFFFFF086  }
0x1c: {  	p1 =	slt.u32 s9, $0xF7A;
	s5 =	simm.s32 @!p2 $0x0  }
0x1d: {  	s5 =	simm.s32 @p1 $0x1;
	p0 =	seq.s32 s7, s2  }
0x1e: {  	s7 =	smul.u32 @!p0 $0xF7A, s2;
	p2 =	seq.s32 @!p0 s5, $0x0  }
0x1f: {  	s9 =	smul.u32 $0xF7A, s1;
	s8 =	simm.s32 @!p0 $0x1BF5;
	p2 =	por !p2, p0  }
0x20: {  	[sflag:s8] =	ssyncset.s32 @!p0 $0xFFFFF086;
	s6 =	sadd.s32 @!p0 s3, s7;
	s7 =	simm.s32 @!p0 $0x108  }
0x21: {  	s3 =	sadd.s32 s3, s9;
	s6 =	sadd.s32 @!p0 $0x88, s6;
	s7 =	simm.s32 @p2 $0x1082  }
0x22: {  	[simem:s7], [sflag:s8] =	dma.local @!p0 [hbm:s6], $0xF7A  }
0x23: {  	s9 =	sor.u32 $0xD0000000, s2;
	s6 =	simm.s32 $0x108;
	_ =	swait.ge @!p0 [sflag:s8], $0x0  }
0x24: {  	s3 =	sadd.s32 $0x88, s3;
	s6 =	simm.s32 @!p1 $0x1082;
	[sflag:s4] =	ssyncset.s32 $0xFFFFF086  }
0x25: {  	[simem:s6], [sflag:s4] =	dma.local [hbm:s3], $0xF7A  }
0x26: {  	[smem:$0x3F96] =	sst s1;
	(tag) =	ssettag s2;
	_ =	strace s9  }
0x27: {  	s1 =	sld [smem:$0x3FA6]  }
0x28: {  	s2 =	sld [smem:$0x3FA7]  }
0x29: {  	s4 =	sld [smem:$0x3FA9]  }
0x2a: {  	p0 =	seq.s32 s5, $0x0;
	s5 =	sld [smem:$0x3FAA]  }
0x2b: {  	s6 =	sld [smem:$0x3FAB]  }
0x2c: {  	s7 =	sld [smem:$0x3FAC]  }
0x2d: {  	s3 =	simm.s32 $0x108;
	s8 =	sld [smem:$0x3FAD]  }
0x2e: {  	s3 =	simm.s32 @!p0 $0x1082;
	s9 =	sld [smem:$0x3FAE]  }
0x2f: {  	lr =	sadd.s32 s0, s3;
	s0 =	sld [smem:$0x3FA5]  }
0x30: {  	s3 =	sld [smem:$0x3FA8]  }
0x31: {  	[smem:$0x3FB1] =	sst s10  }
0x32: {  	s10 =	sld [smem:$0x3FAF];
	_ =	sdelay $0x3  }
0x33: {  	p0 =	seq.s32 s10, $0x1;
	s10 =	sld [smem:$0x3FB1];
	_ =	sdelay $0x3  }
0x34: {  	[smem:$0x3FB1] =	sst s10  }
0x35: {  	s10 =	sld [smem:$0x3FB0];
	_ =	sdelay $0x3  }
0x36: {  	p1 =	seq.s32 s10, $0x1;
	s10 =	sld [smem:$0x3FB1];
	_ =	sdelay $0x3  }
0x37: {  	[smem:$0x3FB1] =	sst s10  }
0x38: {  	s10 =	sld [smem:$0x3FB2]  }
0x39: {  	_ = 	snop;
	(pc) =	sbr.ind lr, $3  }
0x3a: {  	_ = 	snop  }
0x3b: {  	_ = 	snop  }
0x3c: {  	p2 =	seq.s32 s10, $0x1;
	s10 =	sld [smem:$0x3FB1]  }
0x3d: {  	_ =	shalt  }
0x3e: {  	_ =	shalt  }
0x3f: {  	_ =	shalt  }
0x40: {  	_ =	shalt  }
0x41: {  	_ =	shalt  }
0x42: {  	_ =	shalt  }
0x43: {  	_ =	shalt  }
0x44: {  	_ =	shalt  }
0x45: {  	_ =	shalt  }
0x46: {  	_ =	shalt  }
0x47: {  	_ =	shalt  }
0x48: {  	_ =	shalt  }
0x49: {  	_ =	shalt  }
0x4a: {  	_ =	shalt  }
0x4b: {  	_ =	shalt  }
0x4c: {  	_ =	shalt  }
0x4d: {  	_ =	shalt  }
0x4e: {  	_ =	shalt  }
0x4f: {  	_ =	shalt  }
0x50: {  	_ =	shalt  }
0x51: {  	_ =	shalt  }
0x52: {  	_ =	shalt  }
0x53: {  	_ =	shalt  }
0x54: {  	_ =	shalt  }
0x55: {  	_ =	shalt  }
0x56: {  	_ =	shalt  }
0x57: {  	_ =	shalt  }
0x58: {  	_ =	shalt  }
0x59: {  	_ =	shalt  }
0x5a: {  	_ =	shalt  }
0x5b: {  	_ =	shalt  }
0x5c: {  	_ =	shalt  }
0x5d: {  	_ =	shalt  }
0x5e: {  	_ =	shalt  }
0x5f: {  	_ =	shalt  }
0x60: {  	_ =	shalt  }
0x61: {  	_ =	shalt  }
0x62: {  	_ =	shalt  }
0x63: {  	_ =	shalt  }
0x64: {  	_ =	shalt  }
0x65: {  	_ =	shalt  }
0x66: {  	_ =	shalt  }
0x67: {  	_ =	shalt  }
0x68: {  	_ =	shalt  }
0x69: {  	_ =	shalt  }
0x6a: {  	_ =	shalt  }
0x6b: {  	_ =	shalt  }
0x6c: {  	_ =	shalt  }
0x6d: {  	_ =	shalt  }
0x6e: {  	_ =	shalt  }
0x6f: {  	_ =	shalt  }
0x70: {  	_ =	shalt  }
0x71: {  	_ =	shalt  }
0x72: {  	_ =	shalt  }
0x73: {  	_ =	shalt  }
0x74: {  	_ =	shalt  }
0x75: {  	_ =	shalt  }
0x76: {  	_ =	shalt  }
0x77: {  	_ =	shalt  }
0x78: {  	_ =	shalt  }
0x79: {  	_ =	shalt  }
0x7a: {  	_ =	shalt  }
0x7b: {  	_ =	shalt  }
0x7c: {  	_ =	shalt  }
0x7d: {  	_ =	shalt  }
0x7e: {  	_ =	shalt  }
0x7f: {  	_ =	shalt  }
0x80: {  	_ =	shalt  }
0x81: {  	_ =	shalt  }
0x82: {  	_ =	shalt  }
0x83: {  	_ =	shalt  }
0x84: {  	_ =	shalt  }
0x85: {  	_ =	shalt  }
0x86: {  	_ =	shalt  }
0x87: {  	_ =	shalt  }
.Lfunc_end0:
.L_simem_size_0:
called_computation.1_lowered:
.L_overlay_start_0:
0x88: {  	s2 =	sld [smem:$0x3FD9]  }
0x89: {  	s3 =	sld [smem:$0x3FFE];
	_ =	sdelay $0x1  }
0x8a: {  	s1 =	srdreg.scid  }
0x8b: {  	s0 =	sand.u32 $0x1, s1  }
0x8c: {  	s17 =	sshll.u32 s0, $0xA;
	s2 =	sadd.s32 s3, s2  }
0x8d: {  	s2 =	sadd.s32 s2, s17  }
0x8e: {  	[smem:$0x3FBD] =	sst s2  }
0x8f: {  	_ = 	snop  }
0x90: {  	s2 =	sld [smem:$0x3FD0];
	(tm) =	ssettm $0x1  }
0x91: {  	s18 =	sld [smem:$0x3FFB];
	_ =	sdelay $0x3  }
0x92: {  	_ =	strace s18  }
0x93: {  	s3 =	sld [smem:$0x3FFC];
	_ =	sdelay $0x3  }
0x94: {  	_ =	strace s3  }
0x95: {  	s3 =	sld [smem:$0x3FFD];
	_ =	sdelay $0x3  }
0x96: {  	_ =	strace s3  }
0x97: {  	_ =	strace $0x8FFFFFFF  }
0x98: {  	s19 =	sld [smem:$0x3FDB];
	_ =	sdelay $0x1  }
0x99: {  	s4 =	simm.s32 $_scs_section_size  }
0x9a: {  	s5 =	simm.s32 $_size__tile_overlayer_lowered;
	s6 =	simm.s32 $_tile_overlayer_lowered  }
0x9b: {  	s22 =	simm.s32 $0x1BFF;
	s21 =	sshll.u32 s6, $0x1;
	s3 =	sadd.s32 s4, s19  }
0x9c: {  	s7 =	simm.s32 $0x0;
	s20 =	sshll.u32 s5, $0x1;
	s5 =	sadd.s32 s21, s3  }
0x9d: {  	[timem:s7], [sflag:s22] =	dma.local [hbm:s5], s20  }
0x9e: {  	_ =	swait.ge [sflag:s22], s20  }
0x9f: {  	s4 =	ssub.s32 $0x0, s20;
	[sflag:s22] =	ssyncset.done $0x0  }
0xa0: {  	[sflag:s22] =	ssyncadd.s32 s4;
	_ =	sdelay $0x1  }
0xa1: {  	s23 =	simm.s32 $0x1B8B  }
0xa2: {  	_ =	swait.ge [sflag:s23], $0x1  }
0xa3: {  	[sflag:s23] =	ssyncset.done $0x0  }
0xa4: {  	s25 =	simm.s32 $0x1B8E;
	s24 =	sld [smem:$0x3FFE];
	[sflag:s23] =	ssyncadd.s32 $0xFFFFFFFF  }
0xa5: {  	s26 =	simm.s32 $execute0_lowered;
	[smem:$0x3FD2] =	sst s25  }
0xa6: {  	s5 =	sshll.u32 s26, $0x1;
	_ =	strace $0x80000049;
	[dreg:$0x1] =	wrdreg $0xFFFFFFFF  }
0xa7: {  	s28 =	simm.s32 $_size_execute0_lowered;
	s3 =	sadd.s32 s3, s5;
	[dreg:$0x0] =	wrdreg $0x0  }
0xa8: {  	s5 =	sshll.u32 s28, $0x1;
	[dreg:$0x2] =	wrdreg s3  }
0xa9: {  	[dreg:$0x3] =	wrdreg s5  }
0xaa: {  	[dreg:$0x4] =	wrdreg $0xC0  }
0xab: {  	_ =	task [dreg:s7], $0x5FFFF  }
0xac: {  	[dreg:$0x1] =	wrdreg $0xFFFFFFFF  }
0xad: {  	[dreg:$0x0] =	wrdreg $0x60  }
0xae: {  	[dreg:$0x2] =	wrdreg s24  }
0xaf: {  	[dreg:$0x3] =	wrdreg s2  }
0xb0: {  	[dreg:$0x4] =	wrdreg $0x9  }
0xb1: {  	_ =	task.clear_ibuf [dreg:s7], $0x5FFFF;
	_ =	strace $0x90000049  }
0xb2: {  	s29 =	simm.s32 $0x9;
	_ =	strace $0x8000004B  }
0xb3: {  	_ =	swait.ge [sflag:s29], $0x1  }
0xb4: {  	[sflag:s29] =	ssyncadd.s32 $0xFFFFFFFF  }
0xb5: {  	_ =	strace $0x9000004B  }
0xb6: {  	_ =	sfence  }
0xb7: {  	s30 =	sld [smem:$0x0];
	_ =	sdelay $0x2  }
0xb8: {  	s31 =	sshll.u32 s1, $0xD;
	s1 =	sshrl.u32 s1, $0x2  }
0xb9: {  	s3 =	sand.u32 $0x4000, s31;
	s1 =	sadd.s32 s1, s30  }
0xba: {  	s0 =	sor.u32 s3, s0;
	s1 =	sshll.u32 s1, $0x11  }
0xbb: {  	s0 =	sor.u32 s1, s0  }
0xbc: {  	s0 =	sadd.s32 $0x8F2B, s0  }
0xbd: {  	[sflag:s0] =	ssyncadd.remote.s32 $0x1  }
0xbe: {  	_ =	sfence.sel $0xFFFF  }
0xbf: {  	[dreg:$0x0] =	wrdreg $0xFFFFFFFF;
	(pc) =	sbr.abs _section_cstart, $3  }
0xc0: {  	[dreg:$0x1] =	wrdreg $0xFFFFFFFF  }
0xc1: {  	_ =	task.clear_ibuf [dreg:s7], $0x2FFFF;
	_ =	strace $0x9FFFFFFF  }
0xc2: {  	(tm) =	ssettm $0x7FFFFFFF  }
0xc3: {  	_ =	shalt  }
tec
execute0_lowered:
.L_overlay_start_1:
0x0: {  	(tag) =	ssettag $0x1  }
0x1: {  	s1 =	srdreg.scid  }
0x2: {  	s0 =	stileid.u32;
	s4 =	rddreg [dreg:$0x0]  }
0x3: {  	s2 =	rddreg [dreg:$0x1];
	s3 =	simm.s32 $0x0;
	s9 =	simm.s32 $0x3  }
0x4: {  	s10 =	simm.s32 $0x80;
	s11 =	simm.s32 $0x1400;
	s12 =	simm.s32 $0x5400  }
0x5: {  	s13 =	simm.s32 $0x1;
	s14 =	simm.s32 $0x9400;
	s15 =	simm.s32 $0x2  }
0x6: {  	s16 =	simm.s32 $0x9800;
	s5 =	sand.u32 $0x1, s1;
	s31 =	sshll.u32 s0, $0x1  }
0x7: {  	s17 =	simm.s32 $0x0;
	s7 =	sor.u32 s5, s31;
	s5 =	ssub.s32 $0x2, s5  }
0x8: {  	s1 =	rddreg [dreg:$0x2];
	s6 =	smul.u32 $0x280, s7;
	s8 =	sshrl.u32 s5, $0x1  }
0x9: {  	[smem:$0x7FF] =	sst s3;
	s8 =	ssub.s32 s5, s8;
	s5 =	smul.u32 $0xA000, s7  }
0xa: {  	_ =	strace $0x8000004A;
	s7 =	smul.u32 $0x28, s7;
	s6 =	sadd.s32 s6, s4  }
0xb: {  	s4 =	sadd.s32 $0x2FA00, s4;
	s8 =	smax.u32 s8, $0x1;
	s6 =	sadd.s32 $0x1600, s6  }
.LBB2_1:
0xc: {  	[tilespmem:s3], [sflag:$0x3] =	stream.linear.gather [hbm4b:s6+s3], $0x1400, $0x38;
	[tilespmem:$0x9C00] =	vst v63  }
0xd: {  	_ =	swait.ge [sflag:s9], $0x1400  }
0xe: {  	[sflag:s9] =	ssyncset.done $0x0  }
0xf: {  	s18 =	simm.s32 $0x0;
	[sflag:s9] =	ssyncadd.s32 $0xFFFFEC00  }
0x10: {  	[tilespmem:s11], [sflag:$0x1] =	stream.indirect.gather [hbm4b:s4+s10], $0x80, s3, s10, $0xb8;
	[tilespmem:$0x9C00] =	vst v63  }
.LBB2_2:
0x11: {  	s19 =	sshllo.u32 s18, $0x1  }
0x12: {  	s20 =	sshll.u32 s19, $0x7  }
0x13: {  	s20 =	sand.u32 $0x3FFFFF80, s20  }
0x14: {  	[tilespmem:s12], [sflag:$0x2] =	stream.indirect.gather [hbm4b:s4+s10], $0x80, s20, s10, $0xb8;
	[tilespmem:$0x9C00] =	vst v63  }
0x15: {  	_ =	swait.ge [sflag:s13], $0x4000  }
0x16: {  	[sflag:s13] =	ssyncset.done $0x0  }
0x17: {  	s21 =	simm.s32 $0x1800;
	s20 =	simm.s32 $0x0;
	[sflag:s13] =	ssyncadd.s32 $0xFFFFC000  }
.LBB2_3:
0x18: {  	v0 =	vld [tilespmem:s21+$0xFFFFFC00]  }
0x19: {  	v1 =	vld [tilespmem:s21+$0xFFFFFC80]  }
0x1a: {  	v2 =	vld [tilespmem:s21+$0xFFFFFD00]  }
0x1b: {  	v3 =	vld [tilespmem:s21+$0xFFFFFD80]  }
0x1c: {  	v4 =	vld [tilespmem:s21+$0xFFFFFE00]  }
0x1d: {  	v5 =	vld [tilespmem:s21+$0xFFFFFE80]  }
0x1e: {  	v6 =	vld [tilespmem:s21+$0xFFFFFF00]  }
0x1f: {  	v7 =	vld [tilespmem:s21+$0xFFFFFF80]  }
0x20: {  	v8 =	vld [tilespmem:s21+$0x0]  }
0x21: {  	v9 =	vld [tilespmem:s21+$0x80]  }
0x22: {  	v10 =	vld [tilespmem:s21+$0x100]  }
0x23: {  	v11 =	vld [tilespmem:s21+$0x180]  }
0x24: {  	v12 =	vld [tilespmem:s21+$0x200]  }
0x25: {  	v13 =	vld [tilespmem:s21+$0x280]  }
0x26: {  	v14 =	vld [tilespmem:s21+$0x300]  }
0x27: {  	v15 =	vld [tilespmem:s21+$0x380];
	_ =	sdelay $0x1  }
0x28: {  	v0 =	vadd.bf16 v1, v0;
	v61 =	vadd.bf16 v3, v2  }
0x29: {  	v62 =	vadd.bf16 v5, v4;
	v63 =	vadd.bf16 v7, v6  }
0x2a: {  	v9 =	vadd.bf16 v9, v8;
	v11 =	vadd.bf16 v11, v10  }
0x2b: {  	v16 =	vadd.bf16 v13, v12;
	v17 =	vadd.bf16 v15, v14  }
0x2c: {  	v0 =	vadd.bf16 v61, v0;
	v18 =	vadd.bf16 v63, v62  }
0x2d: {  	v19 =	vadd.bf16 v11, v9;
	v20 =	vadd.bf16 v17, v16;
	_ =	sdelay $0x1  }
0x2e: {  	v0 =	vadd.bf16 v18, v0;
	v21 =	vadd.bf16 v20, v19;
	_ =	sdelay $0x1  }
0x2f: {  	v0 =	vadd.bf16 v21, v0  }
0x30: {  	s22 =	sshra.s32 s20, $0x2  }
0x31: {  	[tilespmem:s22+$0x9400] =	vst v0  }
0x32: {  	v0 =	vld [tilespmem:s21+$0xFFFFFC10]  }
0x33: {  	v22 =	vld [tilespmem:s21+$0xFFFFFC90]  }
0x34: {  	v23 =	vld [tilespmem:s21+$0xFFFFFD10]  }
0x35: {  	v24 =	vld [tilespmem:s21+$0xFFFFFD90]  }
0x36: {  	v25 =	vld [tilespmem:s21+$0xFFFFFE10]  }
0x37: {  	v26 =	vld [tilespmem:s21+$0xFFFFFE90]  }
0x38: {  	v27 =	vld [tilespmem:s21+$0xFFFFFF10]  }
0x39: {  	v28 =	vld [tilespmem:s21+$0xFFFFFF90]  }
0x3a: {  	v29 =	vld [tilespmem:s21+$0x10]  }
0x3b: {  	v30 =	vld [tilespmem:s21+$0x90]  }
0x3c: {  	v31 =	vld [tilespmem:s21+$0x110]  }
0x3d: {  	v32 =	vld [tilespmem:s21+$0x190]  }
0x3e: {  	v33 =	vld [tilespmem:s21+$0x210]  }
0x3f: {  	v34 =	vld [tilespmem:s21+$0x290]  }
0x40: {  	v35 =	vld [tilespmem:s21+$0x310]  }
0x41: {  	v36 =	vld [tilespmem:s21+$0x390];
	_ =	sdelay $0x1  }
0x42: {  	v0 =	vadd.bf16 v22, v0;
	v37 =	vadd.bf16 v24, v23  }
0x43: {  	v38 =	vadd.bf16 v26, v25;
	v39 =	vadd.bf16 v28, v27  }
0x44: {  	v40 =	vadd.bf16 v30, v29;
	v41 =	vadd.bf16 v32, v31  }
0x45: {  	v42 =	vadd.bf16 v34, v33;
	v43 =	vadd.bf16 v36, v35  }
0x46: {  	v0 =	vadd.bf16 v37, v0;
	v44 =	vadd.bf16 v39, v38  }
0x47: {  	v45 =	vadd.bf16 v41, v40;
	v46 =	vadd.bf16 v43, v42;
	_ =	sdelay $0x1  }
0x48: {  	v0 =	vadd.bf16 v44, v0;
	v47 =	vadd.bf16 v46, v45;
	_ =	sdelay $0x1  }
0x49: {  	v0 =	vadd.bf16 v47, v0;
	_ =	sdelay $0x1  }
0x4a: {  	[tilespmem:s22+$0x9410] =	vst v0  }
0x4b: {  	v0 =	vld [tilespmem:s21+$0xFFFFFC20]  }
0x4c: {  	v48 =	vld [tilespmem:s21+$0xFFFFFCA0]  }
0x4d: {  	v49 =	vld [tilespmem:s21+$0xFFFFFD20]  }
0x4e: {  	v50 =	vld [tilespmem:s21+$0xFFFFFDA0]  }
0x4f: {  	v51 =	vld [tilespmem:s21+$0xFFFFFE20]  }
0x50: {  	v52 =	vld [tilespmem:s21+$0xFFFFFEA0]  }
0x51: {  	v53 =	vld [tilespmem:s21+$0xFFFFFF20]  }
0x52: {  	v54 =	vld [tilespmem:s21+$0xFFFFFFA0]  }
0x53: {  	v55 =	vld [tilespmem:s21+$0x20]  }
0x54: {  	v56 =	vld [tilespmem:s21+$0xA0]  }
0x55: {  	v57 =	vld [tilespmem:s21+$0x120]  }
0x56: {  	v58 =	vld [tilespmem:s21+$0x1A0]  }
0x57: {  	v59 =	vld [tilespmem:s21+$0x220]  }
0x58: {  	v60 =	vld [tilespmem:s21+$0x2A0]  }
0x59: {  	v61 =	vld [tilespmem:s21+$0x320]  }
0x5a: {  	v62 =	vld [tilespmem:s21+$0x3A0];
	_ =	sdelay $0x1  }
0x5b: {  	v0 =	vadd.bf16 v48, v0;
	v63 =	vadd.bf16 v50, v49  }
0x5c: {  	v16 =	vadd.bf16 v52, v51;
	v17 =	vadd.bf16 v54, v53  }
0x5d: {  	v18 =	vadd.bf16 v56, v55;
	v19 =	vadd.bf16 v58, v57  }
0x5e: {  	v20 =	vadd.bf16 v60, v59;
	v21 =	vadd.bf16 v62, v61  }
0x5f: {  	v0 =	vadd.bf16 v63, v0;
	v22 =	vadd.bf16 v17, v16  }
0x60: {  	v23 =	vadd.bf16 v19, v18;
	v24 =	vadd.bf16 v21, v20;
	_ =	sdelay $0x1  }
0x61: {  	v0 =	vadd.bf16 v22, v0;
	v25 =	vadd.bf16 v24, v23;
	_ =	sdelay $0x1  }
0x62: {  	v0 =	vadd.bf16 v25, v0;
	_ =	sdelay $0x1  }
0x63: {  	[tilespmem:s22+$0x9420] =	vst v0  }
0x64: {  	v0 =	vld [tilespmem:s21+$0xFFFFFC30]  }
0x65: {  	v26 =	vld [tilespmem:s21+$0xFFFFFCB0]  }
0x66: {  	v27 =	vld [tilespmem:s21+$0xFFFFFD30]  }
0x67: {  	v28 =	vld [tilespmem:s21+$0xFFFFFDB0]  }
0x68: {  	v29 =	vld [tilespmem:s21+$0xFFFFFE30]  }
0x69: {  	v30 =	vld [tilespmem:s21+$0xFFFFFEB0]  }
0x6a: {  	v31 =	vld [tilespmem:s21+$0xFFFFFF30]  }
0x6b: {  	v32 =	vld [tilespmem:s21+$0xFFFFFFB0]  }
0x6c: {  	v33 =	vld [tilespmem:s21+$0x30]  }
0x6d: {  	v34 =	vld [tilespmem:s21+$0xB0]  }
0x6e: {  	v35 =	vld [tilespmem:s21+$0x130]  }
0x6f: {  	v36 =	vld [tilespmem:s21+$0x1B0]  }
0x70: {  	v37 =	vld [tilespmem:s21+$0x230]  }
0x71: {  	v38 =	vld [tilespmem:s21+$0x2B0]  }
0x72: {  	v39 =	vld [tilespmem:s21+$0x330]  }
0x73: {  	v40 =	vld [tilespmem:s21+$0x3B0];
	_ =	sdelay $0x1  }
0x74: {  	v0 =	vadd.bf16 v26, v0;
	v41 =	vadd.bf16 v28, v27  }
0x75: {  	v42 =	vadd.bf16 v30, v29;
	v43 =	vadd.bf16 v32, v31  }
0x76: {  	v44 =	vadd.bf16 v34, v33;
	v45 =	vadd.bf16 v36, v35  }
0x77: {  	v46 =	vadd.bf16 v38, v37;
	v47 =	vadd.bf16 v40, v39  }
0x78: {  	v0 =	vadd.bf16 v41, v0;
	v48 =	vadd.bf16 v43, v42  }
0x79: {  	v49 =	vadd.bf16 v45, v44;
	v50 =	vadd.bf16 v47, v46;
	_ =	sdelay $0x1  }
0x7a: {  	v0 =	vadd.bf16 v48, v0;
	v51 =	vadd.bf16 v50, v49;
	_ =	sdelay $0x1  }
0x7b: {  	v0 =	vadd.bf16 v51, v0;
	_ =	sdelay $0x1  }
0x7c: {  	[tilespmem:s22+$0x9430] =	vst v0  }
0x7d: {  	v0 =	vld [tilespmem:s21+$0xFFFFFC40]  }
0x7e: {  	v52 =	vld [tilespmem:s21+$0xFFFFFCC0]  }
0x7f: {  	v53 =	vld [tilespmem:s21+$0xFFFFFD40]  }
0x80: {  	v54 =	vld [tilespmem:s21+$0xFFFFFDC0]  }
0x81: {  	v55 =	vld [tilespmem:s21+$0xFFFFFE40]  }
0x82: {  	v56 =	vld [tilespmem:s21+$0xFFFFFEC0]  }
0x83: {  	v57 =	vld [tilespmem:s21+$0xFFFFFF40]  }
0x84: {  	v58 =	vld [tilespmem:s21+$0xFFFFFFC0]  }
0x85: {  	v59 =	vld [tilespmem:s21+$0x40]  }
0x86: {  	v60 =	vld [tilespmem:s21+$0xC0]  }
0x87: {  	v61 =	vld [tilespmem:s21+$0x140]  }
0x88: {  	v62 =	vld [tilespmem:s21+$0x1C0]  }
0x89: {  	v63 =	vld [tilespmem:s21+$0x240]  }
0x8a: {  	v18 =	vld [tilespmem:s21+$0x2C0]  }
0x8b: {  	v19 =	vld [tilespmem:s21+$0x340]  }
0x8c: {  	v20 =	vld [tilespmem:s21+$0x3C0];
	_ =	sdelay $0x1  }
0x8d: {  	v0 =	vadd.bf16 v52, v0;
	v21 =	vadd.bf16 v54, v53  }
0x8e: {  	v22 =	vadd.bf16 v56, v55;
	v23 =	vadd.bf16 v58, v57  }
0x8f: {  	v24 =	vadd.bf16 v60, v59;
	v25 =	vadd.bf16 v62, v61  }
0x90: {  	v26 =	vadd.bf16 v18, v63;
	v27 =	vadd.bf16 v20, v19  }
0x91: {  	v0 =	vadd.bf16 v21, v0;
	v28 =	vadd.bf16 v23, v22  }
0x92: {  	v29 =	vadd.bf16 v25, v24;
	v30 =	vadd.bf16 v27, v26;
	_ =	sdelay $0x1  }
0x93: {  	v0 =	vadd.bf16 v28, v0;
	v31 =	vadd.bf16 v30, v29;
	_ =	sdelay $0x1  }
0x94: {  	v0 =	vadd.bf16 v31, v0;
	_ =	sdelay $0x1  }
0x95: {  	[tilespmem:s22+$0x9440] =	vst v0  }
0x96: {  	v0 =	vld [tilespmem:s21+$0xFFFFFC50]  }
0x97: {  	v32 =	vld [tilespmem:s21+$0xFFFFFCD0]  }
0x98: {  	v33 =	vld [tilespmem:s21+$0xFFFFFD50]  }
0x99: {  	v34 =	vld [tilespmem:s21+$0xFFFFFDD0]  }
0x9a: {  	v35 =	vld [tilespmem:s21+$0xFFFFFE50]  }
0x9b: {  	v36 =	vld [tilespmem:s21+$0xFFFFFED0]  }
0x9c: {  	v37 =	vld [tilespmem:s21+$0xFFFFFF50]  }
0x9d: {  	v38 =	vld [tilespmem:s21+$0xFFFFFFD0]  }
0x9e: {  	v39 =	vld [tilespmem:s21+$0x50]  }
0x9f: {  	v40 =	vld [tilespmem:s21+$0xD0]  }
0xa0: {  	v41 =	vld [tilespmem:s21+$0x150]  }
0xa1: {  	v42 =	vld [tilespmem:s21+$0x1D0]  }
0xa2: {  	v43 =	vld [tilespmem:s21+$0x250]  }
0xa3: {  	v44 =	vld [tilespmem:s21+$0x2D0]  }
0xa4: {  	v45 =	vld [tilespmem:s21+$0x350]  }
0xa5: {  	v46 =	vld [tilespmem:s21+$0x3D0];
	_ =	sdelay $0x1  }
0xa6: {  	v0 =	vadd.bf16 v32, v0;
	v47 =	vadd.bf16 v34, v33  }
0xa7: {  	v48 =	vadd.bf16 v36, v35;
	v49 =	vadd.bf16 v38, v37  }
0xa8: {  	v50 =	vadd.bf16 v40, v39;
	v51 =	vadd.bf16 v42, v41  }
0xa9: {  	v52 =	vadd.bf16 v44, v43;
	v53 =	vadd.bf16 v46, v45  }
0xaa: {  	v0 =	vadd.bf16 v47, v0;
	v54 =	vadd.bf16 v49, v48  }
0xab: {  	v55 =	vadd.bf16 v51, v50;
	v56 =	vadd.bf16 v53, v52;
	_ =	sdelay $0x1  }
0xac: {  	v0 =	vadd.bf16 v54, v0;
	v57 =	vadd.bf16 v56, v55;
	_ =	sdelay $0x1  }
0xad: {  	v0 =	vadd.bf16 v57, v0;
	_ =	sdelay $0x1  }
0xae: {  	[tilespmem:s22+$0x9450] =	vst v0  }
0xaf: {  	v0 =	vld [tilespmem:s21+$0xFFFFFC60]  }
0xb0: {  	v58 =	vld [tilespmem:s21+$0xFFFFFCE0]  }
0xb1: {  	v59 =	vld [tilespmem:s21+$0xFFFFFD60]  }
0xb2: {  	v60 =	vld [tilespmem:s21+$0xFFFFFDE0]  }
0xb3: {  	v61 =	vld [tilespmem:s21+$0xFFFFFE60]  }
0xb4: {  	v62 =	vld [tilespmem:s21+$0xFFFFFEE0]  }
0xb5: {  	v63 =	vld [tilespmem:s21+$0xFFFFFF60]  }
0xb6: {  	v18 =	vld [tilespmem:s21+$0xFFFFFFE0]  }
0xb7: {  	v19 =	vld [tilespmem:s21+$0x60]  }
0xb8: {  	v20 =	vld [tilespmem:s21+$0xE0]  }
0xb9: {  	v21 =	vld [tilespmem:s21+$0x160]  }
0xba: {  	v22 =	vld [tilespmem:s21+$0x1E0]  }
0xbb: {  	v23 =	vld [tilespmem:s21+$0x260]  }
0xbc: {  	v24 =	vld [tilespmem:s21+$0x2E0]  }
0xbd: {  	v25 =	vld [tilespmem:s21+$0x360]  }
0xbe: {  	v26 =	vld [tilespmem:s21+$0x3E0];
	_ =	sdelay $0x1  }
0xbf: {  	v0 =	vadd.bf16 v58, v0;
	v27 =	vadd.bf16 v60, v59  }
0xc0: {  	v28 =	vadd.bf16 v62, v61;
	v29 =	vadd.bf16 v18, v63  }
0xc1: {  	v30 =	vadd.bf16 v20, v19;
	v31 =	vadd.bf16 v22, v21  }
0xc2: {  	v32 =	vadd.bf16 v24, v23;
	v33 =	vadd.bf16 v26, v25  }
0xc3: {  	v0 =	vadd.bf16 v27, v0;
	v34 =	vadd.bf16 v29, v28  }
0xc4: {  	v35 =	vadd.bf16 v31, v30;
	v36 =	vadd.bf16 v33, v32;
	_ =	sdelay $0x1  }
0xc5: {  	v0 =	vadd.bf16 v34, v0;
	v37 =	vadd.bf16 v36, v35;
	_ =	sdelay $0x1  }
0xc6: {  	v0 =	vadd.bf16 v37, v0;
	_ =	sdelay $0x1  }
0xc7: {  	[tilespmem:s22+$0x9460] =	vst v0  }
0xc8: {  	v0 =	vld [tilespmem:s21+$0xFFFFFC70]  }
0xc9: {  	v38 =	vld [tilespmem:s21+$0xFFFFFCF0]  }
0xca: {  	v39 =	vld [tilespmem:s21+$0xFFFFFD70]  }
0xcb: {  	v40 =	vld [tilespmem:s21+$0xFFFFFDF0]  }
0xcc: {  	v41 =	vld [tilespmem:s21+$0xFFFFFE70]  }
0xcd: {  	v42 =	vld [tilespmem:s21+$0xFFFFFEF0]  }
0xce: {  	v43 =	vld [tilespmem:s21+$0xFFFFFF70]  }
0xcf: {  	v44 =	vld [tilespmem:s21+$0xFFFFFFF0]  }
0xd0: {  	v45 =	vld [tilespmem:s21+$0x70]  }
0xd1: {  	v46 =	vld [tilespmem:s21+$0xF0]  }
0xd2: {  	v47 =	vld [tilespmem:s21+$0x170]  }
0xd3: {  	v48 =	vld [tilespmem:s21+$0x1F0]  }
0xd4: {  	v49 =	vld [tilespmem:s21+$0x270]  }
0xd5: {  	v50 =	vld [tilespmem:s21+$0x2F0]  }
0xd6: {  	v51 =	vld [tilespmem:s21+$0x370]  }
0xd7: {  	v52 =	vld [tilespmem:s21+$0x3F0];
	_ =	sdelay $0x1  }
0xd8: {  	v0 =	vadd.bf16 v38, v0;
	v53 =	vadd.bf16 v40, v39  }
0xd9: {  	v54 =	vadd.bf16 v42, v41;
	v55 =	vadd.bf16 v44, v43  }
0xda: {  	v56 =	vadd.bf16 v46, v45;
	v57 =	vadd.bf16 v48, v47  }
0xdb: {  	v58 =	vadd.bf16 v50, v49;
	v59 =	vadd.bf16 v52, v51  }
0xdc: {  	v0 =	vadd.bf16 v53, v0;
	v60 =	vadd.bf16 v55, v54  }
0xdd: {  	v61 =	vadd.bf16 v57, v56;
	v62 =	vadd.bf16 v59, v58  }
0xde: {  	p0 =	sne.s32 s20, $0xE00  }
.Ltmp0:
0xdf: {  	v0 =	vadd.bf16 v60, v0;
	v63 =	vadd.bf16 v62, v61;
	(pc) =	sbr.rel @p0 .LBB2_3-.Ltmp0, $3  }
0xe0: {  	_ = 	snop  }
0xe1: {  	v0 =	vadd.bf16 v63, v0;
	_ =	sdelay $0x1  }
0xe2: {  	s20 =	sadd.s32 $0x200, s20;
	s21 =	sadd.s32 $0x800, s21;
	[tilespmem:s22+$0x9470] =	vst v0  }
0xe3: {  	s20 =	sshll.u32 s18, $0xB  }
0xe4: {  	s20 =	sadd.s32 s5, s20  }
0xe5: {  	s20 =	sshrl.u32 s20, $0x3  }
0xe6: {  	p0 =	seq.s32 s18, $0x13;
	s20 =	sadd.s32 s2, s20  }
0xe7: {  	[hbm4b:s20+s3] =	stream.linear.scatter [tilespmem:s14], [sflag:$0x3], $0x400, $0x38;
	[tilespmem:$0x9C00] =	vst v63  }
0xe8: {  	s20 =	sshll.u32 @!p0 s18, $0x8;
	_ =	swait.ge [sflag:s9], $0x400  }
0xe9: {  	s21 =	simm.s32 @!p0 $0x80;
	s20 =	sand.u32 @!p0 $0x3FFFFF00, s20;
	[sflag:s9] =	ssyncset.done $0x0  }
0xea: {  	s22 =	simm.s32 @!p0 $0x1400;
	s20 =	sadd.s32 @!p0 $0x100, s20;
	[sflag:s9] =	ssyncadd.s32 $0xFFFFFC00  }
0xeb: {  	[tilespmem:s22], [sflag:$0x1] =	stream.indirect.gather @!p0 [hbm4b:s4+s21], $0x80, s20, s21, $0xb8;
	[tilespmem:$0x9C00] =	vst v63  }
0xec: {  	_ =	swait.ge [sflag:s15], $0x4000  }
0xed: {  	[sflag:s15] =	ssyncset.done $0x0  }
0xee: {  	s20 =	simm.s32 $0x0;
	s21 =	simm.s32 $0x5800;
	[sflag:s15] =	ssyncadd.s32 $0xFFFFC000  }
.LBB2_5:
0xef: {  	v0 =	vld [tilespmem:s21+$0xFFFFFC00]  }
0xf0: {  	v1 =	vld [tilespmem:s21+$0xFFFFFC80]  }
0xf1: {  	v2 =	vld [tilespmem:s21+$0xFFFFFD00]  }
0xf2: {  	v3 =	vld [tilespmem:s21+$0xFFFFFD80]  }
0xf3: {  	v4 =	vld [tilespmem:s21+$0xFFFFFE00]  }
0xf4: {  	v5 =	vld [tilespmem:s21+$0xFFFFFE80]  }
0xf5: {  	v6 =	vld [tilespmem:s21+$0xFFFFFF00]  }
0xf6: {  	v7 =	vld [tilespmem:s21+$0xFFFFFF80]  }
0xf7: {  	v8 =	vld [tilespmem:s21+$0x0]  }
0xf8: {  	v9 =	vld [tilespmem:s21+$0x80]  }
0xf9: {  	v10 =	vld [tilespmem:s21+$0x100]  }
0xfa: {  	v11 =	vld [tilespmem:s21+$0x180]  }
0xfb: {  	v12 =	vld [tilespmem:s21+$0x200]  }
0xfc: {  	v13 =	vld [tilespmem:s21+$0x280]  }
0xfd: {  	v14 =	vld [tilespmem:s21+$0x300]  }
0xfe: {  	v15 =	vld [tilespmem:s21+$0x380];
	_ =	sdelay $0x1  }
0xff: {  	v0 =	vadd.bf16 v1, v0;
	v61 =	vadd.bf16 v3, v2  }
0x100: {  	v62 =	vadd.bf16 v5, v4;
	v63 =	vadd.bf16 v7, v6  }
0x101: {  	v9 =	vadd.bf16 v9, v8;
	v11 =	vadd.bf16 v11, v10  }
0x102: {  	v16 =	vadd.bf16 v13, v12;
	v17 =	vadd.bf16 v15, v14  }
0x103: {  	v0 =	vadd.bf16 v61, v0;
	v18 =	vadd.bf16 v63, v62  }
0x104: {  	v19 =	vadd.bf16 v11, v9;
	v20 =	vadd.bf16 v17, v16;
	_ =	sdelay $0x1  }
0x105: {  	v0 =	vadd.bf16 v18, v0;
	v21 =	vadd.bf16 v20, v19;
	_ =	sdelay $0x1  }
0x106: {  	v0 =	vadd.bf16 v21, v0  }
0x107: {  	s22 =	sshra.s32 s20, $0x2  }
0x108: {  	[tilespmem:s22+$0x9800] =	vst v0  }
0x109: {  	v0 =	vld [tilespmem:s21+$0xFFFFFC10]  }
0x10a: {  	v22 =	vld [tilespmem:s21+$0xFFFFFC90]  }
0x10b: {  	v23 =	vld [tilespmem:s21+$0xFFFFFD10]  }
0x10c: {  	v24 =	vld [tilespmem:s21+$0xFFFFFD90]  }
0x10d: {  	v25 =	vld [tilespmem:s21+$0xFFFFFE10]  }
0x10e: {  	v26 =	vld [tilespmem:s21+$0xFFFFFE90]  }
0x10f: {  	v27 =	vld [tilespmem:s21+$0xFFFFFF10]  }
0x110: {  	v28 =	vld [tilespmem:s21+$0xFFFFFF90]  }
0x111: {  	v29 =	vld [tilespmem:s21+$0x10]  }
0x112: {  	v30 =	vld [tilespmem:s21+$0x90]  }
0x113: {  	v31 =	vld [tilespmem:s21+$0x110]  }
0x114: {  	v32 =	vld [tilespmem:s21+$0x190]  }
0x115: {  	v33 =	vld [tilespmem:s21+$0x210]  }
0x116: {  	v34 =	vld [tilespmem:s21+$0x290]  }
0x117: {  	v35 =	vld [tilespmem:s21+$0x310]  }
0x118: {  	v36 =	vld [tilespmem:s21+$0x390];
	_ =	sdelay $0x1  }
0x119: {  	v0 =	vadd.bf16 v22, v0;
	v37 =	vadd.bf16 v24, v23  }
0x11a: {  	v38 =	vadd.bf16 v26, v25;
	v39 =	vadd.bf16 v28, v27  }
0x11b: {  	v40 =	vadd.bf16 v30, v29;
	v41 =	vadd.bf16 v32, v31  }
0x11c: {  	v42 =	vadd.bf16 v34, v33;
	v43 =	vadd.bf16 v36, v35  }
0x11d: {  	v0 =	vadd.bf16 v37, v0;
	v44 =	vadd.bf16 v39, v38  }
0x11e: {  	v45 =	vadd.bf16 v41, v40;
	v46 =	vadd.bf16 v43, v42;
	_ =	sdelay $0x1  }
0x11f: {  	v0 =	vadd.bf16 v44, v0;
	v47 =	vadd.bf16 v46, v45;
	_ =	sdelay $0x1  }
0x120: {  	v0 =	vadd.bf16 v47, v0;
	_ =	sdelay $0x1  }
0x121: {  	[tilespmem:s22+$0x9810] =	vst v0  }
0x122: {  	v0 =	vld [tilespmem:s21+$0xFFFFFC20]  }
0x123: {  	v48 =	vld [tilespmem:s21+$0xFFFFFCA0]  }
0x124: {  	v49 =	vld [tilespmem:s21+$0xFFFFFD20]  }
0x125: {  	v50 =	vld [tilespmem:s21+$0xFFFFFDA0]  }
0x126: {  	v51 =	vld [tilespmem:s21+$0xFFFFFE20]  }
0x127: {  	v52 =	vld [tilespmem:s21+$0xFFFFFEA0]  }
0x128: {  	v53 =	vld [tilespmem:s21+$0xFFFFFF20]  }
0x129: {  	v54 =	vld [tilespmem:s21+$0xFFFFFFA0]  }
0x12a: {  	v55 =	vld [tilespmem:s21+$0x20]  }
0x12b: {  	v56 =	vld [tilespmem:s21+$0xA0]  }
0x12c: {  	v57 =	vld [tilespmem:s21+$0x120]  }
0x12d: {  	v58 =	vld [tilespmem:s21+$0x1A0]  }
0x12e: {  	v59 =	vld [tilespmem:s21+$0x220]  }
0x12f: {  	v60 =	vld [tilespmem:s21+$0x2A0]  }
0x130: {  	v61 =	vld [tilespmem:s21+$0x320]  }
0x131: {  	v62 =	vld [tilespmem:s21+$0x3A0];
	_ =	sdelay $0x1  }
0x132: {  	v0 =	vadd.bf16 v48, v0;
	v63 =	vadd.bf16 v50, v49  }
0x133: {  	v16 =	vadd.bf16 v52, v51;
	v17 =	vadd.bf16 v54, v53  }
0x134: {  	v18 =	vadd.bf16 v56, v55;
	v19 =	vadd.bf16 v58, v57  }
0x135: {  	v20 =	vadd.bf16 v60, v59;
	v21 =	vadd.bf16 v62, v61  }
0x136: {  	v0 =	vadd.bf16 v63, v0;
	v22 =	vadd.bf16 v17, v16  }
0x137: {  	v23 =	vadd.bf16 v19, v18;
	v24 =	vadd.bf16 v21, v20;
	_ =	sdelay $0x1  }
0x138: {  	v0 =	vadd.bf16 v22, v0;
	v25 =	vadd.bf16 v24, v23;
	_ =	sdelay $0x1  }
0x139: {  	v0 =	vadd.bf16 v25, v0;
	_ =	sdelay $0x1  }
0x13a: {  	[tilespmem:s22+$0x9820] =	vst v0  }
0x13b: {  	v0 =	vld [tilespmem:s21+$0xFFFFFC30]  }
0x13c: {  	v26 =	vld [tilespmem:s21+$0xFFFFFCB0]  }
0x13d: {  	v27 =	vld [tilespmem:s21+$0xFFFFFD30]  }
0x13e: {  	v28 =	vld [tilespmem:s21+$0xFFFFFDB0]  }
0x13f: {  	v29 =	vld [tilespmem:s21+$0xFFFFFE30]  }
0x140: {  	v30 =	vld [tilespmem:s21+$0xFFFFFEB0]  }
0x141: {  	v31 =	vld [tilespmem:s21+$0xFFFFFF30]  }
0x142: {  	v32 =	vld [tilespmem:s21+$0xFFFFFFB0]  }
0x143: {  	v33 =	vld [tilespmem:s21+$0x30]  }
0x144: {  	v34 =	vld [tilespmem:s21+$0xB0]  }
0x145: {  	v35 =	vld [tilespmem:s21+$0x130]  }
0x146: {  	v36 =	vld [tilespmem:s21+$0x1B0]  }
0x147: {  	v37 =	vld [tilespmem:s21+$0x230]  }
0x148: {  	v38 =	vld [tilespmem:s21+$0x2B0]  }
0x149: {  	v39 =	vld [tilespmem:s21+$0x330]  }
0x14a: {  	v40 =	vld [tilespmem:s21+$0x3B0];
	_ =	sdelay $0x1  }
0x14b: {  	v0 =	vadd.bf16 v26, v0;
	v41 =	vadd.bf16 v28, v27  }
0x14c: {  	v42 =	vadd.bf16 v30, v29;
	v43 =	vadd.bf16 v32, v31  }
0x14d: {  	v44 =	vadd.bf16 v34, v33;
	v45 =	vadd.bf16 v36, v35  }
0x14e: {  	v46 =	vadd.bf16 v38, v37;
	v47 =	vadd.bf16 v40, v39  }
0x14f: {  	v0 =	vadd.bf16 v41, v0;
	v48 =	vadd.bf16 v43, v42  }
0x150: {  	v49 =	vadd.bf16 v45, v44;
	v50 =	vadd.bf16 v47, v46;
	_ =	sdelay $0x1  }
0x151: {  	v0 =	vadd.bf16 v48, v0;
	v51 =	vadd.bf16 v50, v49;
	_ =	sdelay $0x1  }
0x152: {  	v0 =	vadd.bf16 v51, v0;
	_ =	sdelay $0x1  }
0x153: {  	[tilespmem:s22+$0x9830] =	vst v0  }
0x154: {  	v0 =	vld [tilespmem:s21+$0xFFFFFC40]  }
0x155: {  	v52 =	vld [tilespmem:s21+$0xFFFFFCC0]  }
0x156: {  	v53 =	vld [tilespmem:s21+$0xFFFFFD40]  }
0x157: {  	v54 =	vld [tilespmem:s21+$0xFFFFFDC0]  }
0x158: {  	v55 =	vld [tilespmem:s21+$0xFFFFFE40]  }
0x159: {  	v56 =	vld [tilespmem:s21+$0xFFFFFEC0]  }
0x15a: {  	v57 =	vld [tilespmem:s21+$0xFFFFFF40]  }
0x15b: {  	v58 =	vld [tilespmem:s21+$0xFFFFFFC0]  }
0x15c: {  	v59 =	vld [tilespmem:s21+$0x40]  }
0x15d: {  	v60 =	vld [tilespmem:s21+$0xC0]  }
0x15e: {  	v61 =	vld [tilespmem:s21+$0x140]  }
0x15f: {  	v62 =	vld [tilespmem:s21+$0x1C0]  }
0x160: {  	v63 =	vld [tilespmem:s21+$0x240]  }
0x161: {  	v18 =	vld [tilespmem:s21+$0x2C0]  }
0x162: {  	v19 =	vld [tilespmem:s21+$0x340]  }
0x163: {  	v20 =	vld [tilespmem:s21+$0x3C0];
	_ =	sdelay $0x1  }
0x164: {  	v0 =	vadd.bf16 v52, v0;
	v21 =	vadd.bf16 v54, v53  }
0x165: {  	v22 =	vadd.bf16 v56, v55;
	v23 =	vadd.bf16 v58, v57  }
0x166: {  	v24 =	vadd.bf16 v60, v59;
	v25 =	vadd.bf16 v62, v61  }
0x167: {  	v26 =	vadd.bf16 v18, v63;
	v27 =	vadd.bf16 v20, v19  }
0x168: {  	v0 =	vadd.bf16 v21, v0;
	v28 =	vadd.bf16 v23, v22  }
0x169: {  	v29 =	vadd.bf16 v25, v24;
	v30 =	vadd.bf16 v27, v26;
	_ =	sdelay $0x1  }
0x16a: {  	v0 =	vadd.bf16 v28, v0;
	v31 =	vadd.bf16 v30, v29;
	_ =	sdelay $0x1  }
0x16b: {  	v0 =	vadd.bf16 v31, v0;
	_ =	sdelay $0x1  }
0x16c: {  	[tilespmem:s22+$0x9840] =	vst v0  }
0x16d: {  	v0 =	vld [tilespmem:s21+$0xFFFFFC50]  }
0x16e: {  	v32 =	vld [tilespmem:s21+$0xFFFFFCD0]  }
0x16f: {  	v33 =	vld [tilespmem:s21+$0xFFFFFD50]  }
0x170: {  	v34 =	vld [tilespmem:s21+$0xFFFFFDD0]  }
0x171: {  	v35 =	vld [tilespmem:s21+$0xFFFFFE50]  }
0x172: {  	v36 =	vld [tilespmem:s21+$0xFFFFFED0]  }
0x173: {  	v37 =	vld [tilespmem:s21+$0xFFFFFF50]  }
0x174: {  	v38 =	vld [tilespmem:s21+$0xFFFFFFD0]  }
0x175: {  	v39 =	vld [tilespmem:s21+$0x50]  }
0x176: {  	v40 =	vld [tilespmem:s21+$0xD0]  }
0x177: {  	v41 =	vld [tilespmem:s21+$0x150]  }
0x178: {  	v42 =	vld [tilespmem:s21+$0x1D0]  }
0x179: {  	v43 =	vld [tilespmem:s21+$0x250]  }
0x17a: {  	v44 =	vld [tilespmem:s21+$0x2D0]  }
0x17b: {  	v45 =	vld [tilespmem:s21+$0x350]  }
0x17c: {  	v46 =	vld [tilespmem:s21+$0x3D0];
	_ =	sdelay $0x1  }
0x17d: {  	v0 =	vadd.bf16 v32, v0;
	v47 =	vadd.bf16 v34, v33  }
0x17e: {  	v48 =	vadd.bf16 v36, v35;
	v49 =	vadd.bf16 v38, v37  }
0x17f: {  	v50 =	vadd.bf16 v40, v39;
	v51 =	vadd.bf16 v42, v41  }
0x180: {  	v52 =	vadd.bf16 v44, v43;
	v53 =	vadd.bf16 v46, v45  }
0x181: {  	v0 =	vadd.bf16 v47, v0;
	v54 =	vadd.bf16 v49, v48  }
0x182: {  	v55 =	vadd.bf16 v51, v50;
	v56 =	vadd.bf16 v53, v52;
	_ =	sdelay $0x1  }
0x183: {  	v0 =	vadd.bf16 v54, v0;
	v57 =	vadd.bf16 v56, v55;
	_ =	sdelay $0x1  }
0x184: {  	v0 =	vadd.bf16 v57, v0;
	_ =	sdelay $0x1  }
0x185: {  	[tilespmem:s22+$0x9850] =	vst v0  }
0x186: {  	v0 =	vld [tilespmem:s21+$0xFFFFFC60]  }
0x187: {  	v58 =	vld [tilespmem:s21+$0xFFFFFCE0]  }
0x188: {  	v59 =	vld [tilespmem:s21+$0xFFFFFD60]  }
0x189: {  	v60 =	vld [tilespmem:s21+$0xFFFFFDE0]  }
0x18a: {  	v61 =	vld [tilespmem:s21+$0xFFFFFE60]  }
0x18b: {  	v62 =	vld [tilespmem:s21+$0xFFFFFEE0]  }
0x18c: {  	v63 =	vld [tilespmem:s21+$0xFFFFFF60]  }
0x18d: {  	v18 =	vld [tilespmem:s21+$0xFFFFFFE0]  }
0x18e: {  	v19 =	vld [tilespmem:s21+$0x60]  }
0x18f: {  	v20 =	vld [tilespmem:s21+$0xE0]  }
0x190: {  	v21 =	vld [tilespmem:s21+$0x160]  }
0x191: {  	v22 =	vld [tilespmem:s21+$0x1E0]  }
0x192: {  	v23 =	vld [tilespmem:s21+$0x260]  }
0x193: {  	v24 =	vld [tilespmem:s21+$0x2E0]  }
0x194: {  	v25 =	vld [tilespmem:s21+$0x360]  }
0x195: {  	v26 =	vld [tilespmem:s21+$0x3E0];
	_ =	sdelay $0x1  }
0x196: {  	v0 =	vadd.bf16 v58, v0;
	v27 =	vadd.bf16 v60, v59  }
0x197: {  	v28 =	vadd.bf16 v62, v61;
	v29 =	vadd.bf16 v18, v63  }
0x198: {  	v30 =	vadd.bf16 v20, v19;
	v31 =	vadd.bf16 v22, v21  }
0x199: {  	v32 =	vadd.bf16 v24, v23;
	v33 =	vadd.bf16 v26, v25  }
0x19a: {  	v0 =	vadd.bf16 v27, v0;
	v34 =	vadd.bf16 v29, v28  }
0x19b: {  	v35 =	vadd.bf16 v31, v30;
	v36 =	vadd.bf16 v33, v32;
	_ =	sdelay $0x1  }
0x19c: {  	v0 =	vadd.bf16 v34, v0;
	v37 =	vadd.bf16 v36, v35;
	_ =	sdelay $0x1  }
0x19d: {  	v0 =	vadd.bf16 v37, v0;
	_ =	sdelay $0x1  }
0x19e: {  	[tilespmem:s22+$0x9860] =	vst v0  }
0x19f: {  	v0 =	vld [tilespmem:s21+$0xFFFFFC70]  }
0x1a0: {  	v38 =	vld [tilespmem:s21+$0xFFFFFCF0]  }
0x1a1: {  	v39 =	vld [tilespmem:s21+$0xFFFFFD70]  }
0x1a2: {  	v40 =	vld [tilespmem:s21+$0xFFFFFDF0]  }
0x1a3: {  	v41 =	vld [tilespmem:s21+$0xFFFFFE70]  }
0x1a4: {  	v42 =	vld [tilespmem:s21+$0xFFFFFEF0]  }
0x1a5: {  	v43 =	vld [tilespmem:s21+$0xFFFFFF70]  }
0x1a6: {  	v44 =	vld [tilespmem:s21+$0xFFFFFFF0]  }
0x1a7: {  	v45 =	vld [tilespmem:s21+$0x70]  }
0x1a8: {  	v46 =	vld [tilespmem:s21+$0xF0]  }
0x1a9: {  	v47 =	vld [tilespmem:s21+$0x170]  }
0x1aa: {  	v48 =	vld [tilespmem:s21+$0x1F0]  }
0x1ab: {  	v49 =	vld [tilespmem:s21+$0x270]  }
0x1ac: {  	v50 =	vld [tilespmem:s21+$0x2F0]  }
0x1ad: {  	v51 =	vld [tilespmem:s21+$0x370]  }
0x1ae: {  	v52 =	vld [tilespmem:s21+$0x3F0];
	_ =	sdelay $0x1  }
0x1af: {  	v0 =	vadd.bf16 v38, v0;
	v53 =	vadd.bf16 v40, v39  }
0x1b0: {  	v54 =	vadd.bf16 v42, v41;
	v55 =	vadd.bf16 v44, v43  }
0x1b1: {  	v56 =	vadd.bf16 v46, v45;
	v57 =	vadd.bf16 v48, v47  }
0x1b2: {  	v58 =	vadd.bf16 v50, v49;
	v59 =	vadd.bf16 v52, v51  }
0x1b3: {  	v0 =	vadd.bf16 v53, v0;
	v60 =	vadd.bf16 v55, v54  }
0x1b4: {  	v61 =	vadd.bf16 v57, v56;
	v62 =	vadd.bf16 v59, v58  }
0x1b5: {  	p0 =	sne.s32 s20, $0xE00  }
.Ltmp1:
0x1b6: {  	v0 =	vadd.bf16 v60, v0;
	v63 =	vadd.bf16 v62, v61;
	(pc) =	sbr.rel @p0 .LBB2_5-.Ltmp1, $3  }
0x1b7: {  	_ = 	snop  }
0x1b8: {  	v0 =	vadd.bf16 v63, v0;
	_ =	sdelay $0x1  }
0x1b9: {  	s20 =	sadd.s32 $0x200, s20;
	s21 =	sadd.s32 $0x800, s21;
	[tilespmem:s22+$0x9870] =	vst v0  }
0x1ba: {  	s19 =	sadd.s32 s7, s19  }
0x1bb: {  	s18 =	sadd.s32 $0x1, s18;
	s19 =	sshll.u32 s19, $0x7  }
0x1bc: {  	p0 =	sne.s32 s18, $0x14;
	s19 =	sand.u32 $0x1FFFFF80, s19  }
.Ltmp2:
0x1bd: {  	s19 =	sadd.s32 s2, s19;
	(pc) =	sbr.rel @p0 .LBB2_2-.Ltmp2, $4  }
0x1be: {  	[hbm4b:s19+s3] =	stream.linear.scatter [tilespmem:s16], [sflag:$0x3], $0x400, $0x38;
	[tilespmem:$0x9C00] =	vst v63  }
0x1bf: {  	_ =	swait.ge [sflag:s9], $0x400  }
0x1c0: {  	[sflag:s9] =	ssyncset.done $0x0  }
0x1c1: {  	[sflag:s9] =	ssyncadd.s32 $0xFFFFFC00  }
0x1c2: {  	s17 =	sadd.s32 $0x1, s17  }
0x1c3: {  	p0 =	sne.s32 s17, s8  }
.Ltmp3:
0x1c4: {  	_ = 	snop;
	(pc) =	sbr.rel @p0 .LBB2_1-.Ltmp3, $1  }
0x1c5: {  	_ =	sdelay $0x3  }
0x1c6: {  	_ =	sfence.sel $0x180000  }
0x1c7: {  	[bflag:$0x0] =	sbarrier.arrive $0xFFFF  }
0x1c8: {  	p0 =	sne.s32 s0, $0x0;
	_ =	strace $0x9000004A  }
0x1c9: {  	s0 =	sadd.s32 @!p0 $0x100000, s1;
	[bflag:$0x2] =	sbarrier.arrive $0xFFFF  }
0x1ca: {  	[sflag:s0] =	ssyncadd.tile.s32 @!p0 $0x1;
	_ =	shalt  }
.Lfunc_end2:
_tile_overlayer_lowered:
.L_overlay_start_2:
0x1cb: {  	(tag) =	ssettag $0x2  }
0x1cc: {  	s0 =	rddreg [dreg:$0x0];
	s2 =	stileid.u32  }
0x1cd: {  	s1 =	rddreg [dreg:$0x1];
	p0 =	sne.s32 s2, $0x0  }
0x1ce: {  	s3 =	rddreg [dreg:$0x2];
	[bflag:$0x3] =	sbarrier.arrive $0xFFFF;
	s2 =	simm.s32 @!p0 $0x1C03  }
0x1cf: {  	[timem:s3], [sflag:s2] =	dma.local @!p0 [hbm:s0], s1  }
0x1d0: {  	s0 =	simm.s32 @!p0 $0x3  }
0x1d1: {  	_ =	swait.ge @!p0 [sflag:s0], s1  }
0x1d2: {  	s1 =	ssub.s32 @!p0 $0x0, s1;
	[sflag:s0] =	ssyncset.done @!p0 $0x0  }
0x1d3: {  	[sflag:s0] =	ssyncadd.s32 @!p0 s1  }
0x1d4: {  	[bflag:$0x3] =	sbarrier.arrive $0xFFFF  }
0x1d5: {  	_ =	shalt  }

// kernel: kernel.8.cloned.1.call-start
scs
__scs_entry_jumppad:
0x0: {  	(pc) =	sbr.rel $0x88, $3  }
0x1: {  	(tag) =	ssettag $0x0;
	lr =	simm.s32 $0x1  }
0x2: {  	[smem:$0x3F96] =	sst lr;
	_ =	strace $0xD0000000  }
0x3: {  	_ = 	snop  }
0x4: {  	_ = 	snop  }
0x5: {  	_ = 	snop  }
0x6: {  	_ = 	snop  }
0x7: {  	_ = 	snop  }
__scs_overlays_trampoline_lowered:
0x8: {  	[smem:$0x3FA5] =	sst s0  }
0x9: {  	[smem:$0x3FA6] =	sst s1  }
0xa: {  	[smem:$0x3FA7] =	sst s2  }
0xb: {  	[smem:$0x3FA8] =	sst s3  }
0xc: {  	[smem:$0x3FA9] =	sst s4  }
0xd: {  	[smem:$0x3FAA] =	sst s5  }
0xe: {  	[smem:$0x3FAB] =	sst s6  }
0xf: {  	[smem:$0x3FAC] =	sst s7  }
0x10: {  	[smem:$0x3FAD] =	sst s8  }
0x11: {  	[smem:$0x3FAE] =	sst s9;
	s0 =	simm.s32 @!p0 $0x0  }
0x12: {  	s1 =	sld [smem:$0x3F94];
	s0 =	simm.s32 @p0 $0x1  }
0x13: {  	[smem:$0x3FAF] =	sst s0;
	s0 =	simm.s32 @!p1 $0x0  }
0x14: {  	s2 =	sld [smem:$0x3F93];
	s0 =	simm.s32 @p1 $0x1  }
0x15: {  	[smem:$0x3FB0] =	sst s0;
	s0 =	simm.s32 @!p2 $0x0  }
0x16: {  	s3 =	sld [smem:$0x3FDB];
	s0 =	simm.s32 @p2 $0x1  }
0x17: {  	s4 =	simm.s32 $0x1BF5;
	[smem:$0x3FB2] =	sst s0  }
0x18: {  	s0 =	sld [smem:$0x3F95];
	_ =	swait.ge [sflag:s4], $0x0  }
0x19: {  	s7 =	sld [smem:$0x3F96]  }
0x1a: {  	s8 =	sadd.s32 $0xFFFFE003, lr  }
0x1b: {  	s9 =	sadd.s32 $0xFFFFFEF7, lr;
	s5 =	simm.s32 $0xFFFFFFFF;
	p2 =	slt.u32 s8, $0xFFFFF086  }
0x1c: {  	p1 =	slt.u32 s9, $0xF7A;
	s5 =	simm.s32 @!p2 $0x0  }
0x1d: {  	s5 =	simm.s32 @p1 $0x1;
	p0 =	seq.s32 s7, s2  }
0x1e: {  	s7 =	smul.u32 @!p0 $0xF7A, s2;
	p2 =	seq.s32 @!p0 s5, $0x0  }
0x1f: {  	s9 =	smul.u32 $0xF7A, s1;
	s8 =	simm.s32 @!p0 $0x1BF5;
	p2 =	por !p2, p0  }
0x20: {  	[sflag:s8] =	ssyncset.s32 @!p0 $0xFFFFF086;
	s6 =	sadd.s32 @!p0 s3, s7;
	s7 =	simm.s32 @!p0 $0x108  }
0x21: {  	s3 =	sadd.s32 s3, s9;
	s6 =	sadd.s32 @!p0 $0x88, s6;
	s7 =	simm.s32 @p2 $0x1082  }
0x22: {  	[simem:s7], [sflag:s8] =	dma.local @!p0 [hbm:s6], $0xF7A  }
0x23: {  	s9 =	sor.u32 $0xD0000000, s2;
	s6 =	simm.s32 $0x108;
	_ =	swait.ge @!p0 [sflag:s8], $0x0  }
0x24: {  	s3 =	sadd.s32 $0x88, s3;
	s6 =	simm.s32 @!p1 $0x1082;
	[sflag:s4] =	ssyncset.s32 $0xFFFFF086  }
0x25: {  	[simem:s6], [sflag:s4] =	dma.local [hbm:s3], $0xF7A  }
0x26: {  	[smem:$0x3F96] =	sst s1;
	(tag) =	ssettag s2;
	_ =	strace s9  }
0x27: {  	s1 =	sld [smem:$0x3FA6]  }
0x28: {  	s2 =	sld [smem:$0x3FA7]  }
0x29: {  	s4 =	sld [smem:$0x3FA9]  }
0x2a: {  	p0 =	seq.s32 s5, $0x0;
	s5 =	sld [smem:$0x3FAA]  }
0x2b: {  	s6 =	sld [smem:$0x3FAB]  }
0x2c: {  	s7 =	sld [smem:$0x3FAC]  }
0x2d: {  	s3 =	simm.s32 $0x108;
	s8 =	sld [smem:$0x3FAD]  }
0x2e: {  	s3 =	simm.s32 @!p0 $0x1082;
	s9 =	sld [smem:$0x3FAE]  }
0x2f: {  	lr =	sadd.s32 s0, s3;
	s0 =	sld [smem:$0x3FA5]  }
0x30: {  	s3 =	sld [smem:$0x3FA8]  }
0x31: {  	[smem:$0x3FB1] =	sst s10  }
0x32: {  	s10 =	sld [smem:$0x3FAF];
	_ =	sdelay $0x3  }
0x33: {  	p0 =	seq.s32 s10, $0x1;
	s10 =	sld [smem:$0x3FB1];
	_ =	sdelay $0x3  }
0x34: {  	[smem:$0x3FB1] =	sst s10  }
0x35: {  	s10 =	sld [smem:$0x3FB0];
	_ =	sdelay $0x3  }
0x36: {  	p1 =	seq.s32 s10, $0x1;
	s10 =	sld [smem:$0x3FB1];
	_ =	sdelay $0x3  }
0x37: {  	[smem:$0x3FB1] =	sst s10  }
0x38: {  	s10 =	sld [smem:$0x3FB2]  }
0x39: {  	_ = 	snop;
	(pc) =	sbr.ind lr, $3  }
0x3a: {  	_ = 	snop  }
0x3b: {  	_ = 	snop  }
0x3c: {  	p2 =	seq.s32 s10, $0x1;
	s10 =	sld [smem:$0x3FB1]  }
0x3d: {  	_ =	shalt  }
0x3e: {  	_ =	shalt  }
0x3f: {  	_ =	shalt  }
0x40: {  	_ =	shalt  }
0x41: {  	_ =	shalt  }
0x42: {  	_ =	shalt  }
0x43: {  	_ =	shalt  }
0x44: {  	_ =	shalt  }
0x45: {  	_ =	shalt  }
0x46: {  	_ =	shalt  }
0x47: {  	_ =	shalt  }
0x48: {  	_ =	shalt  }
0x49: {  	_ =	shalt  }
0x4a: {  	_ =	shalt  }
0x4b: {  	_ =	shalt  }
0x4c: {  	_ =	shalt  }
0x4d: {  	_ =	shalt  }
0x4e: {  	_ =	shalt  }
0x4f: {  	_ =	shalt  }
0x50: {  	_ =	shalt  }
0x51: {  	_ =	shalt  }
0x52: {  	_ =	shalt  }
0x53: {  	_ =	shalt  }
0x54: {  	_ =	shalt  }
0x55: {  	_ =	shalt  }
0x56: {  	_ =	shalt  }
0x57: {  	_ =	shalt  }
0x58: {  	_ =	shalt  }
0x59: {  	_ =	shalt  }
0x5a: {  	_ =	shalt  }
0x5b: {  	_ =	shalt  }
0x5c: {  	_ =	shalt  }
0x5d: {  	_ =	shalt  }
0x5e: {  	_ =	shalt  }
0x5f: {  	_ =	shalt  }
0x60: {  	_ =	shalt  }
0x61: {  	_ =	shalt  }
0x62: {  	_ =	shalt  }
0x63: {  	_ =	shalt  }
0x64: {  	_ =	shalt  }
0x65: {  	_ =	shalt  }
0x66: {  	_ =	shalt  }
0x67: {  	_ =	shalt  }
0x68: {  	_ =	shalt  }
0x69: {  	_ =	shalt  }
0x6a: {  	_ =	shalt  }
0x6b: {  	_ =	shalt  }
0x6c: {  	_ =	shalt  }
0x6d: {  	_ =	shalt  }
0x6e: {  	_ =	shalt  }
0x6f: {  	_ =	shalt  }
0x70: {  	_ =	shalt  }
0x71: {  	_ =	shalt  }
0x72: {  	_ =	shalt  }
0x73: {  	_ =	shalt  }
0x74: {  	_ =	shalt  }
0x75: {  	_ =	shalt  }
0x76: {  	_ =	shalt  }
0x77: {  	_ =	shalt  }
0x78: {  	_ =	shalt  }
0x79: {  	_ =	shalt  }
0x7a: {  	_ =	shalt  }
0x7b: {  	_ =	shalt  }
0x7c: {  	_ =	shalt  }
0x7d: {  	_ =	shalt  }
0x7e: {  	_ =	shalt  }
0x7f: {  	_ =	shalt  }
0x80: {  	_ =	shalt  }
0x81: {  	_ =	shalt  }
0x82: {  	_ =	shalt  }
0x83: {  	_ =	shalt  }
0x84: {  	_ =	shalt  }
0x85: {  	_ =	shalt  }
0x86: {  	_ =	shalt  }
0x87: {  	_ =	shalt  }
.Lfunc_end0:
.L_simem_size_0:
called_computation_lowered:
.L_overlay_start_0:
0x88: {  	s2 =	sld [smem:$0x3FD9]  }
0x89: {  	s3 =	sld [smem:$0x3FFE];
	_ =	sdelay $0x1  }
0x8a: {  	s1 =	srdreg.scid  }
0x8b: {  	s0 =	sand.u32 $0x1, s1  }
0x8c: {  	s17 =	sshll.u32 s0, $0xA;
	s2 =	sadd.s32 s3, s2  }
0x8d: {  	s2 =	sadd.s32 s2, s17  }
0x8e: {  	[smem:$0x3FBD] =	sst s2  }
0x8f: {  	_ = 	snop  }
0x90: {  	s2 =	sld [smem:$0x3FD0];
	(tm) =	ssettm $0x1  }
0x91: {  	s18 =	sld [smem:$0x3FFB];
	_ =	sdelay $0x3  }
0x92: {  	_ =	strace s18  }
0x93: {  	s3 =	sld [smem:$0x3FFC];
	_ =	sdelay $0x3  }
0x94: {  	_ =	strace s3  }
0x95: {  	s3 =	sld [smem:$0x3FFD];
	_ =	sdelay $0x3  }
0x96: {  	_ =	strace s3  }
0x97: {  	_ =	strace $0x8FFFFFFF  }
0x98: {  	s19 =	sld [smem:$0x3FDB];
	_ =	sdelay $0x1  }
0x99: {  	s4 =	simm.s32 $_scs_section_size  }
0x9a: {  	s5 =	simm.s32 $_size__tile_overlayer_lowered;
	s6 =	simm.s32 $_tile_overlayer_lowered  }
0x9b: {  	s22 =	simm.s32 $0x1BFF;
	s21 =	sshll.u32 s6, $0x1;
	s3 =	sadd.s32 s4, s19  }
0x9c: {  	s7 =	simm.s32 $0x0;
	s20 =	sshll.u32 s5, $0x1;
	s5 =	sadd.s32 s21, s3  }
0x9d: {  	[timem:s7], [sflag:s22] =	dma.local [hbm:s5], s20  }
0x9e: {  	_ =	swait.ge [sflag:s22], s20  }
0x9f: {  	s4 =	ssub.s32 $0x0, s20;
	[sflag:s22] =	ssyncset.done $0x0  }
0xa0: {  	[sflag:s22] =	ssyncadd.s32 s4;
	_ =	sdelay $0x1  }
0xa1: {  	s23 =	simm.s32 $0x1B8B  }
0xa2: {  	_ =	swait.ge [sflag:s23], $0x1  }
0xa3: {  	[sflag:s23] =	ssyncset.done $0x0  }
0xa4: {  	s25 =	simm.s32 $0x1B8E;
	s24 =	sld [smem:$0x3FFE];
	[sflag:s23] =	ssyncadd.s32 $0xFFFFFFFF  }
0xa5: {  	s26 =	simm.s32 $execute0_lowered;
	[smem:$0x3FD2] =	sst s25  }
0xa6: {  	s5 =	sshll.u32 s26, $0x1;
	_ =	strace $0x80000046;
	[dreg:$0x1] =	wrdreg $0xFFFFFFFF  }
0xa7: {  	s28 =	simm.s32 $_size_execute0_lowered;
	s3 =	sadd.s32 s3, s5;
	[dreg:$0x0] =	wrdreg $0x0  }
0xa8: {  	s5 =	sshll.u32 s28, $0x1;
	[dreg:$0x2] =	wrdreg s3  }
0xa9: {  	[dreg:$0x3] =	wrdreg s5  }
0xaa: {  	[dreg:$0x4] =	wrdreg $0xC0  }
0xab: {  	_ =	task [dreg:s7], $0x5FFFF  }
0xac: {  	[dreg:$0x1] =	wrdreg $0xFFFFFFFF  }
0xad: {  	[dreg:$0x0] =	wrdreg $0x60  }
0xae: {  	[dreg:$0x2] =	wrdreg s24  }
0xaf: {  	[dreg:$0x3] =	wrdreg s2  }
0xb0: {  	[dreg:$0x4] =	wrdreg $0x13E800  }
0xb1: {  	[dreg:$0x5] =	wrdreg $0x9  }
0xb2: {  	_ =	task.clear_ibuf [dreg:s7], $0x6FFFF;
	_ =	strace $0x90000046  }
0xb3: {  	s29 =	simm.s32 $0x9;
	_ =	strace $0x80000048  }
0xb4: {  	_ =	swait.ge [sflag:s29], $0x1  }
0xb5: {  	[sflag:s29] =	ssyncadd.s32 $0xFFFFFFFF  }
0xb6: {  	_ =	strace $0x90000048  }
0xb7: {  	_ =	sfence  }
0xb8: {  	s30 =	sld [smem:$0x0];
	_ =	sdelay $0x2  }
0xb9: {  	s31 =	sshll.u32 s1, $0xD;
	s1 =	sshrl.u32 s1, $0x2  }
0xba: {  	s3 =	sand.u32 $0x4000, s31;
	s1 =	sadd.s32 s1, s30  }
0xbb: {  	s0 =	sor.u32 s3, s0;
	s1 =	sshll.u32 s1, $0x11  }
0xbc: {  	s0 =	sor.u32 s1, s0  }
0xbd: {  	s0 =	sadd.s32 $0x8F2B, s0  }
0xbe: {  	[sflag:s0] =	ssyncadd.remote.s32 $0x1  }
0xbf: {  	_ =	sfence.sel $0xFFFF  }
0xc0: {  	[dreg:$0x0] =	wrdreg $0xFFFFFFFF;
	(pc) =	sbr.abs _section_cstart, $3  }
0xc1: {  	[dreg:$0x1] =	wrdreg $0xFFFFFFFF  }
0xc2: {  	_ =	task.clear_ibuf [dreg:s7], $0x2FFFF;
	_ =	strace $0x9FFFFFFF  }
0xc3: {  	(tm) =	ssettm $0x7FFFFFFF  }
tec
execute0_lowered:
.L_overlay_start_1:
0x0: {  	(tag) =	ssettag $0x1  }
0x1: {  	s6 =	rddreg [dreg:$0x0]  }
0x2: {  	s0 =	srdreg.scid;
	s1 =	rddreg [dreg:$0x1]  }
0x3: {  	s13 =	stileid.u32;
	s2 =	rddreg [dreg:$0x2]  }
0x4: {  	s3 =	simm.s32 $0x0;
	s16 =	simm.s32 $0x6300;
	s18 =	simm.s32 $0x12A80  }
0x5: {  	s19 =	simm.s32 $0x8A80;
	s7 =	sand.u32 $0x1, s0;
	s0 =	rddreg [dreg:$0x3]  }
0x6: {  	s20 =	simm.s32 $0x0;
	s29 =	sshll.u32 s13, $0x1;
	[smem:$0x7FF] =	sst s3  }
0x7: {  	s5 =	sadd.s32 $0x6C00, s6;
	s12 =	smul.u32 $0x2800, s13;
	p0 =	sne.s32 s13, $0x0  }
0x8: {  	s13 =	simm.s32 $0x1;
	s4 =	sor.u32 s7, s29;
	s10 =	smul.u32 $0x4F0, s7  }
0x9: {  	_ =	strace $0x80000047;
	s30 =	ssub.s32 $0x2, s7;
	s15 =	smul.u32 $0x1400, s7  }
0xa: {  	s7 =	sadd.s32 $0x4F0, s1;
	s8 =	smul.u32 $0x1400, s4;
	s31 =	sshrl.u32 s30, $0x1  }
0xb: {  	s17 =	sshrl.u32 @!p0 s2, $0x3;
	s10 =	sadd.s32 s10, s6;
	s14 =	ssub.s32 s30, s31  }
0xc: {  	s12 =	sadd.s32 s15, s12;
	s15 =	simm.s32 $0x3B80;
	s4 =	sshrl.u32 s8, $0x3  }
0xd: {  	s11 =	sadd.s32 s8, s6;
	s8 =	sadd.s32 $0x9E0, s1;
	s9 =	sadd.s32 s4, s6  }
0xe: {  	v0 =	vlaneseq.u32;
	s10 =	sadd.s32 $0x7000, s10;
	s4 =	sadd.s32 $0x6600, s6;
	s6 =	sadd.s32 $0x1600, s9  }
0xf: {  	v1 =	vimm.f32 $0.0e+00;
	v0 =	vmul.u32 $0x8, v0;
	s9 =	sadd.s32 $0x7A00, s11;
	s11 =	smax.u32 s14, $0x1;
	s14 =	simm.s32 $0x1400  }
.LBB2_1:
0x10: {  	[tilespmem:s3], [sflag:$0x1] =	stream.linear.gather [hbm4b:s6+s3], $0x1400, $0x38;
	[tilespmem:$0x140F8] =	vst v63  }
0x11: {  	_ =	swait.ge [sflag:s13], $0x1400  }
0x12: {  	[sflag:s13] =	ssyncset.done $0x0  }
0x13: {  	[sflag:s13] =	ssyncadd.s32 $0xFFFFEC00  }
0x14: {  	[tilespmem:s14], [sflag:$0x1] =	stream.linear.gather [hbm4b:s1+s3], $0x2780, $0x38;
	[tilespmem:$0x140F8] =	vst v63  }
0x15: {  	_ =	swait.ge [sflag:s13], $0x2780  }
0x16: {  	[sflag:s13] =	ssyncset.done $0x0  }
0x17: {  	[sflag:s13] =	ssyncadd.s32 $0xFFFFD880  }
0x18: {  	[tilespmem:s15], [sflag:$0x1] =	stream.linear.gather [hbm4b:s7+s3], $0x2780, $0x38;
	[tilespmem:$0x140F8] =	vst v63  }
0x19: {  	_ =	swait.ge [sflag:s13], $0x2780  }
0x1a: {  	[sflag:s13] =	ssyncset.done $0x0  }
0x1b: {  	[sflag:s13] =	ssyncadd.s32 $0xFFFFD880  }
0x1c: {  	[tilespmem:s16], [sflag:$0x1] =	stream.linear.gather [hbm4b:s8+s3], $0x2780, $0x38;
	[tilespmem:$0x140F8] =	vst v63  }
0x1d: {  	_ =	swait.ge [sflag:s13], $0x2780  }
0x1e: {  	[sflag:s13] =	ssyncset.done $0x0  }
0x1f: {  	s21 =	simm.s32 @!p0 $0x1C01;
	[sflag:s13] =	ssyncadd.s32 $0xFFFFD880  }
0x20: {  	[spmem:s17], [sflag:s21] =	dma.local @!p0 [hbm:s4], $0x4F0  }
0x21: {  	s21 =	simm.s32 @!p0 $0x1  }
0x22: {  	_ =	swait.ge @!p0 [sflag:s21], $0x4F0  }
0x23: {  	[sflag:s21] =	ssyncset.done @!p0 $0x0  }
0x24: {  	[sflag:s21] =	ssyncadd.s32 @!p0 $0xFFFFFB10  }
0x25: {  	[bflag:$0x0] =	sbarrier.arrive $0xFFFF  }
0x26: {  	[tilespmem:s18], [sflag:$0x1] =	stream.linear.gather [hbm4b:s5+s3], $0x1400, $0x38;
	[tilespmem:$0x140F8] =	vst v63  }
0x27: {  	_ =	swait.ge [sflag:s13], $0x1400  }
0x28: {  	[sflag:s13] =	ssyncset.done $0x0  }
0x29: {  	s31 =	sadd.s32 $0x0, s12;
	[sflag:s13] =	ssyncadd.s32 $0xFFFFEC00  }
0x2a: {  	[spmem:s2] =	stream.indirect.scatter.add.f32 [tilespmem:s18], [sflag:$0x1], $0x1, s3, s14, $0xb8;
	[tilespmem:$0x140F8] =	vst v63  }
0x2b: {  	v2 =	vmov s31;
	_ =	swait.ge [sflag:s13], $0x1400  }
0x2c: {  	v2 =	vshrl.u32 v2, $0x4;
	[sflag:s13] =	ssyncset.done $0x0  }
0x2d: {  	v2 =	vbroadcast v2, $0x0;
	[sflag:s13] =	ssyncadd.s32 $0xFFFFEC00  }
0x2e: {  	v3 =	vld [tilespmem:s3+$0x0];
	_ =	sdelay $0x4  }
0x2f: {  	v5 =	vld.idx.msk [tilespmem:v2+s16+$0x0], $0xffff  }
0x30: {  	v6 =	vld.idx.msk [tilespmem:v2+s14+$0x0], $0xffff  }
0x31: {  	v7 =	vld.idx.msk [tilespmem:v2+s15+$0x0], $0xffff  }
0x32: {  	v2 =	vld.idx.msk [tilespmem:v3+s15+$0x0], $0xffff  }
0x33: {  	v4 =	vld.idx.msk [tilespmem:v3+s14+$0x0], $0xffff  }
0x34: {  	v3 =	vld.idx.msk [tilespmem:v3+s16+$0x0], $0xffff;
	_ =	sdelay $0x3  }
0x35: {  	v11 =	vsub.f32 v7, v2;
	v7 =	vsub.f32 v6, v4  }
0x36: {  	v6 =	vmov s3;
	v5 =	vsub.f32 v5, v3  }
0x37: {  	v6 =	vshll.u32 v6, $0x3;
	v8 =	vmul.f32 v11, v11;
	v9 =	vmul.f32 v7, v7  }
0x38: {  	v12 =	vor.u32 v0, v6  }
0x39: {  	v6 =	vmul.f32 v5, v5;
	v13 =	vor.u32 $0x1, v12;
	v8 =	vadd.f32 v8, v9  }
0x3a: {  	v14 =	vor.u32 $0x2, v12  }
0x3b: {  	v6 =	vadd.f32 v6, v8  }
0x3c: {  	v10 =	vor.u32 $0x3, v12  }
0x3d: {  	[tilespmem:v12+s19+$0x0] =	vst.idx.msk $0xffff, v6;
	v6 =	vor.u32 $0x4, v12  }
0x3e: {  	[tilespmem:v13+s19+$0x0] =	vst.idx.msk $0xffff, v7;
	v7 =	vor.u32 $0x5, v12  }
0x3f: {  	s22 =	simm.s32 $0x0;
	s21 =	simm.s32 $0x10;
	v9 =	vor.u32 $0x7, v12;
	v8 =	vor.u32 $0x6, v12;
	[tilespmem:v14+s19+$0x0] =	vst.idx.msk $0xffff, v11  }
.LBB2_2:
0x40: {  	p1 =	sne.s32 s21, $0x13F0  }
0x41: {  	[tilespmem:v10+s19+$0x0] =	vst.idx.msk $0xffff, v5;
	s22 =	sadd.s32 $0x10, s22;
	s23 =	smov.u32 s21;
	s21 =	sadd.s32 $0x10, s21  }
0x42: {  	s24 =	sadd.s32 s23, s12;
	[tilespmem:v6+s19+$0x0] =	vst.idx.msk $0xffff, v4  }
0x43: {  	v4 =	vmov s24;
	[tilespmem:v7+s19+$0x0] =	vst.idx.msk $0xffff, v2  }
0x44: {  	v2 =	vshrl.u32 v4, $0x4;
	[tilespmem:v8+s19+$0x0] =	vst.idx.msk $0xffff, v3  }
0x45: {  	v2 =	vbroadcast v2, $0x0;
	[tilespmem:v9+s19+$0x0] =	vst.idx.msk $0xffff, v1  }
0x46: {  	v3 =	vld [tilespmem:s22+$0x0];
	_ =	sdelay $0x4  }
0x47: {  	v5 =	vld.idx.msk [tilespmem:v2+s16+$0x0], $0xffff  }
0x48: {  	v6 =	vld.idx.msk [tilespmem:v2+s14+$0x0], $0xffff  }
0x49: {  	v7 =	vld.idx.msk [tilespmem:v2+s15+$0x0], $0xffff  }
0x4a: {  	v2 =	vld.idx.msk [tilespmem:v3+s15+$0x0], $0xffff  }
0x4b: {  	v4 =	vld.idx.msk [tilespmem:v3+s14+$0x0], $0xffff  }
0x4c: {  	v3 =	vld.idx.msk [tilespmem:v3+s16+$0x0], $0xffff;
	_ =	sdelay $0x3  }
0x4d: {  	v11 =	vsub.f32 v7, v2  }
0x4e: {  	v9 =	vsub.f32 v6, v4;
	v6 =	vmov s23  }
0x4f: {  	v5 =	vsub.f32 v5, v3;
	v7 =	vmul.f32 v11, v11;
	v6 =	vshll.u32 v6, $0x3  }
0x50: {  	v8 =	vmul.f32 v9, v9;
	v12 =	vor.u32 v0, v6  }
0x51: {  	v6 =	vmul.f32 v5, v5;
	v13 =	vor.u32 $0x1, v12  }
0x52: {  	v14 =	vor.u32 $0x2, v12;
	v7 =	vadd.f32 v7, v8  }
0x53: {  	v10 =	vor.u32 $0x3, v12  }
.Ltmp0:
0x54: {  	v8 =	vadd.f32 v6, v7;
	v6 =	vor.u32 $0x4, v12;
	(pc) =	sbr.rel @p1 .LBB2_2-.Ltmp0, $4  }
0x55: {  	v7 =	vor.u32 $0x5, v12  }
0x56: {  	[tilespmem:v12+s19+$0x0] =	vst.idx.msk $0xffff, v8;
	v8 =	vor.u32 $0x6, v12  }
0x57: {  	[tilespmem:v13+s19+$0x0] =	vst.idx.msk $0xffff, v9;
	v9 =	vor.u32 $0x7, v12  }
0x58: {  	[tilespmem:v14+s19+$0x0] =	vst.idx.msk $0xffff, v11  }
0x59: {  	_ =	sdelay $0x3  }
0x5a: {  	[tilespmem:v10+s19+$0x0] =	vst.idx.msk $0xffff, v5  }
0x5b: {  	[tilespmem:v6+s19+$0x0] =	vst.idx.msk $0xffff, v4  }
0x5c: {  	[tilespmem:v7+s19+$0x0] =	vst.idx.msk $0xffff, v2  }
0x5d: {  	[tilespmem:v8+s19+$0x0] =	vst.idx.msk $0xffff, v3  }
0x5e: {  	[tilespmem:v9+s19+$0x0] =	vst.idx.msk $0xffff, v1  }
0x5f: {  	[hbm4b:s9+s3] =	stream.linear.scatter [tilespmem:s19], [sflag:$0x1], $0xA000, $0x38;
	[tilespmem:$0x140F8] =	vst v63  }
0x60: {  	_ =	swait.ge [sflag:s13], $0xA000  }
0x61: {  	[sflag:s13] =	ssyncset.done $0x0  }
0x62: {  	s20 =	sadd.s32 $0x1, s20;
	[sflag:s13] =	ssyncadd.s32 $0xFFFF6000  }
0x63: {  	s21 =	simm.s32 @!p0 $0x1C01;
	p1 =	sne.s32 s20, s11;
	[bflag:$0x0] =	sbarrier.arrive $0xFFFF  }
0x64: {  	[hbm:s10], [sflag:s21] =	dma.local @!p0 [spmem:s17], $0x4F0  }
.Ltmp1:
0x65: {  	_ = 	snop;
	(pc) =	sbr.rel @p1 .LBB2_1-.Ltmp1, $4  }
0x66: {  	s21 =	simm.s32 @!p0 $0x1  }
0x67: {  	_ =	swait.ge @!p0 [sflag:s21], $0x4F0  }
0x68: {  	[sflag:s21] =	ssyncset.done @!p0 $0x0  }
0x69: {  	[sflag:s21] =	ssyncadd.s32 @!p0 $0xFFFFFB10  }
0x6a: {  	_ =	sfence.sel $0x180000  }
0x6b: {  	[bflag:$0x0] =	sbarrier.arrive $0xFFFF  }
0x6c: {  	_ =	strace $0x90000047  }
0x6d: {  	s0 =	sadd.s32 @!p0 $0x100000, s0;
	[bflag:$0x2] =	sbarrier.arrive $0xFFFF  }
0x6e: {  	[sflag:s0] =	ssyncadd.tile.s32 @!p0 $0x1;
	_ =	shalt  }
.Lfunc_end2:
_tile_overlayer_lowered:
.L_overlay_start_2:
0x6f: {  	(tag) =	ssettag $0x2  }
0x70: {  	s0 =	rddreg [dreg:$0x0];
	s2 =	stileid.u32  }
0x71: {  	s1 =	rddreg [dreg:$0x1];
	p0 =	sne.s32 s2, $0x0  }
0x72: {  	s3 =	rddreg [dreg:$0x2];
	[bflag:$0x3] =	sbarrier.arrive $0xFFFF;
	s2 =	simm.s32 @!p0 $0x1C01  }
0x73: {  	[timem:s3], [sflag:s2] =	dma.local @!p0 [hbm:s0], s1  }
0x74: {  	s0 =	simm.s32 @!p0 $0x1  }
0x75: {  	_ =	swait.ge @!p0 [sflag:s0], s1  }
0x76: {  	s1 =	ssub.s32 @!p0 $0x0, s1;
	[sflag:s0] =	ssyncset.done @!p0 $0x0  }
0x77: {  	[sflag:s0] =	ssyncadd.s32 @!p0 s1  }
0x78: {  	[bflag:$0x3] =	sbarrier.arrive $0xFFFF  }
0x79: {  	_ =	shalt  }

</sc_bundles>
